<compile_context>
chip_gen: v7x
topology: tpu7x:2x2x1
jax: 0.10.2.dev20260603
libtpu: 0.0.44.dev20260713+nightly
codegen_flags: <defaults>
</compile_context>

<pallas_src>
import functools

import jax
import jax.numpy as jnp
from jax import lax
from jax.experimental import pallas as pl
from jax.experimental.pallas import tpu as pltpu
from jax.experimental.pallas import tpu_sc as plsc

B = 16384
D = 32
L = 16
OUT_D = 3 * D


def kernel(gender_idx, age_idx, occupation_idx, W_gender, W_age, W_occupation):
    info = plsc.get_sparse_core_info()
    nw = info.num_cores * info.num_subcores
    b_per_w = B // nw
    n_groups = b_per_w // L
    mesh = plsc.VectorSubcoreMesh(core_axis_name="c", subcore_axis_name="s")

    @functools.partial(
        pl.kernel,
        mesh=mesh,
        out_type=jax.ShapeDtypeStruct((B, OUT_D), jnp.float32),
        compiler_params=pltpu.CompilerParams(needs_layout_passes=False,
                                             disable_bounds_checks=True,
                                             disable_semaphore_checks=True),
        scratch_types=[
            pltpu.VMEM((b_per_w,), jnp.int32),
            pltpu.VMEM((b_per_w,), jnp.int32),
            pltpu.VMEM((b_per_w,), jnp.int32),
            pltpu.VMEM((2, D), jnp.float32),
            pltpu.VMEM((7, D), jnp.float32),
            pltpu.VMEM((21, D), jnp.float32),
            pltpu.VMEM((b_per_w, OUT_D), jnp.float32),
            pltpu.SemaphoreType.DMA,
            pltpu.SemaphoreType.DMA,
        ],
    )
    def emb(g_hbm, a_hbm, o_hbm, wg_hbm, wa_hbm, wo_hbm, out_hbm,
            gi_v, ai_v, oi_v, tg_v, ta_v, to_v, stage_v, sem_in, sem_out):
        wid = lax.axis_index("s") * info.num_cores + lax.axis_index("c")
        base = wid * b_per_w
        copies = [
            pltpu.async_copy(g_hbm.at[pl.ds(base, b_per_w)], gi_v, sem_in),
            pltpu.async_copy(a_hbm.at[pl.ds(base, b_per_w)], ai_v, sem_in),
            pltpu.async_copy(o_hbm.at[pl.ds(base, b_per_w)], oi_v, sem_in),
            pltpu.async_copy(wg_hbm, tg_v, sem_in),
            pltpu.async_copy(wa_hbm, ta_v, sem_in),
            pltpu.async_copy(wo_hbm, to_v, sem_in),
        ]
        for c in copies:
            c.wait()

        n_chunks = 1
        gpc = n_groups // n_chunks
        rows_pc = gpc * L
        out_copies = []
        for chunk in range(n_chunks):

            @plsc.parallel_loop(chunk * gpc, (chunk + 1) * gpc, step=1,
                                unroll=1)
            def body(i):
                rows = (gi_v[pl.ds(i * L, L)],
                        ai_v[pl.ds(i * L, L)],
                        oi_v[pl.ds(i * L, L)])
                for l in range(L):
                    bidx = i * L + l
                    for f, t_v in enumerate((tg_v, ta_v, to_v)):
                        row = rows[f][l]
                        for h in range(2):
                            val = t_v[row, pl.ds(h * L, L)]
                            stage_v[bidx, pl.ds(f * D + h * L, L)] = val

            out_copies.append(pltpu.async_copy(
                stage_v.at[pl.ds(chunk * rows_pc, rows_pc)],
                out_hbm.at[pl.ds(base + chunk * rows_pc, rows_pc)],
                sem_out))
        for c in out_copies:
            c.wait()

    return emb(gender_idx, age_idx, occupation_idx,
               W_gender, W_age, W_occupation)

# --- scband reference (transcript-rebuilt; emitter-appended) ---
"""Pipeline reference for scband-user-51161650430602 (READ-ONLY COPY).

The authoritative reference and input builder live on the scoring server;
editing this copy changes nothing except your own understanding.
"""

import jax, jax.numpy as jnp
import numpy as np

B = 16384
D = 32
NUM_GENDER = 2
NUM_AGE = 7
NUM_OCC = 21


def setup_inputs(seed: int = 0) -> dict:
    key = jax.random.key(seed)
    k1, k2, k3, k4, k5, k6 = jax.random.split(key, 6)
    return {
        "gender_idx": jax.random.randint(k1, (B,), 0, NUM_GENDER, dtype=jnp.int64 if jax.config.jax_enable_x64 else jnp.int32),
        "age_idx": jax.random.randint(k2, (B,), 0, NUM_AGE, dtype=jnp.int64 if jax.config.jax_enable_x64 else jnp.int32),
        "occupation_idx": jax.random.randint(k3, (B,), 0, NUM_OCC, dtype=jnp.int64 if jax.config.jax_enable_x64 else jnp.int32),
        "W_gender": jax.random.normal(k4, (NUM_GENDER, D), dtype=jnp.float32) * 0.01,
        "W_age": jax.random.normal(k5, (NUM_AGE, D), dtype=jnp.float32) * 0.01,
        "W_occupation": jax.random.normal(k6, (NUM_OCC, D), dtype=jnp.float32) * 0.01,
    }


def reference(gender_idx, age_idx, occupation_idx, W_gender, W_age, W_occupation):
    # Faithful translation of the user-embedding module: three nn.Embedding
    # lookups whose results are concatenated along the feature dim.
    emb_gender = jnp.take(W_gender, gender_idx, axis=0)
    emb_age = jnp.take(W_age, age_idx, axis=0)
    emb_occupation = jnp.take(W_occupation, occupation_idx, axis=0)
    return jnp.concatenate([emb_gender, emb_age, emb_occupation], axis=1)

if __name__ == "__main__":
    import jax
    _d = setup_inputs()
    print(jax.jit(kernel)(*tuple(_d.values())))

</pallas_src>

<mosaic_0001>
#map = affine_map<(d0, d1) -> (0)>
#map1 = affine_map<(d0, d1) -> (0, 0)>
module attributes {stable_mosaic.version = 14 : i64} {
  func.func @emb(%arg0: i32, %arg1: i32, %arg2: memref<16384xi32, #tpu.memory_space<hbm>>, %arg3: memref<16384xi32, #tpu.memory_space<hbm>>, %arg4: memref<16384xi32, #tpu.memory_space<hbm>>, %arg5: memref<2x32xf32, #tpu.memory_space<hbm>>, %arg6: memref<7x32xf32, #tpu.memory_space<hbm>>, %arg7: memref<21x32xf32, #tpu.memory_space<hbm>>, %arg8: memref<16384x96xf32, #tpu.memory_space<hbm>>, %arg9: memref<512xi32, #tpu.memory_space<vmem>>, %arg10: memref<512xi32, #tpu.memory_space<vmem>>, %arg11: memref<512xi32, #tpu.memory_space<vmem>>, %arg12: memref<2x32xf32, #tpu.memory_space<vmem>>, %arg13: memref<7x32xf32, #tpu.memory_space<vmem>>, %arg14: memref<21x32xf32, #tpu.memory_space<vmem>>, %arg15: memref<512x96xf32, #tpu.memory_space<vmem>>, %arg16: memref<!tpu.dma_semaphore, #tpu.memory_space<semaphore_mem>>, %arg17: memref<!tpu.dma_semaphore, #tpu.memory_space<semaphore_mem>>) attributes {dimension_semantics = [#tpu.dimension_semantics<core_parallel>, #tpu.dimension_semantics<subcore_parallel>], iteration_bounds = array<i64: 2, 16>, scalar_prefetch = 0 : i64, scratch_operands = 9 : i64, tpu.core_type = #tpu.core_type<sc_vector_subcore>, window_params = [{transform_indices = #map}, {transform_indices = #map}, {transform_indices = #map}, {transform_indices = #map1}, {transform_indices = #map1}, {transform_indices = #map1}, {transform_indices = #map1}]} {
    %mul3A = arith.constant 2 : i32
    %mul3A_0 = arith.muli %arg1, %mul3A : i32
    %add3A = arith.addi %mul3A_0, %arg0 : i32
    %mul3A_1 = arith.constant 512 : i32
    %mul3A_2 = arith.muli %add3A, %mul3A_1 : i32
    %dma_start3A = tpu.memref_slice %arg2[%mul3A_2] : memref<16384xi32, #tpu.memory_space<hbm>> -> memref<512xi32, #tpu.memory_space<hbm>>
    %dma_start3A_3 = tpu.memref_slice %arg2[%mul3A_2] : memref<16384xi32, #tpu.memory_space<hbm>> -> memref<512xi32, #tpu.memory_space<hbm>>
    tpu.enqueue_dma source(%dma_start3A_3 : memref<512xi32, #tpu.memory_space<hbm>>) target(%arg9 : memref<512xi32, #tpu.memory_space<vmem>>) target_semaphore(%arg16 : memref<!tpu.dma_semaphore, #tpu.memory_space<semaphore_mem>>)
    %dma_start3A_4 = tpu.memref_slice %arg3[%mul3A_2] : memref<16384xi32, #tpu.memory_space<hbm>> -> memref<512xi32, #tpu.memory_space<hbm>>
    %dma_start3A_5 = tpu.memref_slice %arg3[%mul3A_2] : memref<16384xi32, #tpu.memory_space<hbm>> -> memref<512xi32, #tpu.memory_space<hbm>>
    tpu.enqueue_dma source(%dma_start3A_5 : memref<512xi32, #tpu.memory_space<hbm>>) target(%arg10 : memref<512xi32, #tpu.memory_space<vmem>>) target_semaphore(%arg16 : memref<!tpu.dma_semaphore, #tpu.memory_space<semaphore_mem>>)
    %dma_start3A_6 = tpu.memref_slice %arg4[%mul3A_2] : memref<16384xi32, #tpu.memory_space<hbm>> -> memref<512xi32, #tpu.memory_space<hbm>>
    %dma_start3A_7 = tpu.memref_slice %arg4[%mul3A_2] : memref<16384xi32, #tpu.memory_space<hbm>> -> memref<512xi32, #tpu.memory_space<hbm>>
    tpu.enqueue_dma source(%dma_start3A_7 : memref<512xi32, #tpu.memory_space<hbm>>) target(%arg11 : memref<512xi32, #tpu.memory_space<vmem>>) target_semaphore(%arg16 : memref<!tpu.dma_semaphore, #tpu.memory_space<semaphore_mem>>)
    tpu.enqueue_dma source(%arg5 : memref<2x32xf32, #tpu.memory_space<hbm>>) target(%arg12 : memref<2x32xf32, #tpu.memory_space<vmem>>) target_semaphore(%arg16 : memref<!tpu.dma_semaphore, #tpu.memory_space<semaphore_mem>>)
    tpu.enqueue_dma source(%arg6 : memref<7x32xf32, #tpu.memory_space<hbm>>) target(%arg13 : memref<7x32xf32, #tpu.memory_space<vmem>>) target_semaphore(%arg16 : memref<!tpu.dma_semaphore, #tpu.memory_space<semaphore_mem>>)
    tpu.enqueue_dma source(%arg7 : memref<21x32xf32, #tpu.memory_space<hbm>>) target(%arg14 : memref<21x32xf32, #tpu.memory_space<vmem>>) target_semaphore(%arg16 : memref<!tpu.dma_semaphore, #tpu.memory_space<semaphore_mem>>)
    %dma_wait3A = tpu.memref_slice %arg2[%mul3A_2] : memref<16384xi32, #tpu.memory_space<hbm>> -> memref<512xi32, #tpu.memory_space<hbm>>
    %dma_wait3A_8 = tpu.memref_slice %arg2[%mul3A_2] : memref<16384xi32, #tpu.memory_space<hbm>> -> memref<512xi32, #tpu.memory_space<hbm>>
    tpu.wait_dma2 semaphore(%arg16 : memref<!tpu.dma_semaphore, #tpu.memory_space<semaphore_mem>>) src(%dma_wait3A_8 : memref<512xi32, #tpu.memory_space<hbm>>) dst(%arg9 : memref<512xi32, #tpu.memory_space<vmem>>)
    %dma_wait3A_9 = tpu.memref_slice %arg3[%mul3A_2] : memref<16384xi32, #tpu.memory_space<hbm>> -> memref<512xi32, #tpu.memory_space<hbm>>
    %dma_wait3A_10 = tpu.memref_slice %arg3[%mul3A_2] : memref<16384xi32, #tpu.memory_space<hbm>> -> memref<512xi32, #tpu.memory_space<hbm>>
    tpu.wait_dma2 semaphore(%arg16 : memref<!tpu.dma_semaphore, #tpu.memory_space<semaphore_mem>>) src(%dma_wait3A_10 : memref<512xi32, #tpu.memory_space<hbm>>) dst(%arg10 : memref<512xi32, #tpu.memory_space<vmem>>)
    %dma_wait3A_11 = tpu.memref_slice %arg4[%mul3A_2] : memref<16384xi32, #tpu.memory_space<hbm>> -> memref<512xi32, #tpu.memory_space<hbm>>
    %dma_wait3A_12 = tpu.memref_slice %arg4[%mul3A_2] : memref<16384xi32, #tpu.memory_space<hbm>> -> memref<512xi32, #tpu.memory_space<hbm>>
    tpu.wait_dma2 semaphore(%arg16 : memref<!tpu.dma_semaphore, #tpu.memory_space<semaphore_mem>>) src(%dma_wait3A_12 : memref<512xi32, #tpu.memory_space<hbm>>) dst(%arg11 : memref<512xi32, #tpu.memory_space<vmem>>)
    tpu.wait_dma2 semaphore(%arg16 : memref<!tpu.dma_semaphore, #tpu.memory_space<semaphore_mem>>) src(%arg5 : memref<2x32xf32, #tpu.memory_space<hbm>>) dst(%arg12 : memref<2x32xf32, #tpu.memory_space<vmem>>)
    tpu.wait_dma2 semaphore(%arg16 : memref<!tpu.dma_semaphore, #tpu.memory_space<semaphore_mem>>) src(%arg6 : memref<7x32xf32, #tpu.memory_space<hbm>>) dst(%arg13 : memref<7x32xf32, #tpu.memory_space<vmem>>)
    tpu.wait_dma2 semaphore(%arg16 : memref<!tpu.dma_semaphore, #tpu.memory_space<semaphore_mem>>) src(%arg7 : memref<21x32xf32, #tpu.memory_space<hbm>>) dst(%arg14 : memref<21x32xf32, #tpu.memory_space<vmem>>)
    %parallel_loop3A = arith.constant 0 : i32
    %parallel_loop3A_13 = arith.constant 32 : i32
    %parallel_loop3A_14 = arith.constant 1 : i32
    scf.for %parallel_loop3A_37 = %parallel_loop3A to %parallel_loop3A_13 step %parallel_loop3A_14  : i32 {
      %parallel_loop3A_38 = arith.constant 16 : i32
      %parallel_loop3A_39 = arith.muli %parallel_loop3A_37, %parallel_loop3A_38 : i32
      %parallel_loop3A_40 = arith.index_cast %parallel_loop3A_39 : i32 to index
      %parallel_loop3A_41 = tpu.vector_load %arg9[%parallel_loop3A_40] {strides = array<i32>} : memref<512xi32, #tpu.memory_space<vmem>>, vector<16xi32>,
      %parallel_loop3A_42 = arith.constant 16 : i32
      %parallel_loop3A_43 = arith.muli %parallel_loop3A_37, %parallel_loop3A_42 : i32
      %parallel_loop3A_44 = arith.index_cast %parallel_loop3A_43 : i32 to index
      %parallel_loop3A_45 = tpu.vector_load %arg10[%parallel_loop3A_44] {strides = array<i32>} : memref<512xi32, #tpu.memory_space<vmem>>, vector<16xi32>,
      %parallel_loop3A_46 = arith.constant 16 : i32
      %parallel_loop3A_47 = arith.muli %parallel_loop3A_37, %parallel_loop3A_46 : i32
      %parallel_loop3A_48 = arith.index_cast %parallel_loop3A_47 : i32 to index
      %parallel_loop3A_49 = tpu.vector_load %arg11[%parallel_loop3A_48] {strides = array<i32>} : memref<512xi32, #tpu.memory_space<vmem>>, vector<16xi32>,
      %parallel_loop3A_50 = arith.constant 16 : i32
      %parallel_loop3A_51 = arith.muli %parallel_loop3A_37, %parallel_loop3A_50 : i32
      %parallel_loop3A_52 = arith.constant 0 : i32
      %parallel_loop3A_53 = arith.addi %parallel_loop3A_51, %parallel_loop3A_52 : i32
      %parallel_loop3A_54 = vector.extract_strided_slice %parallel_loop3A_41 {offsets = [0], sizes = [1], strides = [1]} : vector<16xi32> to vector<1xi32>
      %parallel_loop3A_55 = vector.extract %parallel_loop3A_54[0] : i32 from vector<1xi32>
      %parallel_loop3A_56 = arith.index_cast %parallel_loop3A_55 : i32 to index
      %parallel_loop3A_57 = arith.constant 0 : index
      %parallel_loop3A_58 = tpu.vector_load %arg12[%parallel_loop3A_56, %parallel_loop3A_57] {strides = array<i32>} : memref<2x32xf32, #tpu.memory_space<vmem>>, vector<16xf32>,
      %parallel_loop3A_59 = arith.index_cast %parallel_loop3A_53 : i32 to index
      %parallel_loop3A_60 = arith.constant 0 : index
      %parallel_loop3A_61 = tpu.vector_load %arg15[%parallel_loop3A_59, %parallel_loop3A_60] {strides = array<i32>} : memref<512x96xf32, #tpu.memory_space<vmem>>, vector<16xf32>,
      tpu.vector_store %arg15[%parallel_loop3A_59, %parallel_loop3A_60], %parallel_loop3A_58 {strides = array<i32>} : memref<512x96xf32, #tpu.memory_space<vmem>>, vector<16xf32>,
      %parallel_loop3A_62 = arith.index_cast %parallel_loop3A_55 : i32 to index
      %parallel_loop3A_63 = arith.constant 16 : index
      %parallel_loop3A_64 = tpu.vector_load %arg12[%parallel_loop3A_62, %parallel_loop3A_63] {strides = array<i32>} : memref<2x32xf32, #tpu.memory_space<vmem>>, vector<16xf32>,
      %parallel_loop3A_65 = arith.index_cast %parallel_loop3A_53 : i32 to index
      %parallel_loop3A_66 = arith.constant 16 : index
      %parallel_loop3A_67 = tpu.vector_load %arg15[%parallel_loop3A_65, %parallel_loop3A_66] {strides = array<i32>} : memref<512x96xf32, #tpu.memory_space<vmem>>, vector<16xf32>,
      tpu.vector_store %arg15[%parallel_loop3A_65, %parallel_loop3A_66], %parallel_loop3A_64 {strides = array<i32>} : memref<512x96xf32, #tpu.memory_space<vmem>>, vector<16xf32>,
      %parallel_loop3A_68 = vector.extract_strided_slice %parallel_loop3A_45 {offsets = [0], sizes = [1], strides = [1]} : vector<16xi32> to vector<1xi32>
      %parallel_loop3A_69 = vector.extract %parallel_loop3A_68[0] : i32 from vector<1xi32>
      %parallel_loop3A_70 = arith.index_cast %parallel_loop3A_69 : i32 to index
      %parallel_loop3A_71 = arith.constant 0 : index
      %parallel_loop3A_72 = tpu.vector_load %arg13[%parallel_loop3A_70, %parallel_loop3A_71] {strides = array<i32>} : memref<7x32xf32, #tpu.memory_space<vmem>>, vector<16xf32>,
      %parallel_loop3A_73 = arith.index_cast %parallel_loop3A_53 : i32 to index
      %parallel_loop3A_74 = arith.constant 32 : index
      %parallel_loop3A_75 = tpu.vector_load %arg15[%parallel_loop3A_73, %parallel_loop3A_74] {strides = array<i32>} : memref<512x96xf32, #tpu.memory_space<vmem>>, vector<16xf32>,
      tpu.vector_store %arg15[%parallel_loop3A_73, %parallel_loop3A_74], %parallel_loop3A_72 {strides = array<i32>} : memref<512x96xf32, #tpu.memory_space<vmem>>, vector<16xf32>,
      %parallel_loop3A_76 = arith.index_cast %parallel_loop3A_69 : i32 to index
      %parallel_loop3A_77 = arith.constant 16 : index
      %parallel_loop3A_78 = tpu.vector_load %arg13[%parallel_loop3A_76, %parallel_loop3A_77] {strides = array<i32>} : memref<7x32xf32, #tpu.memory_space<vmem>>, vector<16xf32>,
      %parallel_loop3A_79 = arith.index_cast %parallel_loop3A_53 : i32 to index
      %parallel_loop3A_80 = arith.constant 48 : index
      %parallel_loop3A_81 = tpu.vector_load %arg15[%parallel_loop3A_79, %parallel_loop3A_80] {strides = array<i32>} : memref<512x96xf32, #tpu.memory_space<vmem>>, vector<16xf32>,
      tpu.vector_store %arg15[%parallel_loop3A_79, %parallel_loop3A_80], %parallel_loop3A_78 {strides = array<i32>} : memref<512x96xf32, #tpu.memory_space<vmem>>, vector<16xf32>,
      %parallel_loop3A_82 = vector.extract_strided_slice %parallel_loop3A_49 {offsets = [0], sizes = [1], strides = [1]} : vector<16xi32> to vector<1xi32>
      %parallel_loop3A_83 = vector.extract %parallel_loop3A_82[0] : i32 from vector<1xi32>
      %parallel_loop3A_84 = arith.index_cast %parallel_loop3A_83 : i32 to index
      %parallel_loop3A_85 = arith.constant 0 : index
      %parallel_loop3A_86 = tpu.vector_load %arg14[%parallel_loop3A_84, %parallel_loop3A_85] {strides = array<i32>} : memref<21x32xf32, #tpu.memory_space<vmem>>, vector<16xf32>,
      %parallel_loop3A_87 = arith.index_cast %parallel_loop3A_53 : i32 to index
      %parallel_loop3A_88 = arith.constant 64 : index
      %parallel_loop3A_89 = tpu.vector_load %arg15[%parallel_loop3A_87, %parallel_loop3A_88] {strides = array<i32>} : memref<512x96xf32, #tpu.memory_space<vmem>>, vector<16xf32>,
      tpu.vector_store %arg15[%parallel_loop3A_87, %parallel_loop3A_88], %parallel_loop3A_86 {strides = array<i32>} : memref<512x96xf32, #tpu.memory_space<vmem>>, vector<16xf32>,
      %parallel_loop3A_90 = arith.index_cast %parallel_loop3A_83 : i32 to index
      %parallel_loop3A_91 = arith.constant 16 : index
      %parallel_loop3A_92 = tpu.vector_load %arg14[%parallel_loop3A_90, %parallel_loop3A_91] {strides = array<i32>} : memref<21x32xf32, #tpu.memory_space<vmem>>, vector<16xf32>,
      %parallel_loop3A_93 = arith.index_cast %parallel_loop3A_53 : i32 to index
      %parallel_loop3A_94 = arith.constant 80 : index
      %parallel_loop3A_95 = tpu.vector_load %arg15[%parallel_loop3A_93, %parallel_loop3A_94] {strides = array<i32>} : memref<512x96xf32, #tpu.memory_space<vmem>>, vector<16xf32>,
      tpu.vector_store %arg15[%parallel_loop3A_93, %parallel_loop3A_94], %parallel_loop3A_92 {strides = array<i32>} : memref<512x96xf32, #tpu.memory_space<vmem>>, vector<16xf32>,
      %parallel_loop3A_96 = arith.constant 16 : i32
      %parallel_loop3A_97 = arith.muli %parallel_loop3A_37, %parallel_loop3A_96 : i32
      %parallel_loop3A_98 = arith.constant 1 : i32
      %parallel_loop3A_99 = arith.addi %parallel_loop3A_97, %parallel_loop3A_98 : i32
      %parallel_loop3A_100 = vector.extract_strided_slice %parallel_loop3A_41 {offsets = [1], sizes = [1], strides = [1]} : vector<16xi32> to vector<1xi32>
      %parallel_loop3A_101 = vector.extract %parallel_loop3A_100[0] : i32 from vector<1xi32>
      %parallel_loop3A_102 = arith.index_cast %parallel_loop3A_101 : i32 to index
      %parallel_loop3A_103 = arith.constant 0 : index
      %parallel_loop3A_104 = tpu.vector_load %arg12[%parallel_loop3A_102, %parallel_loop3A_103] {strides = array<i32>} : memref<2x32xf32, #tpu.memory_space<vmem>>, vector<16xf32>,
      %parallel_loop3A_105 = arith.index_cast %parallel_loop3A_99 : i32 to index
      %parallel_loop3A_106 = arith.constant 0 : index
      %parallel_loop3A_107 = tpu.vector_load %arg15[%parallel_loop3A_105, %parallel_loop3A_106] {strides = array<i32>} : memref<512x96xf32, #tpu.memory_space<vmem>>, vector<16xf32>,
      tpu.vector_store %arg15[%parallel_loop3A_105, %parallel_loop3A_106], %parallel_loop3A_104 {strides = array<i32>} : memref<512x96xf32, #tpu.memory_space<vmem>>, vector<16xf32>,
      %parallel_loop3A_108 = arith.index_cast %parallel_loop3A_101 : i32 to index
      %parallel_loop3A_109 = arith.constant 16 : index
      %parallel_loop3A_110 = tpu.vector_load %arg12[%parallel_loop3A_108, %parallel_loop3A_109] {strides = array<i32>} : memref<2x32xf32, #tpu.memory_space<vmem>>, vector<16xf32>,
      %parallel_loop3A_111 = arith.index_cast %parallel_loop3A_99 : i32 to index
      %parallel_loop3A_112 = arith.constant 16 : index
      %parallel_loop3A_113 = tpu.vector_load %arg15[%parallel_loop3A_111, %parallel_loop3A_112] {strides = array<i32>} : memref<512x96xf32, #tpu.memory_space<vmem>>, vector<16xf32>,
      tpu.vector_store %arg15[%parallel_loop3A_111, %parallel_loop3A_112], %parallel_loop3A_110 {strides = array<i32>} : memref<512x96xf32, #tpu.memory_space<vmem>>, vector<16xf32>,
      %parallel_loop3A_114 = vector.extract_strided_slice %parallel_loop3A_45 {offsets = [1], sizes = [1], strides = [1]} : vector<16xi32> to vector<1xi32>
      %parallel_loop3A_115 = vector.extract %parallel_loop3A_114[0] : i32 from vector<1xi32>
      %parallel_loop3A_116 = arith.index_cast %parallel_loop3A_115 : i32 to index
      %parallel_loop3A_117 = arith.constant 0 : index
      %parallel_loop3A_118 = tpu.vector_load %arg13[%parallel_loop3A_116, %parallel_loop3A_117] {strides = array<i32>} : memref<7x32xf32, #tpu.memory_space<vmem>>, vector<16xf32>,
      %parallel_loop3A_119 = arith.index_cast %parallel_loop3A_99 : i32 to index
      %parallel_loop3A_120 = arith.constant 32 : index
      %parallel_loop3A_121 = tpu.vector_load %arg15[%parallel_loop3A_119, %parallel_loop3A_120] {strides = array<i32>} : memref<512x96xf32, #tpu.memory_space<vmem>>, vector<16xf32>,
      tpu.vector_store %arg15[%parallel_loop3A_119, %parallel_loop3A_120], %parallel_loop3A_118 {strides = array<i32>} : memref<512x96xf32, #tpu.memory_space<vmem>>, vector<16xf32>,
      %parallel_loop3A_122 = arith.index_cast %parallel_loop3A_115 : i32 to index
      %parallel_loop3A_123 = arith.constant 16 : index
      %parallel_loop3A_124 = tpu.vector_load %arg13[%parallel_loop3A_122, %parallel_loop3A_123] {strides = array<i32>} : memref<7x32xf32, #tpu.memory_space<vmem>>, vector<16xf32>,
      %parallel_loop3A_125 = arith.index_cast %parallel_loop3A_99 : i32 to index
      %parallel_loop3A_126 = arith.constant 48 : index
      %parallel_loop3A_127 = tpu.vector_load %arg15[%parallel_loop3A_125, %parallel_loop3A_126] {strides = array<i32>} : memref<512x96xf32, #tpu.memory_space<vmem>>, vector<16xf32>,
      tpu.vector_store %arg15[%parallel_loop3A_125, %parallel_loop3A_126], %parallel_loop3A_124 {strides = array<i32>} : memref<512x96xf32, #tpu.memory_space<vmem>>, vector<16xf32>,
      %parallel_loop3A_128 = vector.extract_strided_slice %parallel_loop3A_49 {offsets = [1], sizes = [1], strides = [1]} : vector<16xi32> to vector<1xi32>
      %parallel_loop3A_129 = vector.extract %parallel_loop3A_128[0] : i32 from vector<1xi32>
      %parallel_loop3A_130 = arith.index_cast %parallel_loop3A_129 : i32 to index
      %parallel_loop3A_131 = arith.constant 0 : index
      %parallel_loop3A_132 = tpu.vector_load %arg14[%parallel_loop3A_130, %parallel_loop3A_131] {strides = array<i32>} : memref<21x32xf32, #tpu.memory_space<vmem>>, vector<16xf32>,
      %parallel_loop3A_133 = arith.index_cast %parallel_loop3A_99 : i32 to index
      %parallel_loop3A_134 = arith.constant 64 : index
      %parallel_loop3A_135 = tpu.vector_load %arg15[%parallel_loop3A_133, %parallel_loop3A_134] {strides = array<i32>} : memref<512x96xf32, #tpu.memory_space<vmem>>, vector<16xf32>,
      tpu.vector_store %arg15[%parallel_loop3A_133, %parallel_loop3A_134], %parallel_loop3A_132 {strides = array<i32>} : memref<512x96xf32, #tpu.memory_space<vmem>>, vector<16xf32>,
      %parallel_loop3A_136 = arith.index_cast %parallel_loop3A_129 : i32 to index
      %parallel_loop3A_137 = arith.constant 16 : index
      %parallel_loop3A_138 = tpu.vector_load %arg14[%parallel_loop3A_136, %parallel_loop3A_137] {strides = array<i32>} : memref<21x32xf32, #tpu.memory_space<vmem>>, vector<16xf32>,
      %parallel_loop3A_139 = arith.index_cast %parallel_loop3A_99 : i32 to index
      %parallel_loop3A_140 = arith.constant 80 : index
      %parallel_loop3A_141 = tpu.vector_load %arg15[%parallel_loop3A_139, %parallel_loop3A_140] {strides = array<i32>} : memref<512x96xf32, #tpu.memory_space<vmem>>, vector<16xf32>,
      tpu.vector_store %arg15[%parallel_loop3A_139, %parallel_loop3A_140], %parallel_loop3A_138 {strides = array<i32>} : memref<512x96xf32, #tpu.memory_space<vmem>>, vector<16xf32>,
      %parallel_loop3A_142 = arith.constant 16 : i32
      %parallel_loop3A_143 = arith.muli %parallel_loop3A_37, %parallel_loop3A_142 : i32
      %parallel_loop3A_144 = arith.constant 2 : i32
      %parallel_loop3A_145 = arith.addi %parallel_loop3A_143, %parallel_loop3A_144 : i32
      %parallel_loop3A_146 = vector.extract_strided_slice %parallel_loop3A_41 {offsets = [2], sizes = [1], strides = [1]} : vector<16xi32> to vector<1xi32>
      %parallel_loop3A_147 = vector.extract %parallel_loop3A_146[0] : i32 from vector<1xi32>
      %parallel_loop3A_148 = arith.index_cast %parallel_loop3A_147 : i32 to index
      %parallel_loop3A_149 = arith.constant 0 : index
      %parallel_loop3A_150 = tpu.vector_load %arg12[%parallel_loop3A_148, %parallel_loop3A_149] {strides = array<i32>} : memref<2x32xf32, #tpu.memory_space<vmem>>, vector<16xf32>,
      %parallel_loop3A_151 = arith.index_cast %parallel_loop3A_145 : i32 to index
      %parallel_loop3A_152 = arith.constant 0 : index
      %parallel_loop3A_153 = tpu.vector_load %arg15[%parallel_loop3A_151, %parallel_loop3A_152] {strides = array<i32>} : memref<512x96xf32, #tpu.memory_space<vmem>>, vector<16xf32>,
      tpu.vector_store %arg15[%parallel_loop3A_151, %parallel_loop3A_152], %parallel_loop3A_150 {strides = array<i32>} : memref<512x96xf32, #tpu.memory_space<vmem>>, vector<16xf32>,
      %parallel_loop3A_154 = arith.index_cast %parallel_loop3A_147 : i32 to index
      %parallel_loop3A_155 = arith.constant 16 : index
      %parallel_loop3A_156 = tpu.vector_load %arg12[%parallel_loop3A_154, %parallel_loop3A_155] {strides = array<i32>} : memref<2x32xf32, #tpu.memory_space<vmem>>, vector<16xf32>,
      %parallel_loop3A_157 = arith.index_cast %parallel_loop3A_145 : i32 to index
      %parallel_loop3A_158 = arith.constant 16 : index
      %parallel_loop3A_159 = tpu.vector_load %arg15[%parallel_loop3A_157, %parallel_loop3A_158] {strides = array<i32>} : memref<512x96xf32, #tpu.memory_space<vmem>>, vector<16xf32>,
      tpu.vector_store %arg15[%parallel_loop3A_157, %parallel_loop3A_158], %parallel_loop3A_156 {strides = array<i32>} : memref<512x96xf32, #tpu.memory_space<vmem>>, vector<16xf32>,
      %parallel_loop3A_160 = vector.extract_strided_slice %parallel_loop3A_45 {offsets = [2], sizes = [1], strides = [1]} : vector<16xi32> to vector<1xi32>
      %parallel_loop3A_161 = vector.extract %parallel_loop3A_160[0] : i32 from vector<1xi32>
      %parallel_loop3A_162 = arith.index_cast %parallel_loop3A_161 : i32 to index
      %parallel_loop3A_163 = arith.constant 0 : index
      %parallel_loop3A_164 = tpu.vector_load %arg13[%parallel_loop3A_162, %parallel_loop3A_163] {strides = array<i32>} : memref<7x32xf32, #tpu.memory_space<vmem>>, vector<16xf32>,
      %parallel_loop3A_165 = arith.index_cast %parallel_loop3A_145 : i32 to index
      %parallel_loop3A_166 = arith.constant 32 : index
      %parallel_loop3A_167 = tpu.vector_load %arg15[%parallel_loop3A_165, %parallel_loop3A_166] {strides = array<i32>} : memref<512x96xf32, #tpu.memory_space<vmem>>, vector<16xf32>,
      tpu.vector_store %arg15[%parallel_loop3A_165, %parallel_loop3A_166], %parallel_loop3A_164 {strides = array<i32>} : memref<512x96xf32, #tpu.memory_space<vmem>>, vector<16xf32>,
      %parallel_loop3A_168 = arith.index_cast %parallel_loop3A_161 : i32 to index
      %parallel_loop3A_169 = arith.constant 16 : index
      %parallel_loop3A_170 = tpu.vector_load %arg13[%parallel_loop3A_168, %parallel_loop3A_169] {strides = array<i32>} : memref<7x32xf32, #tpu.memory_space<vmem>>, vector<16xf32>,
      %parallel_loop3A_171 = arith.index_cast %parallel_loop3A_145 : i32 to index
      %parallel_loop3A_172 = arith.constant 48 : index
      %parallel_loop3A_173 = tpu.vector_load %arg15[%parallel_loop3A_171, %parallel_loop3A_172] {strides = array<i32>} : memref<512x96xf32, #tpu.memory_space<vmem>>, vector<16xf32>,
      tpu.vector_store %arg15[%parallel_loop3A_171, %parallel_loop3A_172], %parallel_loop3A_170 {strides = array<i32>} : memref<512x96xf32, #tpu.memory_space<vmem>>, vector<16xf32>,
      %parallel_loop3A_174 = vector.extract_strided_slice %parallel_loop3A_49 {offsets = [2], sizes = [1], strides = [1]} : vector<16xi32> to vector<1xi32>
      %parallel_loop3A_175 = vector.extract %parallel_loop3A_174[0] : i32 from vector<1xi32>
      %parallel_loop3A_176 = arith.index_cast %parallel_loop3A_175 : i32 to index
      %parallel_loop3A_177 = arith.constant 0 : index
      %parallel_loop3A_178 = tpu.vector_load %arg14[%parallel_loop3A_176, %parallel_loop3A_177] {strides = array<i32>} : memref<21x32xf32, #tpu.memory_space<vmem>>, vector<16xf32>,
      %parallel_loop3A_179 = arith.index_cast %parallel_loop3A_145 : i32 to index
      %parallel_loop3A_180 = arith.constant 64 : index
      %parallel_loop3A_181 = tpu.vector_load %arg15[%parallel_loop3A_179, %parallel_loop3A_180] {strides = array<i32>} : memref<512x96xf32, #tpu.memory_space<vmem>>, vector<16xf32>,
      tpu.vector_store %arg15[%parallel_loop3A_179, %parallel_loop3A_180], %parallel_loop3A_178 {strides = array<i32>} : memref<512x96xf32, #tpu.memory_space<vmem>>, vector<16xf32>,
      %parallel_loop3A_182 = arith.index_cast %parallel_loop3A_175 : i32 to index
      %parallel_loop3A_183 = arith.constant 16 : index
      %parallel_loop3A_184 = tpu.vector_load %arg14[%parallel_loop3A_182, %parallel_loop3A_183] {strides = array<i32>} : memref<21x32xf32, #tpu.memory_space<vmem>>, vector<16xf32>,
      %parallel_loop3A_185 = arith.index_cast %parallel_loop3A_145 : i32 to index
      %parallel_loop3A_186 = arith.constant 80 : index
      %parallel_loop3A_187 = tpu.vector_load %arg15[%parallel_loop3A_185, %parallel_loop3A_186] {strides = array<i32>} : memref<512x96xf32, #tpu.memory_space<vmem>>, vector<16xf32>,
      tpu.vector_store %arg15[%parallel_loop3A_185, %parallel_loop3A_186], %parallel_loop3A_184 {strides = array<i32>} : memref<512x96xf32, #tpu.memory_space<vmem>>, vector<16xf32>,
      %parallel_loop3A_188 = arith.constant 16 : i32
      %parallel_loop3A_189 = arith.muli %parallel_loop3A_37, %parallel_loop3A_188 : i32
      %parallel_loop3A_190 = arith.constant 3 : i32
      %parallel_loop3A_191 = arith.addi %parallel_loop3A_189, %parallel_loop3A_190 : i32
      %parallel_loop3A_192 = vector.extract_strided_slice %parallel_loop3A_41 {offsets = [3], sizes = [1], strides = [1]} : vector<16xi32> to vector<1xi32>
      %parallel_loop3A_193 = vector.extract %parallel_loop3A_192[0] : i32 from vector<1xi32>
      %parallel_loop3A_194 = arith.index_cast %parallel_loop3A_193 : i32 to index
      %parallel_loop3A_195 = arith.constant 0 : index
      %parallel_loop3A_196 = tpu.vector_load %arg12[%parallel_loop3A_194, %parallel_loop3A_195] {strides = array<i32>} : memref<2x32xf32, #tpu.memory_space<vmem>>, vector<16xf32>,
      %parallel_loop3A_197 = arith.index_cast %parallel_loop3A_191 : i32 to index
      %parallel_loop3A_198 = arith.constant 0 : index
      %parallel_loop3A_199 = tpu.vector_load %arg15[%parallel_loop3A_197, %parallel_loop3A_198] {strides = array<i32>} : memref<512x96xf32, #tpu.memory_space<vmem>>, vector<16xf32>,
      tpu.vector_store %arg15[%parallel_loop3A_197, %parallel_loop3A_198], %parallel_loop3A_196 {strides = array<i32>} : memref<512x96xf32, #tpu.memory_space<vmem>>, vector<16xf32>,
      %parallel_loop3A_200 = arith.index_cast %parallel_loop3A_193 : i32 to index
      %parallel_loop3A_201 = arith.constant 16 : index
      %parallel_loop3A_202 = tpu.vector_load %arg12[%parallel_loop3A_200, %parallel_loop3A_201] {strides = array<i32>} : memref<2x32xf32, #tpu.memory_space<vmem>>, vector<16xf32>,
      %parallel_loop3A_203 = arith.index_cast %parallel_loop3A_191 : i32 to index
      %parallel_loop3A_204 = arith.constant 16 : index
      %parallel_loop3A_205 = tpu.vector_load %arg15[%parallel_loop3A_203, %parallel_loop3A_204] {strides = array<i32>} : memref<512x96xf32, #tpu.memory_space<vmem>>, vector<16xf32>,
      tpu.vector_store %arg15[%parallel_loop3A_203, %parallel_loop3A_204], %parallel_loop3A_202 {strides = array<i32>} : memref<512x96xf32, #tpu.memory_space<vmem>>, vector<16xf32>,
      %parallel_loop3A_206 = vector.extract_strided_slice %parallel_loop3A_45 {offsets = [3], sizes = [1], strides = [1]} : vector<16xi32> to vector<1xi32>
      %parallel_loop3A_207 = vector.extract %parallel_loop3A_206[0] : i32 from vector<1xi32>
      %parallel_loop3A_208 = arith.index_cast %parallel_loop3A_207 : i32 to index
      %parallel_loop3A_209 = arith.constant 0 : index
      %parallel_loop3A_210 = tpu.vector_load %arg13[%parallel_loop3A_208, %parallel_loop3A_209] {strides = array<i32>} : memref<7x32xf32, #tpu.memory_space<vmem>>, vector<16xf32>,
      %parallel_loop3A_211 = arith.index_cast %parallel_loop3A_191 : i32 to index
      %parallel_loop3A_212 = arith.constant 32 : index
      %parallel_loop3A_213 = tpu.vector_load %arg15[%parallel_loop3A_211, %parallel_loop3A_212] {strides = array<i32>} : memref<512x96xf32, #tpu.memory_space<vmem>>, vector<16xf32>,
      tpu.vector_store %arg15[%parallel_loop3A_211, %parallel_loop3A_212], %parallel_loop3A_210 {strides = array<i32>} : memref<512x96xf32, #tpu.memory_space<vmem>>, vector<16xf32>,
      %parallel_loop3A_214 = arith.index_cast %parallel_loop3A_207 : i32 to index
      %parallel_loop3A_215 = arith.constant 16 : index
      %parallel_loop3A_216 = tpu.vector_load %arg13[%parallel_loop3A_214, %parallel_loop3A_215] {strides = array<i32>} : memref<7x32xf32, #tpu.memory_space<vmem>>, vector<16xf32>,
      %parallel_loop3A_217 = arith.index_cast %parallel_loop3A_191 : i32 to index
      %parallel_loop3A_218 = arith.constant 48 : index
      %parallel_loop3A_219 = tpu.vector_load %arg15[%parallel_loop3A_217, %parallel_loop3A_218] {strides = array<i32>} : memref<512x96xf32, #tpu.memory_space<vmem>>, vector<16xf32>,
      tpu.vector_store %arg15[%parallel_loop3A_217, %parallel_loop3A_218], %parallel_loop3A_216 {strides = array<i32>} : memref<512x96xf32, #tpu.memory_space<vmem>>, vector<16xf32>,
      %parallel_loop3A_220 = vector.extract_strided_slice %parallel_loop3A_49 {offsets = [3], sizes = [1], strides = [1]} : vector<16xi32> to vector<1xi32>
      %parallel_loop3A_221 = vector.extract %parallel_loop3A_220[0] : i32 from vector<1xi32>
      %parallel_loop3A_222 = arith.index_cast %parallel_loop3A_221 : i32 to index
      %parallel_loop3A_223 = arith.constant 0 : index
      %parallel_loop3A_224 = tpu.vector_load %arg14[%parallel_loop3A_222, %parallel_loop3A_223] {strides = array<i32>} : memref<21x32xf32, #tpu.memory_space<vmem>>, vector<16xf32>,
      %parallel_loop3A_225 = arith.index_cast %parallel_loop3A_191 : i32 to index
      %parallel_loop3A_226 = arith.constant 64 : index
      %parallel_loop3A_227 = tpu.vector_load %arg15[%parallel_loop3A_225, %parallel_loop3A_226] {strides = array<i32>} : memref<512x96xf32, #tpu.memory_space<vmem>>, vector<16xf32>,
      tpu.vector_store %arg15[%parallel_loop3A_225, %parallel_loop3A_226], %parallel_loop3A_224 {strides = array<i32>} : memref<512x96xf32, #tpu.memory_space<vmem>>, vector<16xf32>,
      %parallel_loop3A_228 = arith.index_cast %parallel_loop3A_221 : i32 to index
      %parallel_loop3A_229 = arith.constant 16 : index
      %parallel_loop3A_230 = tpu.vector_load %arg14[%parallel_loop3A_228, %parallel_loop3A_229] {strides = array<i32>} : memref<21x32xf32, #tpu.memory_space<vmem>>, vector<16xf32>,
      %parallel_loop3A_231 = arith.index_cast %parallel_loop3A_191 : i32 to index
      %parallel_loop3A_232 = arith.constant 80 : index
      %parallel_loop3A_233 = tpu.vector_load %arg15[%parallel_loop3A_231, %parallel_loop3A_232] {strides = array<i32>} : memref<512x96xf32, #tpu.memory_space<vmem>>, vector<16xf32>,
      tpu.vector_store %arg15[%parallel_loop3A_231, %parallel_loop3A_232], %parallel_loop3A_230 {strides = array<i32>} : memref<512x96xf32, #tpu.memory_space<vmem>>, vector<16xf32>,
      %parallel_loop3A_234 = arith.constant 16 : i32
      %parallel_loop3A_235 = arith.muli %parallel_loop3A_37, %parallel_loop3A_234 : i32
      %parallel_loop3A_236 = arith.constant 4 : i32
      %parallel_loop3A_237 = arith.addi %parallel_loop3A_235, %parallel_loop3A_236 : i32
      %parallel_loop3A_238 = vector.extract_strided_slice %parallel_loop3A_41 {offsets = [4], sizes = [1], strides = [1]} : vector<16xi32> to vector<1xi32>
      %parallel_loop3A_239 = vector.extract %parallel_loop3A_238[0] : i32 from vector<1xi32>
      %parallel_loop3A_240 = arith.index_cast %parallel_loop3A_239 : i32 to index
      %parallel_loop3A_241 = arith.constant 0 : index
      %parallel_loop3A_242 = tpu.vector_load %arg12[%parallel_loop3A_240, %parallel_loop3A_241] {strides = array<i32>} : memref<2x32xf32, #tpu.memory_space<vmem>>, vector<16xf32>,
      %parallel_loop3A_243 = arith.index_cast %parallel_loop3A_237 : i32 to index
      %parallel_loop3A_244 = arith.constant 0 : index
      %parallel_loop3A_245 = tpu.vector_load %arg15[%parallel_loop3A_243, %parallel_loop3A_244] {strides = array<i32>} : memref<512x96xf32, #tpu.memory_space<vmem>>, vector<16xf32>,
      tpu.vector_store %arg15[%parallel_loop3A_243, %parallel_loop3A_244], %parallel_loop3A_242 {strides = array<i32>} : memref<512x96xf32, #tpu.memory_space<vmem>>, vector<16xf32>,
      %parallel_loop3A_246 = arith.index_cast %parallel_loop3A_239 : i32 to index
      %parallel_loop3A_247 = arith.constant 16 : index
      %parallel_loop3A_248 = tpu.vector_load %arg12[%parallel_loop3A_246, %parallel_loop3A_247] {strides = array<i32>} : memref<2x32xf32, #tpu.memory_space<vmem>>, vector<16xf32>,
      %parallel_loop3A_249 = arith.index_cast %parallel_loop3A_237 : i32 to index
      %parallel_loop3A_250 = arith.constant 16 : index
      %parallel_loop3A_251 = tpu.vector_load %arg15[%parallel_loop3A_249, %parallel_loop3A_250] {strides = array<i32>} : memref<512x96xf32, #tpu.memory_space<vmem>>, vector<16xf32>,
      tpu.vector_store %arg15[%parallel_loop3A_249, %parallel_loop3A_250], %parallel_loop3A_248 {strides = array<i32>} : memref<512x96xf32, #tpu.memory_space<vmem>>, vector<16xf32>,
      %parallel_loop3A_252 = vector.extract_strided_slice %parallel_loop3A_45 {offsets = [4], sizes = [1], strides = [1]} : vector<16xi32> to vector<1xi32>
      %parallel_loop3A_253 = vector.extract %parallel_loop3A_252[0] : i32 from vector<1xi32>
      %parallel_loop3A_254 = arith.index_cast %parallel_loop3A_253 : i32 to index
      %parallel_loop3A_255 = arith.constant 0 : index
      %parallel_loop3A_256 = tpu.vector_load %arg13[%parallel_loop3A_254, %parallel_loop3A_255] {strides = array<i32>} : memref<7x32xf32, #tpu.memory_space<vmem>>, vector<16xf32>,
      %parallel_loop3A_257 = arith.index_cast %parallel_loop3A_237 : i32 to index
      %parallel_loop3A_258 = arith.constant 32 : index
      %parallel_loop3A_259 = tpu.vector_load %arg15[%parallel_loop3A_257, %parallel_loop3A_258] {strides = array<i32>} : memref<512x96xf32, #tpu.memory_space<vmem>>, vector<16xf32>,
      tpu.vector_store %arg15[%parallel_loop3A_257, %parallel_loop3A_258], %parallel_loop3A_256 {strides = array<i32>} : memref<512x96xf32, #tpu.memory_space<vmem>>, vector<16xf32>,
      %parallel_loop3A_260 = arith.index_cast %parallel_loop3A_253 : i32 to index
      %parallel_loop3A_261 = arith.constant 16 : index
      %parallel_loop3A_262 = tpu.vector_load %arg13[%parallel_loop3A_260, %parallel_loop3A_261] {strides = array<i32>} : memref<7x32xf32, #tpu.memory_space<vmem>>, vector<16xf32>,
      %parallel_loop3A_263 = arith.index_cast %parallel_loop3A_237 : i32 to index
      %parallel_loop3A_264 = arith.constant 48 : index
      %parallel_loop3A_265 = tpu.vector_load %arg15[%parallel_loop3A_263, %parallel_loop3A_264] {strides = array<i32>} : memref<512x96xf32, #tpu.memory_space<vmem>>, vector<16xf32>,
      tpu.vector_store %arg15[%parallel_loop3A_263, %parallel_loop3A_264], %parallel_loop3A_262 {strides = array<i32>} : memref<512x96xf32, #tpu.memory_space<vmem>>, vector<16xf32>,
      %parallel_loop3A_266 = vector.extract_strided_slice %parallel_loop3A_49 {offsets = [4], sizes = [1], strides = [1]} : vector<16xi32> to vector<1xi32>
      %parallel_loop3A_267 = vector.extract %parallel_loop3A_266[0] : i32 from vector<1xi32>
      %parallel_loop3A_268 = arith.index_cast %parallel_loop3A_267 : i32 to index
      %parallel_loop3A_269 = arith.constant 0 : index
      %parallel_loop3A_270 = tpu.vector_load %arg14[%parallel_loop3A_268, %parallel_loop3A_269] {strides = array<i32>} : memref<21x32xf32, #tpu.memory_space<vmem>>, vector<16xf32>,
      %parallel_loop3A_271 = arith.index_cast %parallel_loop3A_237 : i32 to index
      %parallel_loop3A_272 = arith.constant 64 : index
      %parallel_loop3A_273 = tpu.vector_load %arg15[%parallel_loop3A_271, %parallel_loop3A_272] {strides = array<i32>} : memref<512x96xf32, #tpu.memory_space<vmem>>, vector<16xf32>,
      tpu.vector_store %arg15[%parallel_loop3A_271, %parallel_loop3A_272], %parallel_loop3A_270 {strides = array<i32>} : memref<512x96xf32, #tpu.memory_space<vmem>>, vector<16xf32>,
      %parallel_loop3A_274 = arith.index_cast %parallel_loop3A_267 : i32 to index
      %parallel_loop3A_275 = arith.constant 16 : index
      %parallel_loop3A_276 = tpu.vector_load %arg14[%parallel_loop3A_274, %parallel_loop3A_275] {strides = array<i32>} : memref<21x32xf32, #tpu.memory_space<vmem>>, vector<16xf32>,
      %parallel_loop3A_277 = arith.index_cast %parallel_loop3A_237 : i32 to index
      %parallel_loop3A_278 = arith.constant 80 : index
      %parallel_loop3A_279 = tpu.vector_load %arg15[%parallel_loop3A_277, %parallel_loop3A_278] {strides = array<i32>} : memref<512x96xf32, #tpu.memory_space<vmem>>, vector<16xf32>,
      tpu.vector_store %arg15[%parallel_loop3A_277, %parallel_loop3A_278], %parallel_loop3A_276 {strides = array<i32>} : memref<512x96xf32, #tpu.memory_space<vmem>>, vector<16xf32>,
      %parallel_loop3A_280 = arith.constant 16 : i32
      %parallel_loop3A_281 = arith.muli %parallel_loop3A_37, %parallel_loop3A_280 : i32
      %parallel_loop3A_282 = arith.constant 5 : i32
      %parallel_loop3A_283 = arith.addi %parallel_loop3A_281, %parallel_loop3A_282 : i32
      %parallel_loop3A_284 = vector.extract_strided_slice %parallel_loop3A_41 {offsets = [5], sizes = [1], strides = [1]} : vector<16xi32> to vector<1xi32>
      %parallel_loop3A_285 = vector.extract %parallel_loop3A_284[0] : i32 from vector<1xi32>
      %parallel_loop3A_286 = arith.index_cast %parallel_loop3A_285 : i32 to index
      %parallel_loop3A_287 = arith.constant 0 : index
      %parallel_loop3A_288 = tpu.vector_load %arg12[%parallel_loop3A_286, %parallel_loop3A_287] {strides = array<i32>} : memref<2x32xf32, #tpu.memory_space<vmem>>, vector<16xf32>,
      %parallel_loop3A_289 = arith.index_cast %parallel_loop3A_283 : i32 to index
      %parallel_loop3A_290 = arith.constant 0 : index
      %parallel_loop3A_291 = tpu.vector_load %arg15[%parallel_loop3A_289, %parallel_loop3A_290] {strides = array<i32>} : memref<512x96xf32, #tpu.memory_space<vmem>>, vector<16xf32>,
      tpu.vector_store %arg15[%parallel_loop3A_289, %parallel_loop3A_290], %parallel_loop3A_288 {strides = array<i32>} : memref<512x96xf32, #tpu.memory_space<vmem>>, vector<16xf32>,
      %parallel_loop3A_292 = arith.index_cast %parallel_loop3A_285 : i32 to index
      %parallel_loop3A_293 = arith.constant 16 : index
      %parallel_loop3A_294 = tpu.vector_load %arg12[%parallel_loop3A_292, %parallel_loop3A_293] {strides = array<i32>} : memref<2x32xf32, #tpu.memory_space<vmem>>, vector<16xf32>,
      %parallel_loop3A_295 = arith.index_cast %parallel_loop3A_283 : i32 to index
      %parallel_loop3A_296 = arith.constant 16 : index
      %parallel_loop3A_297 = tpu.vector_load %arg15[%parallel_loop3A_295, %parallel_loop3A_296] {strides = array<i32>} : memref<512x96xf32, #tpu.memory_space<vmem>>, vector<16xf32>,
      tpu.vector_store %arg15[%parallel_loop3A_295, %parallel_loop3A_296], %parallel_loop3A_294 {strides = array<i32>} : memref<512x96xf32, #tpu.memory_space<vmem>>, vector<16xf32>,
      %parallel_loop3A_298 = vector.extract_strided_slice %parallel_loop3A_45 {offsets = [5], sizes = [1], strides = [1]} : vector<16xi32> to vector<1xi32>
      %parallel_loop3A_299 = vector.extract %parallel_loop3A_298[0] : i32 from vector<1xi32>
      %parallel_loop3A_300 = arith.index_cast %parallel_loop3A_299 : i32 to index
      %parallel_loop3A_301 = arith.constant 0 : index
      %parallel_loop3A_302 = tpu.vector_load %arg13[%parallel_loop3A_300, %parallel_loop3A_301] {strides = array<i32>} : memref<7x32xf32, #tpu.memory_space<vmem>>, vector<16xf32>,
      %parallel_loop3A_303 = arith.index_cast %parallel_loop3A_283 : i32 to index
      %parallel_loop3A_304 = arith.constant 32 : index
      %parallel_loop3A_305 = tpu.vector_load %arg15[%parallel_loop3A_303, %parallel_loop3A_304] {strides = array<i32>} : memref<512x96xf32, #tpu.memory_space<vmem>>, vector<16xf32>,
      tpu.vector_store %arg15[%parallel_loop3A_303, %parallel_loop3A_304], %parallel_loop3A_302 {strides = array<i32>} : memref<512x96xf32, #tpu.memory_space<vmem>>, vector<16xf32>,
      %parallel_loop3A_306 = arith.index_cast %parallel_loop3A_299 : i32 to index
      %parallel_loop3A_307 = arith.constant 16 : index
      %parallel_loop3A_308 = tpu.vector_load %arg13[%parallel_loop3A_306, %parallel_loop3A_307] {strides = array<i32>} : memref<7x32xf32, #tpu.memory_space<vmem>>, vector<16xf32>,
      %parallel_loop3A_309 = arith.index_cast %parallel_loop3A_283 : i32 to index
      %parallel_loop3A_310 = arith.constant 48 : index
      %parallel_loop3A_311 = tpu.vector_load %arg15[%parallel_loop3A_309, %parallel_loop3A_310] {strides = array<i32>} : memref<512x96xf32, #tpu.memory_space<vmem>>, vector<16xf32>,
      tpu.vector_store %arg15[%parallel_loop3A_309, %parallel_loop3A_310], %parallel_loop3A_308 {strides = array<i32>} : memref<512x96xf32, #tpu.memory_space<vmem>>, vector<16xf32>,
      %parallel_loop3A_312 = vector.extract_strided_slice %parallel_loop3A_49 {offsets = [5], sizes = [1], strides = [1]} : vector<16xi32> to vector<1xi32>
      %parallel_loop3A_313 = vector.extract %parallel_loop3A_312[0] : i32 from vector<1xi32>
      %parallel_loop3A_314 = arith.index_cast %parallel_loop3A_313 : i32 to index
      %parallel_loop3A_315 = arith.constant 0 : index
      %parallel_loop3A_316 = tpu.vector_load %arg14[%parallel_loop3A_314, %parallel_loop3A_315] {strides = array<i32>} : memref<21x32xf32, #tpu.memory_space<vmem>>, vector<16xf32>,
      %parallel_loop3A_317 = arith.index_cast %parallel_loop3A_283 : i32 to index
      %parallel_loop3A_318 = arith.constant 64 : index
      %parallel_loop3A_319 = tpu.vector_load %arg15[%parallel_loop3A_317, %parallel_loop3A_318] {strides = array<i32>} : memref<512x96xf32, #tpu.memory_space<vmem>>, vector<16xf32>,
      tpu.vector_store %arg15[%parallel_loop3A_317, %parallel_loop3A_318], %parallel_loop3A_316 {strides = array<i32>} : memref<512x96xf32, #tpu.memory_space<vmem>>, vector<16xf32>,
      %parallel_loop3A_320 = arith.index_cast %parallel_loop3A_313 : i32 to index
      %parallel_loop3A_321 = arith.constant 16 : index
      %parallel_loop3A_322 = tpu.vector_load %arg14[%parallel_loop3A_320, %parallel_loop3A_321] {strides = array<i32>} : memref<21x32xf32, #tpu.memory_space<vmem>>, vector<16xf32>,
      %parallel_loop3A_323 = arith.index_cast %parallel_loop3A_283 : i32 to index
      %parallel_loop3A_324 = arith.constant 80 : index
      %parallel_loop3A_325 = tpu.vector_load %arg15[%parallel_loop3A_323, %parallel_loop3A_324] {strides = array<i32>} : memref<512x96xf32, #tpu.memory_space<vmem>>, vector<16xf32>,
      tpu.vector_store %arg15[%parallel_loop3A_323, %parallel_loop3A_324], %parallel_loop3A_322 {strides = array<i32>} : memref<512x96xf32, #tpu.memory_space<vmem>>, vector<16xf32>,
      %parallel_loop3A_326 = arith.constant 16 : i32
      %parallel_loop3A_327 = arith.muli %parallel_loop3A_37, %parallel_loop3A_326 : i32
      %parallel_loop3A_328 = arith.constant 6 : i32
      %parallel_loop3A_329 = arith.addi %parallel_loop3A_327, %parallel_loop3A_328 : i32
      %parallel_loop3A_330 = vector.extract_strided_slice %parallel_loop3A_41 {offsets = [6], sizes = [1], strides = [1]} : vector<16xi32> to vector<1xi32>
      %parallel_loop3A_331 = vector.extract %parallel_loop3A_330[0] : i32 from vector<1xi32>
      %parallel_loop3A_332 = arith.index_cast %parallel_loop3A_331 : i32 to index
      %parallel_loop3A_333 = arith.constant 0 : index
      %parallel_loop3A_334 = tpu.vector_load %arg12[%parallel_loop3A_332, %parallel_loop3A_333] {strides = array<i32>} : memref<2x32xf32, #tpu.memory_space<vmem>>, vector<16xf32>,
      %parallel_loop3A_335 = arith.index_cast %parallel_loop3A_329 : i32 to index
      %parallel_loop3A_336 = arith.constant 0 : index
      %parallel_loop3A_337 = tpu.vector_load %arg15[%parallel_loop3A_335, %parallel_loop3A_336] {strides = array<i32>} : memref<512x96xf32, #tpu.memory_space<vmem>>, vector<16xf32>,
      tpu.vector_store %arg15[%parallel_loop3A_335, %parallel_loop3A_336], %parallel_loop3A_334 {strides = array<i32>} : memref<512x96xf32, #tpu.memory_space<vmem>>, vector<16xf32>,
      %parallel_loop3A_338 = arith.index_cast %parallel_loop3A_331 : i32 to index
      %parallel_loop3A_339 = arith.constant 16 : index
      %parallel_loop3A_340 = tpu.vector_load %arg12[%parallel_loop3A_338, %parallel_loop3A_339] {strides = array<i32>} : memref<2x32xf32, #tpu.memory_space<vmem>>, vector<16xf32>,
      %parallel_loop3A_341 = arith.index_cast %parallel_loop3A_329 : i32 to index
      %parallel_loop3A_342 = arith.constant 16 : index
      %parallel_loop3A_343 = tpu.vector_load %arg15[%parallel_loop3A_341, %parallel_loop3A_342] {strides = array<i32>} : memref<512x96xf32, #tpu.memory_space<vmem>>, vector<16xf32>,
      tpu.vector_store %arg15[%parallel_loop3A_341, %parallel_loop3A_342], %parallel_loop3A_340 {strides = array<i32>} : memref<512x96xf32, #tpu.memory_space<vmem>>, vector<16xf32>,
      %parallel_loop3A_344 = vector.extract_strided_slice %parallel_loop3A_45 {offsets = [6], sizes = [1], strides = [1]} : vector<16xi32> to vector<1xi32>
      %parallel_loop3A_345 = vector.extract %parallel_loop3A_344[0] : i32 from vector<1xi32>
      %parallel_loop3A_346 = arith.index_cast %parallel_loop3A_345 : i32 to index
      %parallel_loop3A_347 = arith.constant 0 : index
      %parallel_loop3A_348 = tpu.vector_load %arg13[%parallel_loop3A_346, %parallel_loop3A_347] {strides = array<i32>} : memref<7x32xf32, #tpu.memory_space<vmem>>, vector<16xf32>,
      %parallel_loop3A_349 = arith.index_cast %parallel_loop3A_329 : i32 to index
      %parallel_loop3A_350 = arith.constant 32 : index
      %parallel_loop3A_351 = tpu.vector_load %arg15[%parallel_loop3A_349, %parallel_loop3A_350] {strides = array<i32>} : memref<512x96xf32, #tpu.memory_space<vmem>>, vector<16xf32>,
      tpu.vector_store %arg15[%parallel_loop3A_349, %parallel_loop3A_350], %parallel_loop3A_348 {strides = array<i32>} : memref<512x96xf32, #tpu.memory_space<vmem>>, vector<16xf32>,
      %parallel_loop3A_352 = arith.index_cast %parallel_loop3A_345 : i32 to index
      %parallel_loop3A_353 = arith.constant 16 : index
      %parallel_loop3A_354 = tpu.vector_load %arg13[%parallel_loop3A_352, %parallel_loop3A_353] {strides = array<i32>} : memref<7x32xf32, #tpu.memory_space<vmem>>, vector<16xf32>,
      %parallel_loop3A_355 = arith.index_cast %parallel_loop3A_329 : i32 to index
      %parallel_loop3A_356 = arith.constant 48 : index
      %parallel_loop3A_357 = tpu.vector_load %arg15[%parallel_loop3A_355, %parallel_loop3A_356] {strides = array<i32>} : memref<512x96xf32, #tpu.memory_space<vmem>>, vector<16xf32>,
      tpu.vector_store %arg15[%parallel_loop3A_355, %parallel_loop3A_356], %parallel_loop3A_354 {strides = array<i32>} : memref<512x96xf32, #tpu.memory_space<vmem>>, vector<16xf32>,
      %parallel_loop3A_358 = vector.extract_strided_slice %parallel_loop3A_49 {offsets = [6], sizes = [1], strides = [1]} : vector<16xi32> to vector<1xi32>
      %parallel_loop3A_359 = vector.extract %parallel_loop3A_358[0] : i32 from vector<1xi32>
      %parallel_loop3A_360 = arith.index_cast %parallel_loop3A_359 : i32 to index
      %parallel_loop3A_361 = arith.constant 0 : index
      %parallel_loop3A_362 = tpu.vector_load %arg14[%parallel_loop3A_360, %parallel_loop3A_361] {strides = array<i32>} : memref<21x32xf32, #tpu.memory_space<vmem>>, vector<16xf32>,
      %parallel_loop3A_363 = arith.index_cast %parallel_loop3A_329 : i32 to index
      %parallel_loop3A_364 = arith.constant 64 : index
      %parallel_loop3A_365 = tpu.vector_load %arg15[%parallel_loop3A_363, %parallel_loop3A_364] {strides = array<i32>} : memref<512x96xf32, #tpu.memory_space<vmem>>, vector<16xf32>,
      tpu.vector_store %arg15[%parallel_loop3A_363, %parallel_loop3A_364], %parallel_loop3A_362 {strides = array<i32>} : memref<512x96xf32, #tpu.memory_space<vmem>>, vector<16xf32>,
      %parallel_loop3A_366 = arith.index_cast %parallel_loop3A_359 : i32 to index
      %parallel_loop3A_367 = arith.constant 16 : index
      %parallel_loop3A_368 = tpu.vector_load %arg14[%parallel_loop3A_366, %parallel_loop3A_367] {strides = array<i32>} : memref<21x32xf32, #tpu.memory_space<vmem>>, vector<16xf32>,
      %parallel_loop3A_369 = arith.index_cast %parallel_loop3A_329 : i32 to index
      %parallel_loop3A_370 = arith.constant 80 : index
      %parallel_loop3A_371 = tpu.vector_load %arg15[%parallel_loop3A_369, %parallel_loop3A_370] {strides = array<i32>} : memref<512x96xf32, #tpu.memory_space<vmem>>, vector<16xf32>,
      tpu.vector_store %arg15[%parallel_loop3A_369, %parallel_loop3A_370], %parallel_loop3A_368 {strides = array<i32>} : memref<512x96xf32, #tpu.memory_space<vmem>>, vector<16xf32>,
      %parallel_loop3A_372 = arith.constant 16 : i32
      %parallel_loop3A_373 = arith.muli %parallel_loop3A_37, %parallel_loop3A_372 : i32
      %parallel_loop3A_374 = arith.constant 7 : i32
      %parallel_loop3A_375 = arith.addi %parallel_loop3A_373, %parallel_loop3A_374 : i32
      %parallel_loop3A_376 = vector.extract_strided_slice %parallel_loop3A_41 {offsets = [7], sizes = [1], strides = [1]} : vector<16xi32> to vector<1xi32>
      %parallel_loop3A_377 = vector.extract %parallel_loop3A_376[0] : i32 from vector<1xi32>
      %parallel_loop3A_378 = arith.index_cast %parallel_loop3A_377 : i32 to index
      %parallel_loop3A_379 = arith.constant 0 : index
      %parallel_loop3A_380 = tpu.vector_load %arg12[%parallel_loop3A_378, %parallel_loop3A_379] {strides = array<i32>} : memref<2x32xf32, #tpu.memory_space<vmem>>, vector<16xf32>,
      %parallel_loop3A_381 = arith.index_cast %parallel_loop3A_375 : i32 to index
      %parallel_loop3A_382 = arith.constant 0 : index
      %parallel_loop3A_383 = tpu.vector_load %arg15[%parallel_loop3A_381, %parallel_loop3A_382] {strides = array<i32>} : memref<512x96xf32, #tpu.memory_space<vmem>>, vector<16xf32>,
      tpu.vector_store %arg15[%parallel_loop3A_381, %parallel_loop3A_382], %parallel_loop3A_380 {strides = array<i32>} : memref<512x96xf32, #tpu.memory_space<vmem>>, vector<16xf32>,
      %parallel_loop3A_384 = arith.index_cast %parallel_loop3A_377 : i32 to index
      %parallel_loop3A_385 = arith.constant 16 : index
      %parallel_loop3A_386 = tpu.vector_load %arg12[%parallel_loop3A_384, %parallel_loop3A_385] {strides = array<i32>} : memref<2x32xf32, #tpu.memory_space<vmem>>, vector<16xf32>,
      %parallel_loop3A_387 = arith.index_cast %parallel_loop3A_375 : i32 to index
      %parallel_loop3A_388 = arith.constant 16 : index
      %parallel_loop3A_389 = tpu.vector_load %arg15[%parallel_loop3A_387, %parallel_loop3A_388] {strides = array<i32>} : memref<512x96xf32, #tpu.memory_space<vmem>>, vector<16xf32>,
      tpu.vector_store %arg15[%parallel_loop3A_387, %parallel_loop3A_388], %parallel_loop3A_386 {strides = array<i32>} : memref<512x96xf32, #tpu.memory_space<vmem>>, vector<16xf32>,
      %parallel_loop3A_390 = vector.extract_strided_slice %parallel_loop3A_45 {offsets = [7], sizes = [1], strides = [1]} : vector<16xi32> to vector<1xi32>
      %parallel_loop3A_391 = vector.extract %parallel_loop3A_390[0] : i32 from vector<1xi32>
      %parallel_loop3A_392 = arith.index_cast %parallel_loop3A_391 : i32 to index
      %parallel_loop3A_393 = arith.constant 0 : index
      %parallel_loop3A_394 = tpu.vector_load %arg13[%parallel_loop3A_392, %parallel_loop3A_393] {strides = array<i32>} : memref<7x32xf32, #tpu.memory_space<vmem>>, vector<16xf32>,
      %parallel_loop3A_395 = arith.index_cast %parallel_loop3A_375 : i32 to index
      %parallel_loop3A_396 = arith.constant 32 : index
      %parallel_loop3A_397 = tpu.vector_load %arg15[%parallel_loop3A_395, %parallel_loop3A_396] {strides = array<i32>} : memref<512x96xf32, #tpu.memory_space<vmem>>, vector<16xf32>,
      tpu.vector_store %arg15[%parallel_loop3A_395, %parallel_loop3A_396], %parallel_loop3A_394 {strides = array<i32>} : memref<512x96xf32, #tpu.memory_space<vmem>>, vector<16xf32>,
      %parallel_loop3A_398 = arith.index_cast %parallel_loop3A_391 : i32 to index
      %parallel_loop3A_399 = arith.constant 16 : index
      %parallel_loop3A_400 = tpu.vector_load %arg13[%parallel_loop3A_398, %parallel_loop3A_399] {strides = array<i32>} : memref<7x32xf32, #tpu.memory_space<vmem>>, vector<16xf32>,
      %parallel_loop3A_401 = arith.index_cast %parallel_loop3A_375 : i32 to index
      %parallel_loop3A_402 = arith.constant 48 : index
      %parallel_loop3A_403 = tpu.vector_load %arg15[%parallel_loop3A_401, %parallel_loop3A_402] {strides = array<i32>} : memref<512x96xf32, #tpu.memory_space<vmem>>, vector<16xf32>,
      tpu.vector_store %arg15[%parallel_loop3A_401, %parallel_loop3A_402], %parallel_loop3A_400 {strides = array<i32>} : memref<512x96xf32, #tpu.memory_space<vmem>>, vector<16xf32>,
      %parallel_loop3A_404 = vector.extract_strided_slice %parallel_loop3A_49 {offsets = [7], sizes = [1], strides = [1]} : vector<16xi32> to vector<1xi32>
      %parallel_loop3A_405 = vector.extract %parallel_loop3A_404[0] : i32 from vector<1xi32>
      %parallel_loop3A_406 = arith.index_cast %parallel_loop3A_405 : i32 to index
      %parallel_loop3A_407 = arith.constant 0 : index
      %parallel_loop3A_408 = tpu.vector_load %arg14[%parallel_loop3A_406, %parallel_loop3A_407] {strides = array<i32>} : memref<21x32xf32, #tpu.memory_space<vmem>>, vector<16xf32>,
      %parallel_loop3A_409 = arith.index_cast %parallel_loop3A_375 : i32 to index
      %parallel_loop3A_410 = arith.constant 64 : index
      %parallel_loop3A_411 = tpu.vector_load %arg15[%parallel_loop3A_409, %parallel_loop3A_410] {strides = array<i32>} : memref<512x96xf32, #tpu.memory_space<vmem>>, vector<16xf32>,
      tpu.vector_store %arg15[%parallel_loop3A_409, %parallel_loop3A_410], %parallel_loop3A_408 {strides = array<i32>} : memref<512x96xf32, #tpu.memory_space<vmem>>, vector<16xf32>,
      %parallel_loop3A_412 = arith.index_cast %parallel_loop3A_405 : i32 to index
      %parallel_loop3A_413 = arith.constant 16 : index
      %parallel_loop3A_414 = tpu.vector_load %arg14[%parallel_loop3A_412, %parallel_loop3A_413] {strides = array<i32>} : memref<21x32xf32, #tpu.memory_space<vmem>>, vector<16xf32>,
      %parallel_loop3A_415 = arith.index_cast %parallel_loop3A_375 : i32 to index
      %parallel_loop3A_416 = arith.constant 80 : index
      %parallel_loop3A_417 = tpu.vector_load %arg15[%parallel_loop3A_415, %parallel_loop3A_416] {strides = array<i32>} : memref<512x96xf32, #tpu.memory_space<vmem>>, vector<16xf32>,
      tpu.vector_store %arg15[%parallel_loop3A_415, %parallel_loop3A_416], %parallel_loop3A_414 {strides = array<i32>} : memref<512x96xf32, #tpu.memory_space<vmem>>, vector<16xf32>,
      %parallel_loop3A_418 = arith.constant 16 : i32
      %parallel_loop3A_419 = arith.muli %parallel_loop3A_37, %parallel_loop3A_418 : i32
      %parallel_loop3A_420 = arith.constant 8 : i32
      %parallel_loop3A_421 = arith.addi %parallel_loop3A_419, %parallel_loop3A_420 : i32
      %parallel_loop3A_422 = vector.extract_strided_slice %parallel_loop3A_41 {offsets = [8], sizes = [1], strides = [1]} : vector<16xi32> to vector<1xi32>
      %parallel_loop3A_423 = vector.extract %parallel_loop3A_422[0] : i32 from vector<1xi32>
      %parallel_loop3A_424 = arith.index_cast %parallel_loop3A_423 : i32 to index
      %parallel_loop3A_425 = arith.constant 0 : index
      %parallel_loop3A_426 = tpu.vector_load %arg12[%parallel_loop3A_424, %parallel_loop3A_425] {strides = array<i32>} : memref<2x32xf32, #tpu.memory_space<vmem>>, vector<16xf32>,
      %parallel_loop3A_427 = arith.index_cast %parallel_loop3A_421 : i32 to index
      %parallel_loop3A_428 = arith.constant 0 : index
      %parallel_loop3A_429 = tpu.vector_load %arg15[%parallel_loop3A_427, %parallel_loop3A_428] {strides = array<i32>} : memref<512x96xf32, #tpu.memory_space<vmem>>, vector<16xf32>,
      tpu.vector_store %arg15[%parallel_loop3A_427, %parallel_loop3A_428], %parallel_loop3A_426 {strides = array<i32>} : memref<512x96xf32, #tpu.memory_space<vmem>>, vector<16xf32>,
      %parallel_loop3A_430 = arith.index_cast %parallel_loop3A_423 : i32 to index
      %parallel_loop3A_431 = arith.constant 16 : index
      %parallel_loop3A_432 = tpu.vector_load %arg12[%parallel_loop3A_430, %parallel_loop3A_431] {strides = array<i32>} : memref<2x32xf32, #tpu.memory_space<vmem>>, vector<16xf32>,
      %parallel_loop3A_433 = arith.index_cast %parallel_loop3A_421 : i32 to index
      %parallel_loop3A_434 = arith.constant 16 : index
      %parallel_loop3A_435 = tpu.vector_load %arg15[%parallel_loop3A_433, %parallel_loop3A_434] {strides = array<i32>} : memref<512x96xf32, #tpu.memory_space<vmem>>, vector<16xf32>,
      tpu.vector_store %arg15[%parallel_loop3A_433, %parallel_loop3A_434], %parallel_loop3A_432 {strides = array<i32>} : memref<512x96xf32, #tpu.memory_space<vmem>>, vector<16xf32>,
      %parallel_loop3A_436 = vector.extract_strided_slice %parallel_loop3A_45 {offsets = [8], sizes = [1], strides = [1]} : vector<16xi32> to vector<1xi32>
      %parallel_loop3A_437 = vector.extract %parallel_loop3A_436[0] : i32 from vector<1xi32>
      %parallel_loop3A_438 = arith.index_cast %parallel_loop3A_437 : i32 to index
      %parallel_loop3A_439 = arith.constant 0 : index
      %parallel_loop3A_440 = tpu.vector_load %arg13[%parallel_loop3A_438, %parallel_loop3A_439] {strides = array<i32>} : memref<7x32xf32, #tpu.memory_space<vmem>>, vector<16xf32>,
      %parallel_loop3A_441 = arith.index_cast %parallel_loop3A_421 : i32 to index
      %parallel_loop3A_442 = arith.constant 32 : index
      %parallel_loop3A_443 = tpu.vector_load %arg15[%parallel_loop3A_441, %parallel_loop3A_442] {strides = array<i32>} : memref<512x96xf32, #tpu.memory_space<vmem>>, vector<16xf32>,
      tpu.vector_store %arg15[%parallel_loop3A_441, %parallel_loop3A_442], %parallel_loop3A_440 {strides = array<i32>} : memref<512x96xf32, #tpu.memory_space<vmem>>, vector<16xf32>,
      %parallel_loop3A_444 = arith.index_cast %parallel_loop3A_437 : i32 to index
      %parallel_loop3A_445 = arith.constant 16 : index
      %parallel_loop3A_446 = tpu.vector_load %arg13[%parallel_loop3A_444, %parallel_loop3A_445] {strides = array<i32>} : memref<7x32xf32, #tpu.memory_space<vmem>>, vector<16xf32>,
      %parallel_loop3A_447 = arith.index_cast %parallel_loop3A_421 : i32 to index
      %parallel_loop3A_448 = arith.constant 48 : index
      %parallel_loop3A_449 = tpu.vector_load %arg15[%parallel_loop3A_447, %parallel_loop3A_448] {strides = array<i32>} : memref<512x96xf32, #tpu.memory_space<vmem>>, vector<16xf32>,
      tpu.vector_store %arg15[%parallel_loop3A_447, %parallel_loop3A_448], %parallel_loop3A_446 {strides = array<i32>} : memref<512x96xf32, #tpu.memory_space<vmem>>, vector<16xf32>,
      %parallel_loop3A_450 = vector.extract_strided_slice %parallel_loop3A_49 {offsets = [8], sizes = [1], strides = [1]} : vector<16xi32> to vector<1xi32>
      %parallel_loop3A_451 = vector.extract %parallel_loop3A_450[0] : i32 from vector<1xi32>
      %parallel_loop3A_452 = arith.index_cast %parallel_loop3A_451 : i32 to index
      %parallel_loop3A_453 = arith.constant 0 : index
      %parallel_loop3A_454 = tpu.vector_load %arg14[%parallel_loop3A_452, %parallel_loop3A_453] {strides = array<i32>} : memref<21x32xf32, #tpu.memory_space<vmem>>, vector<16xf32>,
      %parallel_loop3A_455 = arith.index_cast %parallel_loop3A_421 : i32 to index
      %parallel_loop3A_456 = arith.constant 64 : index
      %parallel_loop3A_457 = tpu.vector_load %arg15[%parallel_loop3A_455, %parallel_loop3A_456] {strides = array<i32>} : memref<512x96xf32, #tpu.memory_space<vmem>>, vector<16xf32>,
      tpu.vector_store %arg15[%parallel_loop3A_455, %parallel_loop3A_456], %parallel_loop3A_454 {strides = array<i32>} : memref<512x96xf32, #tpu.memory_space<vmem>>, vector<16xf32>,
      %parallel_loop3A_458 = arith.index_cast %parallel_loop3A_451 : i32 to index
      %parallel_loop3A_459 = arith.constant 16 : index
      %parallel_loop3A_460 = tpu.vector_load %arg14[%parallel_loop3A_458, %parallel_loop3A_459] {strides = array<i32>} : memref<21x32xf32, #tpu.memory_space<vmem>>, vector<16xf32>,
      %parallel_loop3A_461 = arith.index_cast %parallel_loop3A_421 : i32 to index
      %parallel_loop3A_462 = arith.constant 80 : index
      %parallel_loop3A_463 = tpu.vector_load %arg15[%parallel_loop3A_461, %parallel_loop3A_462] {strides = array<i32>} : memref<512x96xf32, #tpu.memory_space<vmem>>, vector<16xf32>,
      tpu.vector_store %arg15[%parallel_loop3A_461, %parallel_loop3A_462], %parallel_loop3A_460 {strides = array<i32>} : memref<512x96xf32, #tpu.memory_space<vmem>>, vector<16xf32>,
      %parallel_loop3A_464 = arith.constant 16 : i32
      %parallel_loop3A_465 = arith.muli %parallel_loop3A_37, %parallel_loop3A_464 : i32
      %parallel_loop3A_466 = arith.constant 9 : i32
      %parallel_loop3A_467 = arith.addi %parallel_loop3A_465, %parallel_loop3A_466 : i32
      %parallel_loop3A_468 = vector.extract_strided_slice %parallel_loop3A_41 {offsets = [9], sizes = [1], strides = [1]} : vector<16xi32> to vector<1xi32>
      %parallel_loop3A_469 = vector.extract %parallel_loop3A_468[0] : i32 from vector<1xi32>
      %parallel_loop3A_470 = arith.index_cast %parallel_loop3A_469 : i32 to index
      %parallel_loop3A_471 = arith.constant 0 : index
      %parallel_loop3A_472 = tpu.vector_load %arg12[%parallel_loop3A_470, %parallel_loop3A_471] {strides = array<i32>} : memref<2x32xf32, #tpu.memory_space<vmem>>, vector<16xf32>,
      %parallel_loop3A_473 = arith.index_cast %parallel_loop3A_467 : i32 to index
      %parallel_loop3A_474 = arith.constant 0 : index
      %parallel_loop3A_475 = tpu.vector_load %arg15[%parallel_loop3A_473, %parallel_loop3A_474] {strides = array<i32>} : memref<512x96xf32, #tpu.memory_space<vmem>>, vector<16xf32>,
      tpu.vector_store %arg15[%parallel_loop3A_473, %parallel_loop3A_474], %parallel_loop3A_472 {strides = array<i32>} : memref<512x96xf32, #tpu.memory_space<vmem>>, vector<16xf32>,
      %parallel_loop3A_476 = arith.index_cast %parallel_loop3A_469 : i32 to index
      %parallel_loop3A_477 = arith.constant 16 : index
      %parallel_loop3A_478 = tpu.vector_load %arg12[%parallel_loop3A_476, %parallel_loop3A_477] {strides = array<i32>} : memref<2x32xf32, #tpu.memory_space<vmem>>, vector<16xf32>,
      %parallel_loop3A_479 = arith.index_cast %parallel_loop3A_467 : i32 to index
      %parallel_loop3A_480 = arith.constant 16 : index
      %parallel_loop3A_481 = tpu.vector_load %arg15[%parallel_loop3A_479, %parallel_loop3A_480] {strides = array<i32>} : memref<512x96xf32, #tpu.memory_space<vmem>>, vector<16xf32>,
      tpu.vector_store %arg15[%parallel_loop3A_479, %parallel_loop3A_480], %parallel_loop3A_478 {strides = array<i32>} : memref<512x96xf32, #tpu.memory_space<vmem>>, vector<16xf32>,
      %parallel_loop3A_482 = vector.extract_strided_slice %parallel_loop3A_45 {offsets = [9], sizes = [1], strides = [1]} : vector<16xi32> to vector<1xi32>
      %parallel_loop3A_483 = vector.extract %parallel_loop3A_482[0] : i32 from vector<1xi32>
      %parallel_loop3A_484 = arith.index_cast %parallel_loop3A_483 : i32 to index
      %parallel_loop3A_485 = arith.constant 0 : index
      %parallel_loop3A_486 = tpu.vector_load %arg13[%parallel_loop3A_484, %parallel_loop3A_485] {strides = array<i32>} : memref<7x32xf32, #tpu.memory_space<vmem>>, vector<16xf32>,
      %parallel_loop3A_487 = arith.index_cast %parallel_loop3A_467 : i32 to index
      %parallel_loop3A_488 = arith.constant 32 : index
      %parallel_loop3A_489 = tpu.vector_load %arg15[%parallel_loop3A_487, %parallel_loop3A_488] {strides = array<i32>} : memref<512x96xf32, #tpu.memory_space<vmem>>, vector<16xf32>,
      tpu.vector_store %arg15[%parallel_loop3A_487, %parallel_loop3A_488], %parallel_loop3A_486 {strides = array<i32>} : memref<512x96xf32, #tpu.memory_space<vmem>>, vector<16xf32>,
      %parallel_loop3A_490 = arith.index_cast %parallel_loop3A_483 : i32 to index
      %parallel_loop3A_491 = arith.constant 16 : index
      %parallel_loop3A_492 = tpu.vector_load %arg13[%parallel_loop3A_490, %parallel_loop3A_491] {strides = array<i32>} : memref<7x32xf32, #tpu.memory_space<vmem>>, vector<16xf32>,
      %parallel_loop3A_493 = arith.index_cast %parallel_loop3A_467 : i32 to index
      %parallel_loop3A_494 = arith.constant 48 : index
      %parallel_loop3A_495 = tpu.vector_load %arg15[%parallel_loop3A_493, %parallel_loop3A_494] {strides = array<i32>} : memref<512x96xf32, #tpu.memory_space<vmem>>, vector<16xf32>,
      tpu.vector_store %arg15[%parallel_loop3A_493, %parallel_loop3A_494], %parallel_loop3A_492 {strides = array<i32>} : memref<512x96xf32, #tpu.memory_space<vmem>>, vector<16xf32>,
      %parallel_loop3A_496 = vector.extract_strided_slice %parallel_loop3A_49 {offsets = [9], sizes = [1], strides = [1]} : vector<16xi32> to vector<1xi32>
      %parallel_loop3A_497 = vector.extract %parallel_loop3A_496[0] : i32 from vector<1xi32>
      %parallel_loop3A_498 = arith.index_cast %parallel_loop3A_497 : i32 to index
      %parallel_loop3A_499 = arith.constant 0 : index
      %parallel_loop3A_500 = tpu.vector_load %arg14[%parallel_loop3A_498, %parallel_loop3A_499] {strides = array<i32>} : memref<21x32xf32, #tpu.memory_space<vmem>>, vector<16xf32>,
      %parallel_loop3A_501 = arith.index_cast %parallel_loop3A_467 : i32 to index
      %parallel_loop3A_502 = arith.constant 64 : index
      %parallel_loop3A_503 = tpu.vector_load %arg15[%parallel_loop3A_501, %parallel_loop3A_502] {strides = array<i32>} : memref<512x96xf32, #tpu.memory_space<vmem>>, vector<16xf32>,
      tpu.vector_store %arg15[%parallel_loop3A_501, %parallel_loop3A_502], %parallel_loop3A_500 {strides = array<i32>} : memref<512x96xf32, #tpu.memory_space<vmem>>, vector<16xf32>,
      %parallel_loop3A_504 = arith.index_cast %parallel_loop3A_497 : i32 to index
      %parallel_loop3A_505 = arith.constant 16 : index
      %parallel_loop3A_506 = tpu.vector_load %arg14[%parallel_loop3A_504, %parallel_loop3A_505] {strides = array<i32>} : memref<21x32xf32, #tpu.memory_space<vmem>>, vector<16xf32>,
      %parallel_loop3A_507 = arith.index_cast %parallel_loop3A_467 : i32 to index
      %parallel_loop3A_508 = arith.constant 80 : index
      %parallel_loop3A_509 = tpu.vector_load %arg15[%parallel_loop3A_507, %parallel_loop3A_508] {strides = array<i32>} : memref<512x96xf32, #tpu.memory_space<vmem>>, vector<16xf32>,
      tpu.vector_store %arg15[%parallel_loop3A_507, %parallel_loop3A_508], %parallel_loop3A_506 {strides = array<i32>} : memref<512x96xf32, #tpu.memory_space<vmem>>, vector<16xf32>,
      %parallel_loop3A_510 = arith.constant 16 : i32
      %parallel_loop3A_511 = arith.muli %parallel_loop3A_37, %parallel_loop3A_510 : i32
      %parallel_loop3A_512 = arith.constant 10 : i32
      %parallel_loop3A_513 = arith.addi %parallel_loop3A_511, %parallel_loop3A_512 : i32
      %parallel_loop3A_514 = vector.extract_strided_slice %parallel_loop3A_41 {offsets = [10], sizes = [1], strides = [1]} : vector<16xi32> to vector<1xi32>
      %parallel_loop3A_515 = vector.extract %parallel_loop3A_514[0] : i32 from vector<1xi32>
      %parallel_loop3A_516 = arith.index_cast %parallel_loop3A_515 : i32 to index
      %parallel_loop3A_517 = arith.constant 0 : index
      %parallel_loop3A_518 = tpu.vector_load %arg12[%parallel_loop3A_516, %parallel_loop3A_517] {strides = array<i32>} : memref<2x32xf32, #tpu.memory_space<vmem>>, vector<16xf32>,
      %parallel_loop3A_519 = arith.index_cast %parallel_loop3A_513 : i32 to index
      %parallel_loop3A_520 = arith.constant 0 : index
      %parallel_loop3A_521 = tpu.vector_load %arg15[%parallel_loop3A_519, %parallel_loop3A_520] {strides = array<i32>} : memref<512x96xf32, #tpu.memory_space<vmem>>, vector<16xf32>,
      tpu.vector_store %arg15[%parallel_loop3A_519, %parallel_loop3A_520], %parallel_loop3A_518 {strides = array<i32>} : memref<512x96xf32, #tpu.memory_space<vmem>>, vector<16xf32>,
      %parallel_loop3A_522 = arith.index_cast %parallel_loop3A_515 : i32 to index
      %parallel_loop3A_523 = arith.constant 16 : index
      %parallel_loop3A_524 = tpu.vector_load %arg12[%parallel_loop3A_522, %parallel_loop3A_523] {strides = array<i32>} : memref<2x32xf32, #tpu.memory_space<vmem>>, vector<16xf32>,
      %parallel_loop3A_525 = arith.index_cast %parallel_loop3A_513 : i32 to index
      %parallel_loop3A_526 = arith.constant 16 : index
      %parallel_loop3A_527 = tpu.vector_load %arg15[%parallel_loop3A_525, %parallel_loop3A_526] {strides = array<i32>} : memref<512x96xf32, #tpu.memory_space<vmem>>, vector<16xf32>,
      tpu.vector_store %arg15[%parallel_loop3A_525, %parallel_loop3A_526], %parallel_loop3A_524 {strides = array<i32>} : memref<512x96xf32, #tpu.memory_space<vmem>>, vector<16xf32>,
      %parallel_loop3A_528 = vector.extract_strided_slice %parallel_loop3A_45 {offsets = [10], sizes = [1], strides = [1]} : vector<16xi32> to vector<1xi32>
      %parallel_loop3A_529 = vector.extract %parallel_loop3A_528[0] : i32 from vector<1xi32>
      %parallel_loop3A_530 = arith.index_cast %parallel_loop3A_529 : i32 to index
      %parallel_loop3A_531 = arith.constant 0 : index
      %parallel_loop3A_532 = tpu.vector_load %arg13[%parallel_loop3A_530, %parallel_loop3A_531] {strides = array<i32>} : memref<7x32xf32, #tpu.memory_space<vmem>>, vector<16xf32>,
      %parallel_loop3A_533 = arith.index_cast %parallel_loop3A_513 : i32 to index
      %parallel_loop3A_534 = arith.constant 32 : index
      %parallel_loop3A_535 = tpu.vector_load %arg15[%parallel_loop3A_533, %parallel_loop3A_534] {strides = array<i32>} : memref<512x96xf32, #tpu.memory_space<vmem>>, vector<16xf32>,
      tpu.vector_store %arg15[%parallel_loop3A_533, %parallel_loop3A_534], %parallel_loop3A_532 {strides = array<i32>} : memref<512x96xf32, #tpu.memory_space<vmem>>, vector<16xf32>,
      %parallel_loop3A_536 = arith.index_cast %parallel_loop3A_529 : i32 to index
      %parallel_loop3A_537 = arith.constant 16 : index
      %parallel_loop3A_538 = tpu.vector_load %arg13[%parallel_loop3A_536, %parallel_loop3A_537] {strides = array<i32>} : memref<7x32xf32, #tpu.memory_space<vmem>>, vector<16xf32>,
      %parallel_loop3A_539 = arith.index_cast %parallel_loop3A_513 : i32 to index
      %parallel_loop3A_540 = arith.constant 48 : index
      %parallel_loop3A_541 = tpu.vector_load %arg15[%parallel_loop3A_539, %parallel_loop3A_540] {strides = array<i32>} : memref<512x96xf32, #tpu.memory_space<vmem>>, vector<16xf32>,
      tpu.vector_store %arg15[%parallel_loop3A_539, %parallel_loop3A_540], %parallel_loop3A_538 {strides = array<i32>} : memref<512x96xf32, #tpu.memory_space<vmem>>, vector<16xf32>,
      %parallel_loop3A_542 = vector.extract_strided_slice %parallel_loop3A_49 {offsets = [10], sizes = [1], strides = [1]} : vector<16xi32> to vector<1xi32>
      %parallel_loop3A_543 = vector.extract %parallel_loop3A_542[0] : i32 from vector<1xi32>
      %parallel_loop3A_544 = arith.index_cast %parallel_loop3A_543 : i32 to index
      %parallel_loop3A_545 = arith.constant 0 : index
      %parallel_loop3A_546 = tpu.vector_load %arg14[%parallel_loop3A_544, %parallel_loop3A_545] {strides = array<i32>} : memref<21x32xf32, #tpu.memory_space<vmem>>, vector<16xf32>,
      %parallel_loop3A_547 = arith.index_cast %parallel_loop3A_513 : i32 to index
      %parallel_loop3A_548 = arith.constant 64 : index
      %parallel_loop3A_549 = tpu.vector_load %arg15[%parallel_loop3A_547, %parallel_loop3A_548] {strides = array<i32>} : memref<512x96xf32, #tpu.memory_space<vmem>>, vector<16xf32>,
      tpu.vector_store %arg15[%parallel_loop3A_547, %parallel_loop3A_548], %parallel_loop3A_546 {strides = array<i32>} : memref<512x96xf32, #tpu.memory_space<vmem>>, vector<16xf32>,
      %parallel_loop3A_550 = arith.index_cast %parallel_loop3A_543 : i32 to index
      %parallel_loop3A_551 = arith.constant 16 : index
      %parallel_loop3A_552 = tpu.vector_load %arg14[%parallel_loop3A_550, %parallel_loop3A_551] {strides = array<i32>} : memref<21x32xf32, #tpu.memory_space<vmem>>, vector<16xf32>,
      %parallel_loop3A_553 = arith.index_cast %parallel_loop3A_513 : i32 to index
      %parallel_loop3A_554 = arith.constant 80 : index
      %parallel_loop3A_555 = tpu.vector_load %arg15[%parallel_loop3A_553, %parallel_loop3A_554] {strides = array<i32>} : memref<512x96xf32, #tpu.memory_space<vmem>>, vector<16xf32>,
      tpu.vector_store %arg15[%parallel_loop3A_553, %parallel_loop3A_554], %parallel_loop3A_552 {strides = array<i32>} : memref<512x96xf32, #tpu.memory_space<vmem>>, vector<16xf32>,
      %parallel_loop3A_556 = arith.constant 16 : i32
      %parallel_loop3A_557 = arith.muli %parallel_loop3A_37, %parallel_loop3A_556 : i32
      %parallel_loop3A_558 = arith.constant 11 : i32
      %parallel_loop3A_559 = arith.addi %parallel_loop3A_557, %parallel_loop3A_558 : i32
      %parallel_loop3A_560 = vector.extract_strided_slice %parallel_loop3A_41 {offsets = [11], sizes = [1], strides = [1]} : vector<16xi32> to vector<1xi32>
      %parallel_loop3A_561 = vector.extract %parallel_loop3A_560[0] : i32 from vector<1xi32>
      %parallel_loop3A_562 = arith.index_cast %parallel_loop3A_561 : i32 to index
      %parallel_loop3A_563 = arith.constant 0 : index
      %parallel_loop3A_564 = tpu.vector_load %arg12[%parallel_loop3A_562, %parallel_loop3A_563] {strides = array<i32>} : memref<2x32xf32, #tpu.memory_space<vmem>>, vector<16xf32>,
      %parallel_loop3A_565 = arith.index_cast %parallel_loop3A_559 : i32 to index
      %parallel_loop3A_566 = arith.constant 0 : index
      %parallel_loop3A_567 = tpu.vector_load %arg15[%parallel_loop3A_565, %parallel_loop3A_566] {strides = array<i32>} : memref<512x96xf32, #tpu.memory_space<vmem>>, vector<16xf32>,
      tpu.vector_store %arg15[%parallel_loop3A_565, %parallel_loop3A_566], %parallel_loop3A_564 {strides = array<i32>} : memref<512x96xf32, #tpu.memory_space<vmem>>, vector<16xf32>,
      %parallel_loop3A_568 = arith.index_cast %parallel_loop3A_561 : i32 to index
      %parallel_loop3A_569 = arith.constant 16 : index
      %parallel_loop3A_570 = tpu.vector_load %arg12[%parallel_loop3A_568, %parallel_loop3A_569] {strides = array<i32>} : memref<2x32xf32, #tpu.memory_space<vmem>>, vector<16xf32>,
      %parallel_loop3A_571 = arith.index_cast %parallel_loop3A_559 : i32 to index
      %parallel_loop3A_572 = arith.constant 16 : index
      %parallel_loop3A_573 = tpu.vector_load %arg15[%parallel_loop3A_571, %parallel_loop3A_572] {strides = array<i32>} : memref<512x96xf32, #tpu.memory_space<vmem>>, vector<16xf32>,
      tpu.vector_store %arg15[%parallel_loop3A_571, %parallel_loop3A_572], %parallel_loop3A_570 {strides = array<i32>} : memref<512x96xf32, #tpu.memory_space<vmem>>, vector<16xf32>,
      %parallel_loop3A_574 = vector.extract_strided_slice %parallel_loop3A_45 {offsets = [11], sizes = [1], strides = [1]} : vector<16xi32> to vector<1xi32>
      %parallel_loop3A_575 = vector.extract %parallel_loop3A_574[0] : i32 from vector<1xi32>
      %parallel_loop3A_576 = arith.index_cast %parallel_loop3A_575 : i32 to index
      %parallel_loop3A_577 = arith.constant 0 : index
      %parallel_loop3A_578 = tpu.vector_load %arg13[%parallel_loop3A_576, %parallel_loop3A_577] {strides = array<i32>} : memref<7x32xf32, #tpu.memory_space<vmem>>, vector<16xf32>,
      %parallel_loop3A_579 = arith.index_cast %parallel_loop3A_559 : i32 to index
      %parallel_loop3A_580 = arith.constant 32 : index
      %parallel_loop3A_581 = tpu.vector_load %arg15[%parallel_loop3A_579, %parallel_loop3A_580] {strides = array<i32>} : memref<512x96xf32, #tpu.memory_space<vmem>>, vector<16xf32>,
      tpu.vector_store %arg15[%parallel_loop3A_579, %parallel_loop3A_580], %parallel_loop3A_578 {strides = array<i32>} : memref<512x96xf32, #tpu.memory_space<vmem>>, vector<16xf32>,
      %parallel_loop3A_582 = arith.index_cast %parallel_loop3A_575 : i32 to index
      %parallel_loop3A_583 = arith.constant 16 : index
      %parallel_loop3A_584 = tpu.vector_load %arg13[%parallel_loop3A_582, %parallel_loop3A_583] {strides = array<i32>} : memref<7x32xf32, #tpu.memory_space<vmem>>, vector<16xf32>,
      %parallel_loop3A_585 = arith.index_cast %parallel_loop3A_559 : i32 to index
      %parallel_loop3A_586 = arith.constant 48 : index
      %parallel_loop3A_587 = tpu.vector_load %arg15[%parallel_loop3A_585, %parallel_loop3A_586] {strides = array<i32>} : memref<512x96xf32, #tpu.memory_space<vmem>>, vector<16xf32>,
      tpu.vector_store %arg15[%parallel_loop3A_585, %parallel_loop3A_586], %parallel_loop3A_584 {strides = array<i32>} : memref<512x96xf32, #tpu.memory_space<vmem>>, vector<16xf32>,
      %parallel_loop3A_588 = vector.extract_strided_slice %parallel_loop3A_49 {offsets = [11], sizes = [1], strides = [1]} : vector<16xi32> to vector<1xi32>
      %parallel_loop3A_589 = vector.extract %parallel_loop3A_588[0] : i32 from vector<1xi32>
      %parallel_loop3A_590 = arith.index_cast %parallel_loop3A_589 : i32 to index
      %parallel_loop3A_591 = arith.constant 0 : index
      %parallel_loop3A_592 = tpu.vector_load %arg14[%parallel_loop3A_590, %parallel_loop3A_591] {strides = array<i32>} : memref<21x32xf32, #tpu.memory_space<vmem>>, vector<16xf32>,
      %parallel_loop3A_593 = arith.index_cast %parallel_loop3A_559 : i32 to index
      %parallel_loop3A_594 = arith.constant 64 : index
      %parallel_loop3A_595 = tpu.vector_load %arg15[%parallel_loop3A_593, %parallel_loop3A_594] {strides = array<i32>} : memref<512x96xf32, #tpu.memory_space<vmem>>, vector<16xf32>,
      tpu.vector_store %arg15[%parallel_loop3A_593, %parallel_loop3A_594], %parallel_loop3A_592 {strides = array<i32>} : memref<512x96xf32, #tpu.memory_space<vmem>>, vector<16xf32>,
      %parallel_loop3A_596 = arith.index_cast %parallel_loop3A_589 : i32 to index
      %parallel_loop3A_597 = arith.constant 16 : index
      %parallel_loop3A_598 = tpu.vector_load %arg14[%parallel_loop3A_596, %parallel_loop3A_597] {strides = array<i32>} : memref<21x32xf32, #tpu.memory_space<vmem>>, vector<16xf32>,
      %parallel_loop3A_599 = arith.index_cast %parallel_loop3A_559 : i32 to index
      %parallel_loop3A_600 = arith.constant 80 : index
      %parallel_loop3A_601 = tpu.vector_load %arg15[%parallel_loop3A_599, %parallel_loop3A_600] {strides = array<i32>} : memref<512x96xf32, #tpu.memory_space<vmem>>, vector<16xf32>,
      tpu.vector_store %arg15[%parallel_loop3A_599, %parallel_loop3A_600], %parallel_loop3A_598 {strides = array<i32>} : memref<512x96xf32, #tpu.memory_space<vmem>>, vector<16xf32>,
      %parallel_loop3A_602 = arith.constant 16 : i32
      %parallel_loop3A_603 = arith.muli %parallel_loop3A_37, %parallel_loop3A_602 : i32
      %parallel_loop3A_604 = arith.constant 12 : i32
      %parallel_loop3A_605 = arith.addi %parallel_loop3A_603, %parallel_loop3A_604 : i32
      %parallel_loop3A_606 = vector.extract_strided_slice %parallel_loop3A_41 {offsets = [12], sizes = [1], strides = [1]} : vector<16xi32> to vector<1xi32>
      %parallel_loop3A_607 = vector.extract %parallel_loop3A_606[0] : i32 from vector<1xi32>
      %parallel_loop3A_608 = arith.index_cast %parallel_loop3A_607 : i32 to index
      %parallel_loop3A_609 = arith.constant 0 : index
      %parallel_loop3A_610 = tpu.vector_load %arg12[%parallel_loop3A_608, %parallel_loop3A_609] {strides = array<i32>} : memref<2x32xf32, #tpu.memory_space<vmem>>, vector<16xf32>,
      %parallel_loop3A_611 = arith.index_cast %parallel_loop3A_605 : i32 to index
      %parallel_loop3A_612 = arith.constant 0 : index
      %parallel_loop3A_613 = tpu.vector_load %arg15[%parallel_loop3A_611, %parallel_loop3A_612] {strides = array<i32>} : memref<512x96xf32, #tpu.memory_space<vmem>>, vector<16xf32>,
      tpu.vector_store %arg15[%parallel_loop3A_611, %parallel_loop3A_612], %parallel_loop3A_610 {strides = array<i32>} : memref<512x96xf32, #tpu.memory_space<vmem>>, vector<16xf32>,
      %parallel_loop3A_614 = arith.index_cast %parallel_loop3A_607 : i32 to index
      %parallel_loop3A_615 = arith.constant 16 : index
      %parallel_loop3A_616 = tpu.vector_load %arg12[%parallel_loop3A_614, %parallel_loop3A_615] {strides = array<i32>} : memref<2x32xf32, #tpu.memory_space<vmem>>, vector<16xf32>,
      %parallel_loop3A_617 = arith.index_cast %parallel_loop3A_605 : i32 to index
      %parallel_loop3A_618 = arith.constant 16 : index
      %parallel_loop3A_619 = tpu.vector_load %arg15[%parallel_loop3A_617, %parallel_loop3A_618] {strides = array<i32>} : memref<512x96xf32, #tpu.memory_space<vmem>>, vector<16xf32>,
      tpu.vector_store %arg15[%parallel_loop3A_617, %parallel_loop3A_618], %parallel_loop3A_616 {strides = array<i32>} : memref<512x96xf32, #tpu.memory_space<vmem>>, vector<16xf32>,
      %parallel_loop3A_620 = vector.extract_strided_slice %parallel_loop3A_45 {offsets = [12], sizes = [1], strides = [1]} : vector<16xi32> to vector<1xi32>
      %parallel_loop3A_621 = vector.extract %parallel_loop3A_620[0] : i32 from vector<1xi32>
      %parallel_loop3A_622 = arith.index_cast %parallel_loop3A_621 : i32 to index
      %parallel_loop3A_623 = arith.constant 0 : index
      %parallel_loop3A_624 = tpu.vector_load %arg13[%parallel_loop3A_622, %parallel_loop3A_623] {strides = array<i32>} : memref<7x32xf32, #tpu.memory_space<vmem>>, vector<16xf32>,
      %parallel_loop3A_625 = arith.index_cast %parallel_loop3A_605 : i32 to index
      %parallel_loop3A_626 = arith.constant 32 : index
      %parallel_loop3A_627 = tpu.vector_load %arg15[%parallel_loop3A_625, %parallel_loop3A_626] {strides = array<i32>} : memref<512x96xf32, #tpu.memory_space<vmem>>, vector<16xf32>,
      tpu.vector_store %arg15[%parallel_loop3A_625, %parallel_loop3A_626], %parallel_loop3A_624 {strides = array<i32>} : memref<512x96xf32, #tpu.memory_space<vmem>>, vector<16xf32>,
      %parallel_loop3A_628 = arith.index_cast %parallel_loop3A_621 : i32 to index
      %parallel_loop3A_629 = arith.constant 16 : index
      %parallel_loop3A_630 = tpu.vector_load %arg13[%parallel_loop3A_628, %parallel_loop3A_629] {strides = array<i32>} : memref<7x32xf32, #tpu.memory_space<vmem>>, vector<16xf32>,
      %parallel_loop3A_631 = arith.index_cast %parallel_loop3A_605 : i32 to index
      %parallel_loop3A_632 = arith.constant 48 : index
      %parallel_loop3A_633 = tpu.vector_load %arg15[%parallel_loop3A_631, %parallel_loop3A_632] {strides = array<i32>} : memref<512x96xf32, #tpu.memory_space<vmem>>, vector<16xf32>,
      tpu.vector_store %arg15[%parallel_loop3A_631, %parallel_loop3A_632], %parallel_loop3A_630 {strides = array<i32>} : memref<512x96xf32, #tpu.memory_space<vmem>>, vector<16xf32>,
      %parallel_loop3A_634 = vector.extract_strided_slice %parallel_loop3A_49 {offsets = [12], sizes = [1], strides = [1]} : vector<16xi32> to vector<1xi32>
      %parallel_loop3A_635 = vector.extract %parallel_loop3A_634[0] : i32 from vector<1xi32>
      %parallel_loop3A_636 = arith.index_cast %parallel_loop3A_635 : i32 to index
      %parallel_loop3A_637 = arith.constant 0 : index
      %parallel_loop3A_638 = tpu.vector_load %arg14[%parallel_loop3A_636, %parallel_loop3A_637] {strides = array<i32>} : memref<21x32xf32, #tpu.memory_space<vmem>>, vector<16xf32>,
      %parallel_loop3A_639 = arith.index_cast %parallel_loop3A_605 : i32 to index
      %parallel_loop3A_640 = arith.constant 64 : index
      %parallel_loop3A_641 = tpu.vector_load %arg15[%parallel_loop3A_639, %parallel_loop3A_640] {strides = array<i32>} : memref<512x96xf32, #tpu.memory_space<vmem>>, vector<16xf32>,
      tpu.vector_store %arg15[%parallel_loop3A_639, %parallel_loop3A_640], %parallel_loop3A_638 {strides = array<i32>} : memref<512x96xf32, #tpu.memory_space<vmem>>, vector<16xf32>,
      %parallel_loop3A_642 = arith.index_cast %parallel_loop3A_635 : i32 to index
      %parallel_loop3A_643 = arith.constant 16 : index
      %parallel_loop3A_644 = tpu.vector_load %arg14[%parallel_loop3A_642, %parallel_loop3A_643] {strides = array<i32>} : memref<21x32xf32, #tpu.memory_space<vmem>>, vector<16xf32>,
      %parallel_loop3A_645 = arith.index_cast %parallel_loop3A_605 : i32 to index
      %parallel_loop3A_646 = arith.constant 80 : index
      %parallel_loop3A_647 = tpu.vector_load %arg15[%parallel_loop3A_645, %parallel_loop3A_646] {strides = array<i32>} : memref<512x96xf32, #tpu.memory_space<vmem>>, vector<16xf32>,
      tpu.vector_store %arg15[%parallel_loop3A_645, %parallel_loop3A_646], %parallel_loop3A_644 {strides = array<i32>} : memref<512x96xf32, #tpu.memory_space<vmem>>, vector<16xf32>,
      %parallel_loop3A_648 = arith.constant 16 : i32
      %parallel_loop3A_649 = arith.muli %parallel_loop3A_37, %parallel_loop3A_648 : i32
      %parallel_loop3A_650 = arith.constant 13 : i32
      %parallel_loop3A_651 = arith.addi %parallel_loop3A_649, %parallel_loop3A_650 : i32
      %parallel_loop3A_652 = vector.extract_strided_slice %parallel_loop3A_41 {offsets = [13], sizes = [1], strides = [1]} : vector<16xi32> to vector<1xi32>
      %parallel_loop3A_653 = vector.extract %parallel_loop3A_652[0] : i32 from vector<1xi32>
      %parallel_loop3A_654 = arith.index_cast %parallel_loop3A_653 : i32 to index
      %parallel_loop3A_655 = arith.constant 0 : index
      %parallel_loop3A_656 = tpu.vector_load %arg12[%parallel_loop3A_654, %parallel_loop3A_655] {strides = array<i32>} : memref<2x32xf32, #tpu.memory_space<vmem>>, vector<16xf32>,
      %parallel_loop3A_657 = arith.index_cast %parallel_loop3A_651 : i32 to index
      %parallel_loop3A_658 = arith.constant 0 : index
      %parallel_loop3A_659 = tpu.vector_load %arg15[%parallel_loop3A_657, %parallel_loop3A_658] {strides = array<i32>} : memref<512x96xf32, #tpu.memory_space<vmem>>, vector<16xf32>,
      tpu.vector_store %arg15[%parallel_loop3A_657, %parallel_loop3A_658], %parallel_loop3A_656 {strides = array<i32>} : memref<512x96xf32, #tpu.memory_space<vmem>>, vector<16xf32>,
      %parallel_loop3A_660 = arith.index_cast %parallel_loop3A_653 : i32 to index
      %parallel_loop3A_661 = arith.constant 16 : index
      %parallel_loop3A_662 = tpu.vector_load %arg12[%parallel_loop3A_660, %parallel_loop3A_661] {strides = array<i32>} : memref<2x32xf32, #tpu.memory_space<vmem>>, vector<16xf32>,
      %parallel_loop3A_663 = arith.index_cast %parallel_loop3A_651 : i32 to index
      %parallel_loop3A_664 = arith.constant 16 : index
      %parallel_loop3A_665 = tpu.vector_load %arg15[%parallel_loop3A_663, %parallel_loop3A_664] {strides = array<i32>} : memref<512x96xf32, #tpu.memory_space<vmem>>, vector<16xf32>,
      tpu.vector_store %arg15[%parallel_loop3A_663, %parallel_loop3A_664], %parallel_loop3A_662 {strides = array<i32>} : memref<512x96xf32, #tpu.memory_space<vmem>>, vector<16xf32>,
      %parallel_loop3A_666 = vector.extract_strided_slice %parallel_loop3A_45 {offsets = [13], sizes = [1], strides = [1]} : vector<16xi32> to vector<1xi32>
      %parallel_loop3A_667 = vector.extract %parallel_loop3A_666[0] : i32 from vector<1xi32>
      %parallel_loop3A_668 = arith.index_cast %parallel_loop3A_667 : i32 to index
      %parallel_loop3A_669 = arith.constant 0 : index
      %parallel_loop3A_670 = tpu.vector_load %arg13[%parallel_loop3A_668, %parallel_loop3A_669] {strides = array<i32>} : memref<7x32xf32, #tpu.memory_space<vmem>>, vector<16xf32>,
      %parallel_loop3A_671 = arith.index_cast %parallel_loop3A_651 : i32 to index
      %parallel_loop3A_672 = arith.constant 32 : index
      %parallel_loop3A_673 = tpu.vector_load %arg15[%parallel_loop3A_671, %parallel_loop3A_672] {strides = array<i32>} : memref<512x96xf32, #tpu.memory_space<vmem>>, vector<16xf32>,
      tpu.vector_store %arg15[%parallel_loop3A_671, %parallel_loop3A_672], %parallel_loop3A_670 {strides = array<i32>} : memref<512x96xf32, #tpu.memory_space<vmem>>, vector<16xf32>,
      %parallel_loop3A_674 = arith.index_cast %parallel_loop3A_667 : i32 to index
      %parallel_loop3A_675 = arith.constant 16 : index
      %parallel_loop3A_676 = tpu.vector_load %arg13[%parallel_loop3A_674, %parallel_loop3A_675] {strides = array<i32>} : memref<7x32xf32, #tpu.memory_space<vmem>>, vector<16xf32>,
      %parallel_loop3A_677 = arith.index_cast %parallel_loop3A_651 : i32 to index
      %parallel_loop3A_678 = arith.constant 48 : index
      %parallel_loop3A_679 = tpu.vector_load %arg15[%parallel_loop3A_677, %parallel_loop3A_678] {strides = array<i32>} : memref<512x96xf32, #tpu.memory_space<vmem>>, vector<16xf32>,
      tpu.vector_store %arg15[%parallel_loop3A_677, %parallel_loop3A_678], %parallel_loop3A_676 {strides = array<i32>} : memref<512x96xf32, #tpu.memory_space<vmem>>, vector<16xf32>,
      %parallel_loop3A_680 = vector.extract_strided_slice %parallel_loop3A_49 {offsets = [13], sizes = [1], strides = [1]} : vector<16xi32> to vector<1xi32>
      %parallel_loop3A_681 = vector.extract %parallel_loop3A_680[0] : i32 from vector<1xi32>
      %parallel_loop3A_682 = arith.index_cast %parallel_loop3A_681 : i32 to index
      %parallel_loop3A_683 = arith.constant 0 : index
      %parallel_loop3A_684 = tpu.vector_load %arg14[%parallel_loop3A_682, %parallel_loop3A_683] {strides = array<i32>} : memref<21x32xf32, #tpu.memory_space<vmem>>, vector<16xf32>,
      %parallel_loop3A_685 = arith.index_cast %parallel_loop3A_651 : i32 to index
      %parallel_loop3A_686 = arith.constant 64 : index
      %parallel_loop3A_687 = tpu.vector_load %arg15[%parallel_loop3A_685, %parallel_loop3A_686] {strides = array<i32>} : memref<512x96xf32, #tpu.memory_space<vmem>>, vector<16xf32>,
      tpu.vector_store %arg15[%parallel_loop3A_685, %parallel_loop3A_686], %parallel_loop3A_684 {strides = array<i32>} : memref<512x96xf32, #tpu.memory_space<vmem>>, vector<16xf32>,
      %parallel_loop3A_688 = arith.index_cast %parallel_loop3A_681 : i32 to index
      %parallel_loop3A_689 = arith.constant 16 : index
      %parallel_loop3A_690 = tpu.vector_load %arg14[%parallel_loop3A_688, %parallel_loop3A_689] {strides = array<i32>} : memref<21x32xf32, #tpu.memory_space<vmem>>, vector<16xf32>,
      %parallel_loop3A_691 = arith.index_cast %parallel_loop3A_651 : i32 to index
      %parallel_loop3A_692 = arith.constant 80 : index
      %parallel_loop3A_693 = tpu.vector_load %arg15[%parallel_loop3A_691, %parallel_loop3A_692] {strides = array<i32>} : memref<512x96xf32, #tpu.memory_space<vmem>>, vector<16xf32>,
      tpu.vector_store %arg15[%parallel_loop3A_691, %parallel_loop3A_692], %parallel_loop3A_690 {strides = array<i32>} : memref<512x96xf32, #tpu.memory_space<vmem>>, vector<16xf32>,
      %parallel_loop3A_694 = arith.constant 16 : i32
      %parallel_loop3A_695 = arith.muli %parallel_loop3A_37, %parallel_loop3A_694 : i32
      %parallel_loop3A_696 = arith.constant 14 : i32
      %parallel_loop3A_697 = arith.addi %parallel_loop3A_695, %parallel_loop3A_696 : i32
      %parallel_loop3A_698 = vector.extract_strided_slice %parallel_loop3A_41 {offsets = [14], sizes = [1], strides = [1]} : vector<16xi32> to vector<1xi32>
      %parallel_loop3A_699 = vector.extract %parallel_loop3A_698[0] : i32 from vector<1xi32>
      %parallel_loop3A_700 = arith.index_cast %parallel_loop3A_699 : i32 to index
      %parallel_loop3A_701 = arith.constant 0 : index
      %parallel_loop3A_702 = tpu.vector_load %arg12[%parallel_loop3A_700, %parallel_loop3A_701] {strides = array<i32>} : memref<2x32xf32, #tpu.memory_space<vmem>>, vector<16xf32>,
      %parallel_loop3A_703 = arith.index_cast %parallel_loop3A_697 : i32 to index
      %parallel_loop3A_704 = arith.constant 0 : index
      %parallel_loop3A_705 = tpu.vector_load %arg15[%parallel_loop3A_703, %parallel_loop3A_704] {strides = array<i32>} : memref<512x96xf32, #tpu.memory_space<vmem>>, vector<16xf32>,
      tpu.vector_store %arg15[%parallel_loop3A_703, %parallel_loop3A_704], %parallel_loop3A_702 {strides = array<i32>} : memref<512x96xf32, #tpu.memory_space<vmem>>, vector<16xf32>,
      %parallel_loop3A_706 = arith.index_cast %parallel_loop3A_699 : i32 to index
      %parallel_loop3A_707 = arith.constant 16 : index
      %parallel_loop3A_708 = tpu.vector_load %arg12[%parallel_loop3A_706, %parallel_loop3A_707] {strides = array<i32>} : memref<2x32xf32, #tpu.memory_space<vmem>>, vector<16xf32>,
      %parallel_loop3A_709 = arith.index_cast %parallel_loop3A_697 : i32 to index
      %parallel_loop3A_710 = arith.constant 16 : index
      %parallel_loop3A_711 = tpu.vector_load %arg15[%parallel_loop3A_709, %parallel_loop3A_710] {strides = array<i32>} : memref<512x96xf32, #tpu.memory_space<vmem>>, vector<16xf32>,
      tpu.vector_store %arg15[%parallel_loop3A_709, %parallel_loop3A_710], %parallel_loop3A_708 {strides = array<i32>} : memref<512x96xf32, #tpu.memory_space<vmem>>, vector<16xf32>,
      %parallel_loop3A_712 = vector.extract_strided_slice %parallel_loop3A_45 {offsets = [14], sizes = [1], strides = [1]} : vector<16xi32> to vector<1xi32>
      %parallel_loop3A_713 = vector.extract %parallel_loop3A_712[0] : i32 from vector<1xi32>
      %parallel_loop3A_714 = arith.index_cast %parallel_loop3A_713 : i32 to index
      %parallel_loop3A_715 = arith.constant 0 : index
      %parallel_loop3A_716 = tpu.vector_load %arg13[%parallel_loop3A_714, %parallel_loop3A_715] {strides = array<i32>} : memref<7x32xf32, #tpu.memory_space<vmem>>, vector<16xf32>,
      %parallel_loop3A_717 = arith.index_cast %parallel_loop3A_697 : i32 to index
      %parallel_loop3A_718 = arith.constant 32 : index
      %parallel_loop3A_719 = tpu.vector_load %arg15[%parallel_loop3A_717, %parallel_loop3A_718] {strides = array<i32>} : memref<512x96xf32, #tpu.memory_space<vmem>>, vector<16xf32>,
      tpu.vector_store %arg15[%parallel_loop3A_717, %parallel_loop3A_718], %parallel_loop3A_716 {strides = array<i32>} : memref<512x96xf32, #tpu.memory_space<vmem>>, vector<16xf32>,
      %parallel_loop3A_720 = arith.index_cast %parallel_loop3A_713 : i32 to index
      %parallel_loop3A_721 = arith.constant 16 : index
      %parallel_loop3A_722 = tpu.vector_load %arg13[%parallel_loop3A_720, %parallel_loop3A_721] {strides = array<i32>} : memref<7x32xf32, #tpu.memory_space<vmem>>, vector<16xf32>,
      %parallel_loop3A_723 = arith.index_cast %parallel_loop3A_697 : i32 to index
      %parallel_loop3A_724 = arith.constant 48 : index
      %parallel_loop3A_725 = tpu.vector_load %arg15[%parallel_loop3A_723, %parallel_loop3A_724] {strides = array<i32>} : memref<512x96xf32, #tpu.memory_space<vmem>>, vector<16xf32>,
      tpu.vector_store %arg15[%parallel_loop3A_723, %parallel_loop3A_724], %parallel_loop3A_722 {strides = array<i32>} : memref<512x96xf32, #tpu.memory_space<vmem>>, vector<16xf32>,
      %parallel_loop3A_726 = vector.extract_strided_slice %parallel_loop3A_49 {offsets = [14], sizes = [1], strides = [1]} : vector<16xi32> to vector<1xi32>
      %parallel_loop3A_727 = vector.extract %parallel_loop3A_726[0] : i32 from vector<1xi32>
      %parallel_loop3A_728 = arith.index_cast %parallel_loop3A_727 : i32 to index
      %parallel_loop3A_729 = arith.constant 0 : index
      %parallel_loop3A_730 = tpu.vector_load %arg14[%parallel_loop3A_728, %parallel_loop3A_729] {strides = array<i32>} : memref<21x32xf32, #tpu.memory_space<vmem>>, vector<16xf32>,
      %parallel_loop3A_731 = arith.index_cast %parallel_loop3A_697 : i32 to index
      %parallel_loop3A_732 = arith.constant 64 : index
      %parallel_loop3A_733 = tpu.vector_load %arg15[%parallel_loop3A_731, %parallel_loop3A_732] {strides = array<i32>} : memref<512x96xf32, #tpu.memory_space<vmem>>, vector<16xf32>,
      tpu.vector_store %arg15[%parallel_loop3A_731, %parallel_loop3A_732], %parallel_loop3A_730 {strides = array<i32>} : memref<512x96xf32, #tpu.memory_space<vmem>>, vector<16xf32>,
      %parallel_loop3A_734 = arith.index_cast %parallel_loop3A_727 : i32 to index
      %parallel_loop3A_735 = arith.constant 16 : index
      %parallel_loop3A_736 = tpu.vector_load %arg14[%parallel_loop3A_734, %parallel_loop3A_735] {strides = array<i32>} : memref<21x32xf32, #tpu.memory_space<vmem>>, vector<16xf32>,
      %parallel_loop3A_737 = arith.index_cast %parallel_loop3A_697 : i32 to index
      %parallel_loop3A_738 = arith.constant 80 : index
      %parallel_loop3A_739 = tpu.vector_load %arg15[%parallel_loop3A_737, %parallel_loop3A_738] {strides = array<i32>} : memref<512x96xf32, #tpu.memory_space<vmem>>, vector<16xf32>,
      tpu.vector_store %arg15[%parallel_loop3A_737, %parallel_loop3A_738], %parallel_loop3A_736 {strides = array<i32>} : memref<512x96xf32, #tpu.memory_space<vmem>>, vector<16xf32>,
      %parallel_loop3A_740 = arith.constant 16 : i32
      %parallel_loop3A_741 = arith.muli %parallel_loop3A_37, %parallel_loop3A_740 : i32
      %parallel_loop3A_742 = arith.constant 15 : i32
      %parallel_loop3A_743 = arith.addi %parallel_loop3A_741, %parallel_loop3A_742 : i32
      %parallel_loop3A_744 = vector.extract_strided_slice %parallel_loop3A_41 {offsets = [15], sizes = [1], strides = [1]} : vector<16xi32> to vector<1xi32>
      %parallel_loop3A_745 = vector.extract %parallel_loop3A_744[0] : i32 from vector<1xi32>
      %parallel_loop3A_746 = arith.index_cast %parallel_loop3A_745 : i32 to index
      %parallel_loop3A_747 = arith.constant 0 : index
      %parallel_loop3A_748 = tpu.vector_load %arg12[%parallel_loop3A_746, %parallel_loop3A_747] {strides = array<i32>} : memref<2x32xf32, #tpu.memory_space<vmem>>, vector<16xf32>,
      %parallel_loop3A_749 = arith.index_cast %parallel_loop3A_743 : i32 to index
      %parallel_loop3A_750 = arith.constant 0 : index
      %parallel_loop3A_751 = tpu.vector_load %arg15[%parallel_loop3A_749, %parallel_loop3A_750] {strides = array<i32>} : memref<512x96xf32, #tpu.memory_space<vmem>>, vector<16xf32>,
      tpu.vector_store %arg15[%parallel_loop3A_749, %parallel_loop3A_750], %parallel_loop3A_748 {strides = array<i32>} : memref<512x96xf32, #tpu.memory_space<vmem>>, vector<16xf32>,
      %parallel_loop3A_752 = arith.index_cast %parallel_loop3A_745 : i32 to index
      %parallel_loop3A_753 = arith.constant 16 : index
      %parallel_loop3A_754 = tpu.vector_load %arg12[%parallel_loop3A_752, %parallel_loop3A_753] {strides = array<i32>} : memref<2x32xf32, #tpu.memory_space<vmem>>, vector<16xf32>,
      %parallel_loop3A_755 = arith.index_cast %parallel_loop3A_743 : i32 to index
      %parallel_loop3A_756 = arith.constant 16 : index
      %parallel_loop3A_757 = tpu.vector_load %arg15[%parallel_loop3A_755, %parallel_loop3A_756] {strides = array<i32>} : memref<512x96xf32, #tpu.memory_space<vmem>>, vector<16xf32>,
      tpu.vector_store %arg15[%parallel_loop3A_755, %parallel_loop3A_756], %parallel_loop3A_754 {strides = array<i32>} : memref<512x96xf32, #tpu.memory_space<vmem>>, vector<16xf32>,
      %parallel_loop3A_758 = vector.extract_strided_slice %parallel_loop3A_45 {offsets = [15], sizes = [1], strides = [1]} : vector<16xi32> to vector<1xi32>
      %parallel_loop3A_759 = vector.extract %parallel_loop3A_758[0] : i32 from vector<1xi32>
      %parallel_loop3A_760 = arith.index_cast %parallel_loop3A_759 : i32 to index
      %parallel_loop3A_761 = arith.constant 0 : index
      %parallel_loop3A_762 = tpu.vector_load %arg13[%parallel_loop3A_760, %parallel_loop3A_761] {strides = array<i32>} : memref<7x32xf32, #tpu.memory_space<vmem>>, vector<16xf32>,
      %parallel_loop3A_763 = arith.index_cast %parallel_loop3A_743 : i32 to index
      %parallel_loop3A_764 = arith.constant 32 : index
      %parallel_loop3A_765 = tpu.vector_load %arg15[%parallel_loop3A_763, %parallel_loop3A_764] {strides = array<i32>} : memref<512x96xf32, #tpu.memory_space<vmem>>, vector<16xf32>,
      tpu.vector_store %arg15[%parallel_loop3A_763, %parallel_loop3A_764], %parallel_loop3A_762 {strides = array<i32>} : memref<512x96xf32, #tpu.memory_space<vmem>>, vector<16xf32>,
      %parallel_loop3A_766 = arith.index_cast %parallel_loop3A_759 : i32 to index
      %parallel_loop3A_767 = arith.constant 16 : index
      %parallel_loop3A_768 = tpu.vector_load %arg13[%parallel_loop3A_766, %parallel_loop3A_767] {strides = array<i32>} : memref<7x32xf32, #tpu.memory_space<vmem>>, vector<16xf32>,
      %parallel_loop3A_769 = arith.index_cast %parallel_loop3A_743 : i32 to index
      %parallel_loop3A_770 = arith.constant 48 : index
      %parallel_loop3A_771 = tpu.vector_load %arg15[%parallel_loop3A_769, %parallel_loop3A_770] {strides = array<i32>} : memref<512x96xf32, #tpu.memory_space<vmem>>, vector<16xf32>,
      tpu.vector_store %arg15[%parallel_loop3A_769, %parallel_loop3A_770], %parallel_loop3A_768 {strides = array<i32>} : memref<512x96xf32, #tpu.memory_space<vmem>>, vector<16xf32>,
      %parallel_loop3A_772 = vector.extract_strided_slice %parallel_loop3A_49 {offsets = [15], sizes = [1], strides = [1]} : vector<16xi32> to vector<1xi32>
      %parallel_loop3A_773 = vector.extract %parallel_loop3A_772[0] : i32 from vector<1xi32>
      %parallel_loop3A_774 = arith.index_cast %parallel_loop3A_773 : i32 to index
      %parallel_loop3A_775 = arith.constant 0 : index
      %parallel_loop3A_776 = tpu.vector_load %arg14[%parallel_loop3A_774, %parallel_loop3A_775] {strides = array<i32>} : memref<21x32xf32, #tpu.memory_space<vmem>>, vector<16xf32>,
      %parallel_loop3A_777 = arith.index_cast %parallel_loop3A_743 : i32 to index
      %parallel_loop3A_778 = arith.constant 64 : index
      %parallel_loop3A_779 = tpu.vector_load %arg15[%parallel_loop3A_777, %parallel_loop3A_778] {strides = array<i32>} : memref<512x96xf32, #tpu.memory_space<vmem>>, vector<16xf32>,
      tpu.vector_store %arg15[%parallel_loop3A_777, %parallel_loop3A_778], %parallel_loop3A_776 {strides = array<i32>} : memref<512x96xf32, #tpu.memory_space<vmem>>, vector<16xf32>,
      %parallel_loop3A_780 = arith.index_cast %parallel_loop3A_773 : i32 to index
      %parallel_loop3A_781 = arith.constant 16 : index
      %parallel_loop3A_782 = tpu.vector_load %arg14[%parallel_loop3A_780, %parallel_loop3A_781] {strides = array<i32>} : memref<21x32xf32, #tpu.memory_space<vmem>>, vector<16xf32>,
      %parallel_loop3A_783 = arith.index_cast %parallel_loop3A_743 : i32 to index
      %parallel_loop3A_784 = arith.constant 80 : index
      %parallel_loop3A_785 = tpu.vector_load %arg15[%parallel_loop3A_783, %parallel_loop3A_784] {strides = array<i32>} : memref<512x96xf32, #tpu.memory_space<vmem>>, vector<16xf32>,
      tpu.vector_store %arg15[%parallel_loop3A_783, %parallel_loop3A_784], %parallel_loop3A_782 {strides = array<i32>} : memref<512x96xf32, #tpu.memory_space<vmem>>, vector<16xf32>,
    } {sc.loop_unroll_factor = 1 : i64, sc.parallel_access}
    %add3A_15 = arith.constant 0 : i32
    %add3A_16 = arith.addi %mul3A_2, %add3A_15 : i32
    %dma_start3A_17 = arith.constant 0 : i32
    %dma_start3A_18 = arith.constant 0 : i32
    %dma_start3A_19 = tpu.memref_slice %arg15[%dma_start3A_17, %dma_start3A_18] : memref<512x96xf32, #tpu.memory_space<vmem>> -> memref<512x96xf32, #tpu.memory_space<vmem>>
    %dma_start3A_20 = arith.constant 0 : i32
    %dma_start3A_21 = tpu.memref_slice %arg8[%add3A_16, %dma_start3A_20] : memref<16384x96xf32, #tpu.memory_space<hbm>> -> memref<512x96xf32, #tpu.memory_space<hbm>>
    %dma_start3A_22 = arith.constant 0 : i32
    %dma_start3A_23 = tpu.memref_slice %arg8[%add3A_16, %dma_start3A_22] : memref<16384x96xf32, #tpu.memory_space<hbm>> -> memref<512x96xf32, #tpu.memory_space<hbm>>
    %dma_start3A_24 = arith.constant 0 : i32
    %dma_start3A_25 = arith.constant 0 : i32
    %dma_start3A_26 = tpu.memref_slice %arg15[%dma_start3A_24, %dma_start3A_25] : memref<512x96xf32, #tpu.memory_space<vmem>> -> memref<512x96xf32, #tpu.memory_space<vmem>>
    tpu.enqueue_dma source(%dma_start3A_26 : memref<512x96xf32, #tpu.memory_space<vmem>>) target(%dma_start3A_23 : memref<512x96xf32, #tpu.memory_space<hbm>>) target_semaphore(%arg17 : memref<!tpu.dma_semaphore, #tpu.memory_space<semaphore_mem>>)
    %dma_wait3A_27 = arith.constant 0 : i32
    %dma_wait3A_28 = arith.constant 0 : i32
    %dma_wait3A_29 = tpu.memref_slice %arg15[%dma_wait3A_27, %dma_wait3A_28] : memref<512x96xf32, #tpu.memory_space<vmem>> -> memref<512x96xf32, #tpu.memory_space<vmem>>
    %dma_wait3A_30 = arith.constant 0 : i32
    %dma_wait3A_31 = tpu.memref_slice %arg8[%add3A_16, %dma_wait3A_30] : memref<16384x96xf32, #tpu.memory_space<hbm>> -> memref<512x96xf32, #tpu.memory_space<hbm>>
    %dma_wait3A_32 = arith.constant 0 : i32
    %dma_wait3A_33 = tpu.memref_slice %arg8[%add3A_16, %dma_wait3A_32] : memref<16384x96xf32, #tpu.memory_space<hbm>> -> memref<512x96xf32, #tpu.memory_space<hbm>>
    %dma_wait3A_34 = arith.constant 0 : i32
    %dma_wait3A_35 = arith.constant 0 : i32
    %dma_wait3A_36 = tpu.memref_slice %arg15[%dma_wait3A_34, %dma_wait3A_35] : memref<512x96xf32, #tpu.memory_space<vmem>> -> memref<512x96xf32, #tpu.memory_space<vmem>>
    tpu.wait_dma2 semaphore(%arg17 : memref<!tpu.dma_semaphore, #tpu.memory_space<semaphore_mem>>) src(%dma_wait3A_36 : memref<512x96xf32, #tpu.memory_space<vmem>>) dst(%dma_wait3A_33 : memref<512x96xf32, #tpu.memory_space<hbm>>)
    return
  }
}

</mosaic_0001>

<sc_bundles>
// kernel: kernel.3.cloned.1.call-start
scs
__scs_entry_jumppad:
0x0: {  	(pc) =	sbr.rel $0x88, $3  }
0x1: {  	(tag) =	ssettag $0x0;
	lr =	simm.s32 $0x1  }
0x2: {  	[smem:$0x3F9B] =	sst lr;
	_ =	strace $0xD0000000  }
0x3: {  	_ = 	snop  }
0x4: {  	_ = 	snop  }
0x5: {  	_ = 	snop  }
0x6: {  	_ = 	snop  }
0x7: {  	_ = 	snop  }
__scs_overlays_trampoline_lowered:
0x8: {  	[smem:$0x3FAA] =	sst s0  }
0x9: {  	[smem:$0x3FAB] =	sst s1  }
0xa: {  	[smem:$0x3FAC] =	sst s2  }
0xb: {  	[smem:$0x3FAD] =	sst s3  }
0xc: {  	[smem:$0x3FAE] =	sst s4  }
0xd: {  	[smem:$0x3FAF] =	sst s5  }
0xe: {  	[smem:$0x3FB0] =	sst s6  }
0xf: {  	[smem:$0x3FB1] =	sst s7  }
0x10: {  	[smem:$0x3FB2] =	sst s8  }
0x11: {  	[smem:$0x3FB3] =	sst s9;
	s0 =	simm.s32 @!p0 $0x0  }
0x12: {  	s1 =	sld [smem:$0x3F99];
	s0 =	simm.s32 @p0 $0x1  }
0x13: {  	[smem:$0x3FB4] =	sst s0;
	s0 =	simm.s32 @!p1 $0x0  }
0x14: {  	s2 =	sld [smem:$0x3F98];
	s0 =	simm.s32 @p1 $0x1  }
0x15: {  	[smem:$0x3FB5] =	sst s0;
	s0 =	simm.s32 @!p2 $0x0  }
0x16: {  	s3 =	sld [smem:$0x3FDB];
	s0 =	simm.s32 @p2 $0x1  }
0x17: {  	s4 =	simm.s32 $0x1BF5;
	[smem:$0x3FB7] =	sst s0  }
0x18: {  	s0 =	sld [smem:$0x3F9A];
	_ =	swait.ge [sflag:s4], $0x0  }
0x19: {  	s7 =	sld [smem:$0x3F9B]  }
0x1a: {  	s8 =	sadd.s32 $0xFFFFE003, lr  }
0x1b: {  	s9 =	sadd.s32 $0xFFFFFEF7, lr;
	s5 =	simm.s32 $0xFFFFFFFF;
	p2 =	slt.u32 s8, $0xFFFFF086  }
0x1c: {  	p1 =	slt.u32 s9, $0xF7A;
	s5 =	simm.s32 @!p2 $0x0  }
0x1d: {  	s5 =	simm.s32 @p1 $0x1;
	p0 =	seq.s32 s7, s2  }
0x1e: {  	s7 =	smul.u32 @!p0 $0xF7A, s2;
	p2 =	seq.s32 @!p0 s5, $0x0  }
0x1f: {  	s9 =	smul.u32 $0xF7A, s1;
	s8 =	simm.s32 @!p0 $0x1BF5;
	p2 =	por !p2, p0  }
0x20: {  	[sflag:s8] =	ssyncset.s32 @!p0 $0xFFFFF086;
	s6 =	sadd.s32 @!p0 s3, s7;
	s7 =	simm.s32 @!p0 $0x108  }
0x21: {  	s3 =	sadd.s32 s3, s9;
	s6 =	sadd.s32 @!p0 $0x88, s6;
	s7 =	simm.s32 @p2 $0x1082  }
0x22: {  	[simem:s7], [sflag:s8] =	dma.local @!p0 [hbm:s6], $0xF7A  }
0x23: {  	s9 =	sor.u32 $0xD0000000, s2;
	s6 =	simm.s32 $0x108;
	_ =	swait.ge @!p0 [sflag:s8], $0x0  }
0x24: {  	s3 =	sadd.s32 $0x88, s3;
	s6 =	simm.s32 @!p1 $0x1082;
	[sflag:s4] =	ssyncset.s32 $0xFFFFF086  }
0x25: {  	[simem:s6], [sflag:s4] =	dma.local [hbm:s3], $0xF7A  }
0x26: {  	[smem:$0x3F9B] =	sst s1;
	(tag) =	ssettag s2;
	_ =	strace s9  }
0x27: {  	s1 =	sld [smem:$0x3FAB]  }
0x28: {  	s2 =	sld [smem:$0x3FAC]  }
0x29: {  	s4 =	sld [smem:$0x3FAE]  }
0x2a: {  	p0 =	seq.s32 s5, $0x0;
	s5 =	sld [smem:$0x3FAF]  }
0x2b: {  	s6 =	sld [smem:$0x3FB0]  }
0x2c: {  	s7 =	sld [smem:$0x3FB1]  }
0x2d: {  	s3 =	simm.s32 $0x108;
	s8 =	sld [smem:$0x3FB2]  }
0x2e: {  	s3 =	simm.s32 @!p0 $0x1082;
	s9 =	sld [smem:$0x3FB3]  }
0x2f: {  	lr =	sadd.s32 s0, s3;
	s0 =	sld [smem:$0x3FAA]  }
0x30: {  	s3 =	sld [smem:$0x3FAD]  }
0x31: {  	[smem:$0x3FB6] =	sst s10  }
0x32: {  	s10 =	sld [smem:$0x3FB4];
	_ =	sdelay $0x3  }
0x33: {  	p0 =	seq.s32 s10, $0x1;
	s10 =	sld [smem:$0x3FB6];
	_ =	sdelay $0x3  }
0x34: {  	[smem:$0x3FB6] =	sst s10  }
0x35: {  	s10 =	sld [smem:$0x3FB5];
	_ =	sdelay $0x3  }
0x36: {  	p1 =	seq.s32 s10, $0x1;
	s10 =	sld [smem:$0x3FB6];
	_ =	sdelay $0x3  }
0x37: {  	[smem:$0x3FB6] =	sst s10  }
0x38: {  	s10 =	sld [smem:$0x3FB7]  }
0x39: {  	_ = 	snop;
	(pc) =	sbr.ind lr, $3  }
0x3a: {  	_ = 	snop  }
0x3b: {  	_ = 	snop  }
0x3c: {  	p2 =	seq.s32 s10, $0x1;
	s10 =	sld [smem:$0x3FB6]  }
0x3d: {  	_ =	shalt  }
0x3e: {  	_ =	shalt  }
0x3f: {  	_ =	shalt  }
0x40: {  	_ =	shalt  }
0x41: {  	_ =	shalt  }
0x42: {  	_ =	shalt  }
0x43: {  	_ =	shalt  }
0x44: {  	_ =	shalt  }
0x45: {  	_ =	shalt  }
0x46: {  	_ =	shalt  }
0x47: {  	_ =	shalt  }
0x48: {  	_ =	shalt  }
0x49: {  	_ =	shalt  }
0x4a: {  	_ =	shalt  }
0x4b: {  	_ =	shalt  }
0x4c: {  	_ =	shalt  }
0x4d: {  	_ =	shalt  }
0x4e: {  	_ =	shalt  }
0x4f: {  	_ =	shalt  }
0x50: {  	_ =	shalt  }
0x51: {  	_ =	shalt  }
0x52: {  	_ =	shalt  }
0x53: {  	_ =	shalt  }
0x54: {  	_ =	shalt  }
0x55: {  	_ =	shalt  }
0x56: {  	_ =	shalt  }
0x57: {  	_ =	shalt  }
0x58: {  	_ =	shalt  }
0x59: {  	_ =	shalt  }
0x5a: {  	_ =	shalt  }
0x5b: {  	_ =	shalt  }
0x5c: {  	_ =	shalt  }
0x5d: {  	_ =	shalt  }
0x5e: {  	_ =	shalt  }
0x5f: {  	_ =	shalt  }
0x60: {  	_ =	shalt  }
0x61: {  	_ =	shalt  }
0x62: {  	_ =	shalt  }
0x63: {  	_ =	shalt  }
0x64: {  	_ =	shalt  }
0x65: {  	_ =	shalt  }
0x66: {  	_ =	shalt  }
0x67: {  	_ =	shalt  }
0x68: {  	_ =	shalt  }
0x69: {  	_ =	shalt  }
0x6a: {  	_ =	shalt  }
0x6b: {  	_ =	shalt  }
0x6c: {  	_ =	shalt  }
0x6d: {  	_ =	shalt  }
0x6e: {  	_ =	shalt  }
0x6f: {  	_ =	shalt  }
0x70: {  	_ =	shalt  }
0x71: {  	_ =	shalt  }
0x72: {  	_ =	shalt  }
0x73: {  	_ =	shalt  }
0x74: {  	_ =	shalt  }
0x75: {  	_ =	shalt  }
0x76: {  	_ =	shalt  }
0x77: {  	_ =	shalt  }
0x78: {  	_ =	shalt  }
0x79: {  	_ =	shalt  }
0x7a: {  	_ =	shalt  }
0x7b: {  	_ =	shalt  }
0x7c: {  	_ =	shalt  }
0x7d: {  	_ =	shalt  }
0x7e: {  	_ =	shalt  }
0x7f: {  	_ =	shalt  }
0x80: {  	_ =	shalt  }
0x81: {  	_ =	shalt  }
0x82: {  	_ =	shalt  }
0x83: {  	_ =	shalt  }
0x84: {  	_ =	shalt  }
0x85: {  	_ =	shalt  }
0x86: {  	_ =	shalt  }
0x87: {  	_ =	shalt  }
.Lfunc_end0:
.L_simem_size_0:
called_computation_lowered:
.L_overlay_start_0:
0x88: {  	s2 =	sld [smem:$0x3FD9]  }
0x89: {  	s3 =	sld [smem:$0x3FFE];
	_ =	sdelay $0x1  }
0x8a: {  	s1 =	srdreg.scid  }
0x8b: {  	s0 =	sand.u32 $0x1, s1  }
0x8c: {  	s17 =	sshll.u32 s0, $0xA;
	s2 =	sadd.s32 s3, s2  }
0x8d: {  	s2 =	sadd.s32 s2, s17  }
0x8e: {  	[smem:$0x3FC2] =	sst s2  }
0x8f: {  	_ = 	snop  }
0x90: {  	s2 =	sld [smem:$0x3FC9]  }
0x91: {  	s18 =	sld [smem:$0x3FC8]  }
0x92: {  	s4 =	sld [smem:$0x3FC7]  }
0x93: {  	s5 =	sld [smem:$0x3FC6]  }
0x94: {  	s6 =	sld [smem:$0x3FC5]  }
0x95: {  	s7 =	sld [smem:$0x3FC4];
	(tm) =	ssettm $0x1  }
0x96: {  	s8 =	sld [smem:$0x3FFB];
	_ =	sdelay $0x3  }
0x97: {  	_ =	strace s8  }
0x98: {  	s8 =	sld [smem:$0x3FFC];
	_ =	sdelay $0x3  }
0x99: {  	_ =	strace s8  }
0x9a: {  	s8 =	sld [smem:$0x3FFD];
	_ =	sdelay $0x3  }
0x9b: {  	_ =	strace s8  }
0x9c: {  	_ =	strace $0x8FFFFFFF  }
0x9d: {  	s19 =	sld [smem:$0x3FDB];
	_ =	sdelay $0x1  }
0x9e: {  	s9 =	simm.s32 $_scs_section_size  }
0x9f: {  	s10 =	simm.s32 $_size__tile_overlayer_lowered;
	s11 =	simm.s32 $_tile_overlayer_lowered  }
0xa0: {  	s22 =	simm.s32 $0x1BFF;
	s21 =	sshll.u32 s11, $0x1;
	s8 =	sadd.s32 s9, s19  }
0xa1: {  	s12 =	simm.s32 $0x0;
	s20 =	sshll.u32 s10, $0x1;
	s10 =	sadd.s32 s21, s8  }
0xa2: {  	[timem:s12], [sflag:s22] =	dma.local [hbm:s10], s20  }
0xa3: {  	_ =	swait.ge [sflag:s22], s20  }
0xa4: {  	s9 =	ssub.s32 $0x0, s20;
	[sflag:s22] =	ssyncset.done $0x0  }
0xa5: {  	[sflag:s22] =	ssyncadd.s32 s9;
	_ =	sdelay $0x1  }
0xa6: {  	s23 =	simm.s32 $0x1B8B  }
0xa7: {  	_ =	swait.ge [sflag:s23], $0x1  }
0xa8: {  	[sflag:s23] =	ssyncset.done $0x0  }
0xa9: {  	s25 =	simm.s32 $0x1B8E;
	s24 =	sld [smem:$0x3FFE];
	[sflag:s23] =	ssyncadd.s32 $0xFFFFFFFF  }
0xaa: {  	s26 =	simm.s32 $execute0_lowered;
	[smem:$0x3FD2] =	sst s25  }
0xab: {  	s10 =	sshll.u32 s26, $0x1;
	_ =	strace $0x80000046;
	[dreg:$0x1] =	wrdreg $0xFFFFFFFF  }
0xac: {  	s28 =	simm.s32 $_size_execute0_lowered;
	s8 =	sadd.s32 s8, s10;
	[dreg:$0x0] =	wrdreg $0x0  }
0xad: {  	s10 =	sshll.u32 s28, $0x1;
	[dreg:$0x2] =	wrdreg s8  }
0xae: {  	[dreg:$0x3] =	wrdreg s10  }
0xaf: {  	[dreg:$0x4] =	wrdreg $0xC0  }
0xb0: {  	_ =	task [dreg:s12], $0x5FFFF  }
0xb1: {  	[dreg:$0x1] =	wrdreg $0xFFFFFFFF  }
0xb2: {  	[dreg:$0x0] =	wrdreg $0x60  }
0xb3: {  	[dreg:$0x2] =	wrdreg s2  }
0xb4: {  	[dreg:$0x3] =	wrdreg s18  }
0xb5: {  	[dreg:$0x4] =	wrdreg s4  }
0xb6: {  	[dreg:$0x5] =	wrdreg s5  }
0xb7: {  	[dreg:$0x6] =	wrdreg s6  }
0xb8: {  	[dreg:$0x7] =	wrdreg s7  }
0xb9: {  	[dreg:$0x8] =	wrdreg s24  }
0xba: {  	[dreg:$0x9] =	wrdreg $0x9  }
0xbb: {  	_ =	task.clear_ibuf [dreg:s12], $0xAFFFF;
	_ =	strace $0x90000046  }
0xbc: {  	s29 =	simm.s32 $0x9;
	_ =	strace $0x80000048  }
0xbd: {  	_ =	swait.ge [sflag:s29], $0x1  }
0xbe: {  	[sflag:s29] =	ssyncadd.s32 $0xFFFFFFFF  }
0xbf: {  	_ =	strace $0x90000048  }
0xc0: {  	_ =	sfence  }
0xc1: {  	s30 =	sld [smem:$0x0];
	_ =	sdelay $0x2  }
0xc2: {  	s31 =	sshll.u32 s1, $0xD;
	s1 =	sshrl.u32 s1, $0x2  }
0xc3: {  	s3 =	sand.u32 $0x4000, s31;
	s1 =	sadd.s32 s1, s30  }
0xc4: {  	s0 =	sor.u32 s3, s0;
	s1 =	sshll.u32 s1, $0x11  }
0xc5: {  	s0 =	sor.u32 s1, s0  }
0xc6: {  	s0 =	sadd.s32 $0x8F2B, s0  }
0xc7: {  	[sflag:s0] =	ssyncadd.remote.s32 $0x1  }
0xc8: {  	_ =	sfence.sel $0xFFFF  }
0xc9: {  	[dreg:$0x0] =	wrdreg $0xFFFFFFFF;
	(pc) =	sbr.abs _section_cstart, $3  }
0xca: {  	[dreg:$0x1] =	wrdreg $0xFFFFFFFF  }
0xcb: {  	_ =	task.clear_ibuf [dreg:s12], $0x2FFFF;
	_ =	strace $0x9FFFFFFF  }
0xcc: {  	(tm) =	ssettm $0x7FFFFFFF  }
0xcd: {  	_ =	shalt  }
tec
execute0_lowered:
.L_overlay_start_1:
0x0: {  	(tag) =	ssettag $0x1  }
0x1: {  	s0 =	rddreg [dreg:$0x0];
	s4 =	srdreg.scid  }
0x2: {  	s1 =	rddreg [dreg:$0x1];
	s5 =	stileid.u32;
	s4 =	sand.u32 $0x1, s4  }
0x3: {  	s2 =	rddreg [dreg:$0x2];
	s5 =	sshll.u32 s5, $0xA;
	s6 =	sshll.u32 s4, $0x9  }
0x4: {  	s3 =	rddreg [dreg:$0x6];
	s7 =	simm.s32 $0x0;
	s5 =	sor.u32 s6, s5  }
0x5: {  	[smem:$0x7FF] =	sst s7;
	s6 =	sshll.u32 s5, $0x4;
	s5 =	sshrl.u32 s5, $0x3  }
0x6: {  	_ =	strace $0x80000047;
	s4 =	ssub.s32 $0x2, s4;
	s0 =	sadd.s32 s0, s5  }
0x7: {  	s26 =	sshrl.u32 s4, $0x1;
	s28 =	sadd.s32 s1, s5;
	[dreg:$0x8] =	wrdreg s0  }
0x8: {  	s4 =	ssub.s32 s4, s26;
	s29 =	sadd.s32 s2, s5;
	[dreg:$0x9] =	wrdreg s28  }
0x9: {  	s3 =	sadd.s32 s6, s3;
	s31 =	smax.u32 s4, $0x1;
	[dreg:$0xa] =	wrdreg s29  }
0xa: {  	s30 =	sadd.s32 $0x400, s3;
	[dreg:$0xc] =	wrdreg s31  }
0xb: {  	s2 =	simm.s32 $0x0;
	[dreg:$0xb] =	wrdreg s30  }
.LBB2_1:
0xc: {  	[dreg:$0xd] =	wrdreg s2  }
0xd: {  	s0 =	rddreg [dreg:$0x8]  }
0xe: {  	[tilespmem:s7], [sflag:$0x1] =	stream.linear.gather [hbm4b:s0+s7], $0x200, $0x38;
	[tilespmem:$0x11700] =	vst v63  }
0xf: {  	s9 =	rddreg [dreg:$0x9];
	s1 =	simm.s32 $0x200  }
0x10: {  	[tilespmem:s1], [sflag:$0x1] =	stream.linear.gather [hbm4b:s9+s7], $0x200, $0x38;
	[tilespmem:$0x11700] =	vst v63  }
0x11: {  	s10 =	rddreg [dreg:$0xa];
	s11 =	simm.s32 $0x400  }
0x12: {  	[tilespmem:s11], [sflag:$0x1] =	stream.linear.gather [hbm4b:s10+s7], $0x200, $0x38;
	[tilespmem:$0x11700] =	vst v63  }
0x13: {  	s12 =	rddreg [dreg:$0x3];
	s13 =	simm.s32 $0x600  }
0x14: {  	[tilespmem:s13], [sflag:$0x1] =	stream.linear.gather [hbm4b:s12+s7], $0x100, $0x38;
	[tilespmem:$0x11700] =	vst v63  }
0x15: {  	s14 =	rddreg [dreg:$0x4];
	s15 =	simm.s32 $0x700  }
0x16: {  	[tilespmem:s15], [sflag:$0x1] =	stream.linear.gather [hbm4b:s14+s7], $0x380, $0x38;
	[tilespmem:$0x11700] =	vst v63  }
0x17: {  	s16 =	rddreg [dreg:$0x5];
	s17 =	simm.s32 $0xB00;
	s18 =	simm.s32 $0x1  }
0x18: {  	[tilespmem:s17], [sflag:$0x1] =	stream.linear.gather [hbm4b:s16+s7], $0xA80, $0x38;
	[tilespmem:$0x11700] =	vst v63  }
0x19: {  	_ =	swait.ge [sflag:s18], $0x200  }
0x1a: {  	[sflag:s18] =	ssyncset.done $0x0  }
0x1b: {  	[sflag:s18] =	ssyncadd.s32 $0xFFFFFE00  }
0x1c: {  	_ =	swait.ge [sflag:s18], $0x200  }
0x1d: {  	[sflag:s18] =	ssyncset.done $0x0  }
0x1e: {  	[sflag:s18] =	ssyncadd.s32 $0xFFFFFE00  }
0x1f: {  	_ =	swait.ge [sflag:s18], $0x200  }
0x20: {  	[sflag:s18] =	ssyncset.done $0x0  }
0x21: {  	[sflag:s18] =	ssyncadd.s32 $0xFFFFFE00  }
0x22: {  	_ =	swait.ge [sflag:s18], $0x100  }
0x23: {  	[sflag:s18] =	ssyncset.done $0x0  }
0x24: {  	[sflag:s18] =	ssyncadd.s32 $0xFFFFFF00  }
0x25: {  	_ =	swait.ge [sflag:s18], $0x380  }
0x26: {  	[sflag:s18] =	ssyncset.done $0x0  }
0x27: {  	[sflag:s18] =	ssyncadd.s32 $0xFFFFFC80  }
0x28: {  	_ =	swait.ge [sflag:s18], $0xA80  }
0x29: {  	[sflag:s18] =	ssyncset.done $0x0  }
0x2a: {  	s19 =	simm.s32 $0x0;
	[sflag:s18] =	ssyncadd.s32 $0xFFFFF580  }
0x2b: {  	v0 =	vld [tilespmem:s19+$0x0];
	_ =	sdelay $0x4  }
0x2c: {  	v0 =	vshll.u32 v0, $0x9  }
0x2d: {  	v17 =	vshra.s32 v0, $0x2  }
0x2e: {  	(v2sf) =	vpush v17, $0x0;
	_ =	sdelay $0x4  }
0x2f: {  	v0 =	vld [tilespmem:s19+$0x200];
	_ =	sdelay $0x4  }
0x30: {  	v0 =	vshll.u32 v0, $0x9  }
0x31: {  	s20 =	simm.s32 $0x10;
	v1 =	vld [tilespmem:s19+$0x400];
	v16 =	vshra.s32 v0, $0x2  }
0x32: {  	v2 =	vld [tilespmem:s20+$0x0];
	(v2sf) =	vpush v16, $0x0;
	_ =	sdelay $0x2  }
0x33: {  	s21 =	spop (v2sf)  }
0x34: {  	v0 =	vld [tilespmem:s21+$0x600];
	_ =	sdelay $0x3  }
0x35: {  	s25 =	simm.s32 $0x1B00  }
0x36: {  	[tilespmem:s25+$0xFFFFFC00] =	vst v0  }
0x37: {  	v1 =	vshll.u32 v1, $0x9;
	v0 =	vld [tilespmem:s21+$0x610]  }
0x38: {  	v15 =	vshra.s32 v1, $0x2  }
0x39: {  	(v2sf) =	vpush v15, $0x0;
	_ =	sdelay $0x2  }
0x3a: {  	s22 =	spop (v2sf);
	[tilespmem:s25+$0xFFFFFC10] =	vst v0  }
0x3b: {  	v0 =	vld [tilespmem:s22+$0x700];
	_ =	sdelay $0x4  }
0x3c: {  	[tilespmem:s25+$0xFFFFFC20] =	vst v0  }
0x3d: {  	v0 =	vld [tilespmem:s22+$0x710];
	_ =	sdelay $0x1  }
0x3e: {  	(v2sf) =	vpush v17, $0x1;
	_ =	sdelay $0x2  }
0x3f: {  	s23 =	spop (v2sf);
	[tilespmem:s25+$0xFFFFFC30] =	vst v0  }
0x40: {  	v0 =	vld [tilespmem:s23+$0xB00];
	_ =	sdelay $0x4  }
0x41: {  	[tilespmem:s25+$0xFFFFFC40] =	vst v0  }
0x42: {  	v0 =	vld [tilespmem:s23+$0xB10];
	_ =	sdelay $0x1  }
0x43: {  	(v2sf) =	vpush v16, $0x1;
	_ =	sdelay $0x2  }
0x44: {  	s24 =	spop (v2sf);
	[tilespmem:s25+$0xFFFFFC50] =	vst v0  }
0x45: {  	v0 =	vld [tilespmem:s24+$0x600];
	_ =	sdelay $0x4  }
0x46: {  	[tilespmem:s25+$0xFFFFFC80] =	vst v0  }
0x47: {  	v0 =	vld [tilespmem:s24+$0x610];
	_ =	sdelay $0x1  }
0x48: {  	(v2sf) =	vpush v15, $0x1;
	_ =	sdelay $0x2  }
0x49: {  	s26 =	spop (v2sf);
	[tilespmem:s25+$0xFFFFFC90] =	vst v0  }
0x4a: {  	v0 =	vld [tilespmem:s26+$0x700];
	_ =	sdelay $0x4  }
0x4b: {  	[tilespmem:s25+$0xFFFFFCA0] =	vst v0  }
0x4c: {  	v0 =	vld [tilespmem:s26+$0x710];
	_ =	sdelay $0x1  }
0x4d: {  	(v2sf) =	vpush v17, $0x2;
	_ =	sdelay $0x2  }
0x4e: {  	s29 =	spop (v2sf);
	[tilespmem:s25+$0xFFFFFCB0] =	vst v0  }
0x4f: {  	v0 =	vld [tilespmem:s29+$0xB00];
	_ =	sdelay $0x4  }
0x50: {  	[tilespmem:s25+$0xFFFFFCC0] =	vst v0  }
0x51: {  	v0 =	vld [tilespmem:s29+$0xB10];
	_ =	sdelay $0x1  }
0x52: {  	(v2sf) =	vpush v16, $0x2;
	_ =	sdelay $0x2  }
0x53: {  	s30 =	spop (v2sf);
	[tilespmem:s25+$0xFFFFFCD0] =	vst v0  }
0x54: {  	v0 =	vld [tilespmem:s30+$0x600];
	_ =	sdelay $0x4  }
0x55: {  	[tilespmem:s25+$0xFFFFFD00] =	vst v0  }
0x56: {  	v0 =	vld [tilespmem:s30+$0x610];
	_ =	sdelay $0x1  }
0x57: {  	v1 =	vshll.u32 v2, $0x9;
	(v2sf) =	vpush v15, $0x2  }
0x58: {  	v11 =	vshra.s32 v1, $0x2  }
0x59: {  	(v2sf) =	vpush v11, $0x0  }
0x5a: {  	s31 =	spop (v2sf);
	[tilespmem:s25+$0xFFFFFD10] =	vst v0  }
0x5b: {  	v0 =	vld [tilespmem:s31+$0x700];
	_ =	sdelay $0x2  }
0x5c: {  	v1 =	vld [tilespmem:s20+$0x200];
	_ =	sdelay $0x1  }
0x5d: {  	[tilespmem:s25+$0xFFFFFD20] =	vst v0  }
0x5e: {  	v0 =	vld [tilespmem:s31+$0x710];
	_ =	sdelay $0x1  }
0x5f: {  	v1 =	vshll.u32 v1, $0x9;
	(v2sf) =	vpush v17, $0x3  }
0x60: {  	v10 =	vshra.s32 v1, $0x2  }
0x61: {  	(v2sf) =	vpush v10, $0x0  }
0x62: {  	s2 =	spop (v2sf);
	[tilespmem:s25+$0xFFFFFD30] =	vst v0  }
0x63: {  	v0 =	vld [tilespmem:s2+$0xB00]  }
0x64: {  	s3 =	spop (v2sf)  }
0x65: {  	v1 =	vld [tilespmem:s3+$0x600]  }
0x66: {  	v2 =	vld [tilespmem:s20+$0x400];
	_ =	sdelay $0x1  }
0x67: {  	[tilespmem:s25+$0xFFFFFD40] =	vst v0  }
0x68: {  	s23 =	simm.s32 $0x2300;
	v0 =	vld [tilespmem:s2+$0xB10]  }
0x69: {  	[tilespmem:s23+$0xFFFFFC00] =	vst v1  }
0x6a: {  	v2 =	vshll.u32 v2, $0x9;
	(v2sf) =	vpush v16, $0x3;
	v1 =	vld [tilespmem:s3+$0x610]  }
0x6b: {  	v9 =	vshra.s32 v2, $0x2  }
0x6c: {  	(v2sf) =	vpush v9, $0x0  }
0x6d: {  	s4 =	spop (v2sf);
	[tilespmem:s25+$0xFFFFFD50] =	vst v0  }
0x6e: {  	v0 =	vld [tilespmem:s4+$0x600]  }
0x6f: {  	s5 =	spop (v2sf);
	[tilespmem:s23+$0xFFFFFC10] =	vst v1  }
0x70: {  	v1 =	vld [tilespmem:s5+$0x700];
	_ =	sdelay $0x2  }
0x71: {  	[tilespmem:s25+$0xFFFFFD80] =	vst v0  }
0x72: {  	v0 =	vld [tilespmem:s4+$0x610]  }
0x73: {  	[tilespmem:s23+$0xFFFFFC20] =	vst v1  }
0x74: {  	(v2sf) =	vpush v15, $0x3;
	v1 =	vld [tilespmem:s5+$0x710];
	_ =	sdelay $0x1  }
0x75: {  	(v2sf) =	vpush v11, $0x1  }
0x76: {  	s6 =	spop (v2sf);
	[tilespmem:s25+$0xFFFFFD90] =	vst v0  }
0x77: {  	v0 =	vld [tilespmem:s6+$0x700]  }
0x78: {  	s7 =	spop (v2sf);
	[tilespmem:s23+$0xFFFFFC30] =	vst v1  }
0x79: {  	v1 =	vld [tilespmem:s7+$0xB00];
	_ =	sdelay $0x2  }
0x7a: {  	[tilespmem:s25+$0xFFFFFDA0] =	vst v0  }
0x7b: {  	v0 =	vld [tilespmem:s6+$0x710]  }
0x7c: {  	[tilespmem:s23+$0xFFFFFC40] =	vst v1  }
0x7d: {  	(v2sf) =	vpush v17, $0x4;
	v1 =	vld [tilespmem:s7+$0xB10];
	_ =	sdelay $0x1  }
0x7e: {  	(v2sf) =	vpush v10, $0x1  }
0x7f: {  	s8 =	spop (v2sf);
	[tilespmem:s25+$0xFFFFFDB0] =	vst v0  }
0x80: {  	v0 =	vld [tilespmem:s8+$0xB00]  }
0x81: {  	s9 =	spop (v2sf);
	[tilespmem:s23+$0xFFFFFC50] =	vst v1  }
0x82: {  	v1 =	vld [tilespmem:s9+$0x600];
	_ =	sdelay $0x2  }
0x83: {  	[tilespmem:s25+$0xFFFFFDC0] =	vst v0  }
0x84: {  	v0 =	vld [tilespmem:s8+$0xB10]  }
0x85: {  	[tilespmem:s23+$0xFFFFFC80] =	vst v1  }
0x86: {  	(v2sf) =	vpush v16, $0x4;
	v1 =	vld [tilespmem:s9+$0x610];
	_ =	sdelay $0x1  }
0x87: {  	(v2sf) =	vpush v9, $0x1  }
0x88: {  	s10 =	spop (v2sf);
	[tilespmem:s25+$0xFFFFFDD0] =	vst v0  }
0x89: {  	v0 =	vld [tilespmem:s10+$0x600]  }
0x8a: {  	s11 =	spop (v2sf);
	[tilespmem:s23+$0xFFFFFC90] =	vst v1  }
0x8b: {  	v1 =	vld [tilespmem:s11+$0x700];
	_ =	sdelay $0x2  }
0x8c: {  	[tilespmem:s25+$0xFFFFFE00] =	vst v0  }
0x8d: {  	v0 =	vld [tilespmem:s10+$0x610]  }
0x8e: {  	[tilespmem:s23+$0xFFFFFCA0] =	vst v1  }
0x8f: {  	(v2sf) =	vpush v15, $0x4;
	v1 =	vld [tilespmem:s11+$0x710];
	_ =	sdelay $0x1  }
0x90: {  	(v2sf) =	vpush v11, $0x2  }
0x91: {  	s12 =	spop (v2sf);
	[tilespmem:s25+$0xFFFFFE10] =	vst v0  }
0x92: {  	v0 =	vld [tilespmem:s12+$0x700]  }
0x93: {  	s13 =	spop (v2sf);
	[tilespmem:s23+$0xFFFFFCB0] =	vst v1  }
0x94: {  	v1 =	vld [tilespmem:s13+$0xB00];
	_ =	sdelay $0x2  }
0x95: {  	[tilespmem:s25+$0xFFFFFE20] =	vst v0  }
0x96: {  	v0 =	vld [tilespmem:s12+$0x710]  }
0x97: {  	[tilespmem:s23+$0xFFFFFCC0] =	vst v1  }
0x98: {  	(v2sf) =	vpush v17, $0x5;
	v1 =	vld [tilespmem:s13+$0xB10];
	_ =	sdelay $0x1  }
0x99: {  	(v2sf) =	vpush v10, $0x2  }
0x9a: {  	s14 =	spop (v2sf);
	[tilespmem:s25+$0xFFFFFE30] =	vst v0  }
0x9b: {  	v0 =	vld [tilespmem:s14+$0xB00]  }
0x9c: {  	s15 =	spop (v2sf);
	[tilespmem:s23+$0xFFFFFCD0] =	vst v1  }
0x9d: {  	v1 =	vld [tilespmem:s15+$0x600];
	_ =	sdelay $0x1  }
0x9e: {  	s16 =	simm.s32 $0x20  }
0x9f: {  	v2 =	vld [tilespmem:s16+$0x0];
	[tilespmem:s25+$0xFFFFFE40] =	vst v0  }
0xa0: {  	v0 =	vld [tilespmem:s14+$0xB10]  }
0xa1: {  	[tilespmem:s23+$0xFFFFFD00] =	vst v1  }
0xa2: {  	(v2sf) =	vpush v16, $0x5;
	v1 =	vld [tilespmem:s15+$0x610];
	_ =	sdelay $0x1  }
0xa3: {  	(v2sf) =	vpush v9, $0x2  }
0xa4: {  	s17 =	spop (v2sf);
	[tilespmem:s25+$0xFFFFFE50] =	vst v0;
	v0 =	vshll.u32 v2, $0x9  }
0xa5: {  	v5 =	vshra.s32 v0, $0x2;
	v0 =	vld [tilespmem:s17+$0x600]  }
0xa6: {  	s18 =	spop (v2sf);
	[tilespmem:s23+$0xFFFFFD10] =	vst v1;
	(v2sf) =	vpush v5, $0x0  }
0xa7: {  	v1 =	vld [tilespmem:s18+$0x700];
	_ =	sdelay $0x2  }
0xa8: {  	v2 =	vld [tilespmem:s16+$0x200];
	[tilespmem:s25+$0xFFFFFE80] =	vst v0  }
0xa9: {  	v0 =	vld [tilespmem:s17+$0x610]  }
0xaa: {  	[tilespmem:s23+$0xFFFFFD20] =	vst v1  }
0xab: {  	v1 =	vld [tilespmem:s18+$0x710];
	(v2sf) =	vpush v15, $0x5;
	_ =	sdelay $0x1  }
0xac: {  	(v2sf) =	vpush v11, $0x3  }
0xad: {  	s19 =	spop (v2sf);
	v2 =	vshll.u32 v2, $0x9;
	[tilespmem:s25+$0xFFFFFE90] =	vst v0  }
0xae: {  	v2 =	vshra.s32 v2, $0x2;
	v0 =	vld [tilespmem:s19+$0x700]  }
0xaf: {  	s20 =	spop (v2sf);
	[tilespmem:s23+$0xFFFFFD30] =	vst v1;
	(v2sf) =	vpush v2, $0x0  }
0xb0: {  	v1 =	vld [tilespmem:s20+$0xB00];
	_ =	sdelay $0x1  }
0xb1: {  	v3 =	vld [tilespmem:s16+$0x400];
	s21 =	spop (v2sf)  }
0xb2: {  	v4 =	vld [tilespmem:s21+$0x600];
	[tilespmem:s25+$0xFFFFFEA0] =	vst v0  }
0xb3: {  	v0 =	vld [tilespmem:s19+$0x710]  }
0xb4: {  	[tilespmem:s23+$0xFFFFFD40] =	vst v1  }
0xb5: {  	v1 =	vld [tilespmem:s20+$0xB10];
	(v2sf) =	vpush v17, $0x6  }
0xb6: {  	s20 =	simm.s32 $0x2B00  }
0xb7: {  	(v2sf) =	vpush v10, $0x3;
	[tilespmem:s20+$0xFFFFFC00] =	vst v4  }
0xb8: {  	v3 =	vshll.u32 v3, $0x9;
	s22 =	spop (v2sf);
	v4 =	vld [tilespmem:s21+$0x610];
	[tilespmem:s25+$0xFFFFFEB0] =	vst v0  }
0xb9: {  	v0 =	vshra.s32 v3, $0x2;
	v3 =	vld [tilespmem:s22+$0xB00]  }
0xba: {  	[tilespmem:s23+$0xFFFFFD50] =	vst v1;
	s24 =	spop (v2sf);
	(v2sf) =	vpush v0, $0x0  }
0xbb: {  	v1 =	vld [tilespmem:s24+$0x600];
	_ =	sdelay $0x1  }
0xbc: {  	s26 =	spop (v2sf);
	[tilespmem:s20+$0xFFFFFC10] =	vst v4  }
0xbd: {  	v4 =	vld [tilespmem:s26+$0x700];
	[tilespmem:s25+$0xFFFFFEC0] =	vst v3  }
0xbe: {  	v3 =	vld [tilespmem:s22+$0xB10]  }
0xbf: {  	[tilespmem:s23+$0xFFFFFD80] =	vst v1  }
0xc0: {  	(v2sf) =	vpush v16, $0x6;
	v1 =	vld [tilespmem:s24+$0x610];
	_ =	sdelay $0x1  }
0xc1: {  	(v2sf) =	vpush v9, $0x3;
	[tilespmem:s20+$0xFFFFFC20] =	vst v4  }
0xc2: {  	s29 =	spop (v2sf);
	v4 =	vld [tilespmem:s26+$0x710];
	[tilespmem:s25+$0xFFFFFED0] =	vst v3  }
0xc3: {  	v3 =	vld [tilespmem:s29+$0x600]  }
0xc4: {  	s30 =	spop (v2sf);
	(v2sf) =	vpush v5, $0x1;
	[tilespmem:s23+$0xFFFFFD90] =	vst v1  }
0xc5: {  	v1 =	vld [tilespmem:s30+$0x700];
	_ =	sdelay $0x1  }
0xc6: {  	s31 =	spop (v2sf);
	[tilespmem:s20+$0xFFFFFC30] =	vst v4  }
0xc7: {  	v4 =	vld [tilespmem:s31+$0xB00];
	[tilespmem:s25+$0xFFFFFF00] =	vst v3  }
0xc8: {  	v3 =	vld [tilespmem:s29+$0x610]  }
0xc9: {  	[tilespmem:s23+$0xFFFFFDA0] =	vst v1  }
0xca: {  	(v2sf) =	vpush v15, $0x6;
	v1 =	vld [tilespmem:s30+$0x710];
	_ =	sdelay $0x1  }
0xcb: {  	(v2sf) =	vpush v11, $0x4;
	[tilespmem:s20+$0xFFFFFC40] =	vst v4  }
0xcc: {  	s3 =	spop (v2sf);
	v4 =	vld [tilespmem:s31+$0xB10];
	[tilespmem:s25+$0xFFFFFF10] =	vst v3  }
0xcd: {  	v3 =	vld [tilespmem:s3+$0x700]  }
0xce: {  	(v2sf) =	vpush v2, $0x1;
	s4 =	spop (v2sf);
	[tilespmem:s23+$0xFFFFFDB0] =	vst v1  }
0xcf: {  	v1 =	vld [tilespmem:s4+$0xB00];
	_ =	sdelay $0x1  }
0xd0: {  	s5 =	spop (v2sf);
	[tilespmem:s20+$0xFFFFFC50] =	vst v4  }
0xd1: {  	v4 =	vld [tilespmem:s5+$0x600];
	[tilespmem:s25+$0xFFFFFF20] =	vst v3  }
0xd2: {  	v3 =	vld [tilespmem:s3+$0x710]  }
0xd3: {  	[tilespmem:s23+$0xFFFFFDC0] =	vst v1  }
0xd4: {  	(v2sf) =	vpush v17, $0x7;
	v1 =	vld [tilespmem:s4+$0xB10];
	_ =	sdelay $0x1  }
0xd5: {  	(v2sf) =	vpush v10, $0x4;
	[tilespmem:s20+$0xFFFFFC80] =	vst v4  }
0xd6: {  	s6 =	spop (v2sf);
	v4 =	vld [tilespmem:s5+$0x610];
	[tilespmem:s25+$0xFFFFFF30] =	vst v3  }
0xd7: {  	v3 =	vld [tilespmem:s6+$0xB00]  }
0xd8: {  	(v2sf) =	vpush v0, $0x1;
	s7 =	spop (v2sf);
	[tilespmem:s23+$0xFFFFFDD0] =	vst v1  }
0xd9: {  	v1 =	vld [tilespmem:s7+$0x600];
	_ =	sdelay $0x1  }
0xda: {  	s8 =	spop (v2sf);
	[tilespmem:s20+$0xFFFFFC90] =	vst v4  }
0xdb: {  	v4 =	vld [tilespmem:s8+$0x700];
	[tilespmem:s25+$0xFFFFFF40] =	vst v3  }
0xdc: {  	v3 =	vld [tilespmem:s6+$0xB10]  }
0xdd: {  	[tilespmem:s23+$0xFFFFFE00] =	vst v1  }
0xde: {  	(v2sf) =	vpush v16, $0x7;
	v1 =	vld [tilespmem:s7+$0x610];
	_ =	sdelay $0x1  }
0xdf: {  	(v2sf) =	vpush v9, $0x4;
	[tilespmem:s20+$0xFFFFFCA0] =	vst v4  }
0xe0: {  	s9 =	spop (v2sf);
	v4 =	vld [tilespmem:s8+$0x710];
	[tilespmem:s25+$0xFFFFFF50] =	vst v3  }
0xe1: {  	v3 =	vld [tilespmem:s9+$0x600]  }
0xe2: {  	(v2sf) =	vpush v5, $0x2;
	s10 =	spop (v2sf);
	[tilespmem:s23+$0xFFFFFE10] =	vst v1  }
0xe3: {  	v1 =	vld [tilespmem:s10+$0x700];
	_ =	sdelay $0x1  }
0xe4: {  	s11 =	spop (v2sf);
	[tilespmem:s20+$0xFFFFFCB0] =	vst v4  }
0xe5: {  	v4 =	vld [tilespmem:s11+$0xB00];
	[tilespmem:s25+$0xFFFFFF80] =	vst v3  }
0xe6: {  	v3 =	vld [tilespmem:s9+$0x610]  }
0xe7: {  	[tilespmem:s23+$0xFFFFFE20] =	vst v1  }
0xe8: {  	(v2sf) =	vpush v15, $0x7;
	v1 =	vld [tilespmem:s10+$0x710];
	_ =	sdelay $0x1  }
0xe9: {  	(v2sf) =	vpush v11, $0x5;
	[tilespmem:s20+$0xFFFFFCC0] =	vst v4  }
0xea: {  	s12 =	spop (v2sf);
	v4 =	vld [tilespmem:s11+$0xB10];
	[tilespmem:s25+$0xFFFFFF90] =	vst v3  }
0xeb: {  	v3 =	vld [tilespmem:s12+$0x700]  }
0xec: {  	(v2sf) =	vpush v2, $0x2;
	s13 =	spop (v2sf);
	[tilespmem:s23+$0xFFFFFE30] =	vst v1  }
0xed: {  	v1 =	vld [tilespmem:s13+$0xB00];
	_ =	sdelay $0x1  }
0xee: {  	s14 =	spop (v2sf);
	[tilespmem:s20+$0xFFFFFCD0] =	vst v4  }
0xef: {  	v4 =	vld [tilespmem:s14+$0x600];
	[tilespmem:s25+$0xFFFFFFA0] =	vst v3  }
0xf0: {  	s15 =	simm.s32 $0x30;
	v3 =	vld [tilespmem:s12+$0x710]  }
0xf1: {  	v6 =	vld [tilespmem:s15+$0x0];
	[tilespmem:s23+$0xFFFFFE40] =	vst v1  }
0xf2: {  	(v2sf) =	vpush v17, $0x8;
	v1 =	vld [tilespmem:s13+$0xB10];
	_ =	sdelay $0x1  }
0xf3: {  	(v2sf) =	vpush v10, $0x5;
	[tilespmem:s20+$0xFFFFFD00] =	vst v4  }
0xf4: {  	s16 =	spop (v2sf);
	v4 =	vld [tilespmem:s14+$0x610];
	[tilespmem:s25+$0xFFFFFFB0] =	vst v3  }
0xf5: {  	v3 =	vld [tilespmem:s16+$0xB00]  }
0xf6: {  	(v2sf) =	vpush v0, $0x2;
	s17 =	spop (v2sf);
	[tilespmem:s23+$0xFFFFFE50] =	vst v1;
	v1 =	vshll.u32 v6, $0x9  }
0xf7: {  	v1 =	vshra.s32 v1, $0x2;
	v6 =	vld [tilespmem:s17+$0x600]  }
0xf8: {  	(v2sf) =	vpush v1, $0x0  }
0xf9: {  	s3 =	spop (v2sf);
	[tilespmem:s20+$0xFFFFFD10] =	vst v4  }
0xfa: {  	v4 =	vld [tilespmem:s3+$0x700];
	[tilespmem:s25+$0xFFFFFFC0] =	vst v3  }
0xfb: {  	v3 =	vld [tilespmem:s16+$0xB10]  }
0xfc: {  	[tilespmem:s23+$0xFFFFFE80] =	vst v6  }
0xfd: {  	(v2sf) =	vpush v16, $0x8;
	v6 =	vld [tilespmem:s17+$0x610]  }
0xfe: {  	v7 =	vld [tilespmem:s15+$0x200]  }
0xff: {  	[tilespmem:s20+$0xFFFFFD20] =	vst v4  }
0x100: {  	s18 =	spop (v2sf);
	(v2sf) =	vpush v9, $0x5;
	v4 =	vld [tilespmem:s3+$0x710];
	[tilespmem:s25+$0xFFFFFFD0] =	vst v3  }
0x101: {  	v8 =	vld [tilespmem:s18+$0x600]  }
0x102: {  	s19 =	spop (v2sf);
	(v2sf) =	vpush v5, $0x3;
	[tilespmem:s23+$0xFFFFFE90] =	vst v6  }
0x103: {  	v6 =	vld [tilespmem:s19+$0x700];
	v3 =	vshll.u32 v7, $0x9  }
0x104: {  	v3 =	vshra.s32 v3, $0x2  }
0x105: {  	s21 =	spop (v2sf);
	(v2sf) =	vpush v3, $0x0;
	[tilespmem:s20+$0xFFFFFD30] =	vst v4  }
0x106: {  	v4 =	vld [tilespmem:s21+$0xB00];
	[tilespmem:s25+$0x0] =	vst v8  }
0x107: {  	s22 =	spop (v2sf);
	v7 =	vld [tilespmem:s18+$0x610]  }
0x108: {  	v12 =	vld [tilespmem:s22+$0x600];
	[tilespmem:s23+$0xFFFFFEA0] =	vst v6  }
0x109: {  	v6 =	vld [tilespmem:s19+$0x710];
	(v2sf) =	vpush v15, $0x8  }
0x10a: {  	v8 =	vld [tilespmem:s15+$0x400]  }
0x10b: {  	[tilespmem:s20+$0xFFFFFD40] =	vst v4  }
0x10c: {  	s24 =	spop (v2sf);
	(v2sf) =	vpush v11, $0x6;
	v13 =	vld [tilespmem:s21+$0xB10];
	[tilespmem:s25+$0x10] =	vst v7  }
0x10d: {  	s21 =	simm.s32 $0x3300;
	v7 =	vld [tilespmem:s24+$0x700]  }
0x10e: {  	(v2sf) =	vpush v2, $0x3;
	[tilespmem:s21+$0xFFFFFC00] =	vst v12  }
0x10f: {  	s26 =	spop (v2sf);
	[tilespmem:s23+$0xFFFFFEB0] =	vst v6;
	v4 =	vshll.u32 v8, $0x9;
	v12 =	vld [tilespmem:s22+$0x610]  }
0x110: {  	v6 =	vld [tilespmem:s26+$0xB00];
	v4 =	vshra.s32 v4, $0x2  }
0x111: {  	s29 =	spop (v2sf);
	(v2sf) =	vpush v4, $0x0;
	[tilespmem:s20+$0xFFFFFD50] =	vst v13  }
0x112: {  	v8 =	vld [tilespmem:s29+$0x600];
	[tilespmem:s25+$0x20] =	vst v7  }
0x113: {  	v7 =	vld [tilespmem:s24+$0x710]  }
0x114: {  	s30 =	spop (v2sf);
	[tilespmem:s21+$0xFFFFFC10] =	vst v12  }
0x115: {  	[tilespmem:s23+$0xFFFFFEC0] =	vst v6;
	(v2sf) =	vpush v17, $0x9;
	v12 =	vld [tilespmem:s30+$0x700]  }
0x116: {  	v6 =	vld [tilespmem:s26+$0xB10]  }
0x117: {  	[tilespmem:s20+$0xFFFFFD80] =	vst v8  }
0x118: {  	(v2sf) =	vpush v10, $0x6;
	s31 =	spop (v2sf);
	v8 =	vld [tilespmem:s29+$0x610];
	[tilespmem:s25+$0x30] =	vst v7  }
0x119: {  	v7 =	vld [tilespmem:s31+$0xB00]  }
0x11a: {  	(v2sf) =	vpush v0, $0x3;
	[tilespmem:s21+$0xFFFFFC20] =	vst v12  }
0x11b: {  	[tilespmem:s23+$0xFFFFFED0] =	vst v6;
	s2 =	spop (v2sf);
	v12 =	vld [tilespmem:s30+$0x710]  }
0x11c: {  	v6 =	vld [tilespmem:s2+$0x600]  }
0x11d: {  	(v2sf) =	vpush v1, $0x1;
	s3 =	spop (v2sf);
	[tilespmem:s20+$0xFFFFFD90] =	vst v8  }
0x11e: {  	v8 =	vld [tilespmem:s3+$0x700];
	[tilespmem:s25+$0x40] =	vst v7  }
0x11f: {  	v7 =	vld [tilespmem:s31+$0xB10]  }
0x120: {  	s4 =	spop (v2sf);
	[tilespmem:s21+$0xFFFFFC30] =	vst v12  }
0x121: {  	(v2sf) =	vpush v16, $0x9;
	[tilespmem:s23+$0xFFFFFF00] =	vst v6;
	v12 =	vld [tilespmem:s4+$0xB00]  }
0x122: {  	v6 =	vld [tilespmem:s2+$0x610]  }
0x123: {  	[tilespmem:s20+$0xFFFFFDA0] =	vst v8  }
0x124: {  	(v2sf) =	vpush v9, $0x6;
	s5 =	spop (v2sf);
	v8 =	vld [tilespmem:s3+$0x710];
	[tilespmem:s25+$0x50] =	vst v7  }
0x125: {  	v7 =	vld [tilespmem:s5+$0x600]  }
0x126: {  	(v2sf) =	vpush v5, $0x4;
	[tilespmem:s21+$0xFFFFFC40] =	vst v12  }
0x127: {  	[tilespmem:s23+$0xFFFFFF10] =	vst v6;
	s6 =	spop (v2sf);
	v12 =	vld [tilespmem:s4+$0xB10]  }
0x128: {  	v6 =	vld [tilespmem:s6+$0x700]  }
0x129: {  	(v2sf) =	vpush v3, $0x1;
	s7 =	spop (v2sf);
	[tilespmem:s20+$0xFFFFFDB0] =	vst v8  }
0x12a: {  	v8 =	vld [tilespmem:s7+$0xB00];
	[tilespmem:s25+$0x80] =	vst v7  }
0x12b: {  	v7 =	vld [tilespmem:s5+$0x610]  }
0x12c: {  	s8 =	spop (v2sf);
	[tilespmem:s21+$0xFFFFFC50] =	vst v12  }
0x12d: {  	(v2sf) =	vpush v15, $0x9;
	[tilespmem:s23+$0xFFFFFF20] =	vst v6;
	v12 =	vld [tilespmem:s8+$0x600]  }
0x12e: {  	v6 =	vld [tilespmem:s6+$0x710]  }
0x12f: {  	[tilespmem:s20+$0xFFFFFDC0] =	vst v8  }
0x130: {  	(v2sf) =	vpush v11, $0x7;
	s9 =	spop (v2sf);
	v8 =	vld [tilespmem:s7+$0xB10];
	[tilespmem:s25+$0x90] =	vst v7  }
0x131: {  	v7 =	vld [tilespmem:s9+$0x700]  }
0x132: {  	(v2sf) =	vpush v2, $0x4;
	[tilespmem:s21+$0xFFFFFC80] =	vst v12  }
0x133: {  	s10 =	spop (v2sf);
	[tilespmem:s23+$0xFFFFFF30] =	vst v6;
	v12 =	vld [tilespmem:s8+$0x610]  }
0x134: {  	v6 =	vld [tilespmem:s10+$0xB00]  }
0x135: {  	(v2sf) =	vpush v4, $0x1;
	s11 =	spop (v2sf);
	[tilespmem:s20+$0xFFFFFDD0] =	vst v8  }
0x136: {  	v8 =	vld [tilespmem:s11+$0x600];
	[tilespmem:s25+$0xA0] =	vst v7  }
0x137: {  	v7 =	vld [tilespmem:s9+$0x710]  }
0x138: {  	s12 =	spop (v2sf);
	[tilespmem:s21+$0xFFFFFC90] =	vst v12  }
0x139: {  	(v2sf) =	vpush v17, $0xA;
	[tilespmem:s23+$0xFFFFFF40] =	vst v6;
	v12 =	vld [tilespmem:s12+$0x700]  }
0x13a: {  	v6 =	vld [tilespmem:s10+$0xB10]  }
0x13b: {  	[tilespmem:s20+$0xFFFFFE00] =	vst v8  }
0x13c: {  	(v2sf) =	vpush v10, $0x7;
	s13 =	spop (v2sf);
	v8 =	vld [tilespmem:s11+$0x610];
	[tilespmem:s25+$0xB0] =	vst v7  }
0x13d: {  	v7 =	vld [tilespmem:s13+$0xB00]  }
0x13e: {  	(v2sf) =	vpush v0, $0x4;
	[tilespmem:s21+$0xFFFFFCA0] =	vst v12  }
0x13f: {  	s14 =	spop (v2sf);
	[tilespmem:s23+$0xFFFFFF50] =	vst v6;
	v12 =	vld [tilespmem:s12+$0x710]  }
0x140: {  	v6 =	vld [tilespmem:s14+$0x600]  }
0x141: {  	(v2sf) =	vpush v1, $0x2;
	s15 =	spop (v2sf);
	[tilespmem:s20+$0xFFFFFE10] =	vst v8  }
0x142: {  	v8 =	vld [tilespmem:s15+$0x700];
	[tilespmem:s25+$0xC0] =	vst v7  }
0x143: {  	v7 =	vld [tilespmem:s13+$0xB10]  }
0x144: {  	s16 =	spop (v2sf);
	[tilespmem:s21+$0xFFFFFCB0] =	vst v12  }
0x145: {  	(v2sf) =	vpush v16, $0xA;
	[tilespmem:s23+$0xFFFFFF80] =	vst v6;
	v12 =	vld [tilespmem:s16+$0xB00]  }
0x146: {  	v6 =	vld [tilespmem:s14+$0x610]  }
0x147: {  	[tilespmem:s20+$0xFFFFFE20] =	vst v8  }
0x148: {  	(v2sf) =	vpush v9, $0x7;
	s17 =	spop (v2sf);
	v8 =	vld [tilespmem:s15+$0x710];
	[tilespmem:s25+$0xD0] =	vst v7  }
0x149: {  	v7 =	vld [tilespmem:s17+$0x600]  }
0x14a: {  	(v2sf) =	vpush v5, $0x5;
	[tilespmem:s21+$0xFFFFFCC0] =	vst v12  }
0x14b: {  	s18 =	spop (v2sf);
	[tilespmem:s23+$0xFFFFFF90] =	vst v6;
	v12 =	vld [tilespmem:s16+$0xB10]  }
0x14c: {  	v6 =	vld [tilespmem:s18+$0x700]  }
0x14d: {  	(v2sf) =	vpush v3, $0x2;
	s19 =	spop (v2sf);
	[tilespmem:s20+$0xFFFFFE30] =	vst v8  }
0x14e: {  	v8 =	vld [tilespmem:s19+$0xB00];
	[tilespmem:s25+$0x100] =	vst v7  }
0x14f: {  	v7 =	vld [tilespmem:s17+$0x610]  }
0x150: {  	s22 =	spop (v2sf);
	[tilespmem:s21+$0xFFFFFCD0] =	vst v12  }
0x151: {  	(v2sf) =	vpush v15, $0xA;
	[tilespmem:s23+$0xFFFFFFA0] =	vst v6;
	v12 =	vld [tilespmem:s22+$0x600]  }
0x152: {  	s24 =	simm.s32 $0x40;
	v6 =	vld [tilespmem:s18+$0x710]  }
0x153: {  	v13 =	vld [tilespmem:s24+$0x0];
	[tilespmem:s20+$0xFFFFFE40] =	vst v8  }
0x154: {  	(v2sf) =	vpush v11, $0x8;
	s26 =	spop (v2sf);
	v8 =	vld [tilespmem:s19+$0xB10];
	[tilespmem:s25+$0x110] =	vst v7  }
0x155: {  	v7 =	vld [tilespmem:s26+$0x700]  }
0x156: {  	(v2sf) =	vpush v2, $0x5;
	[tilespmem:s21+$0xFFFFFD00] =	vst v12  }
0x157: {  	s29 =	spop (v2sf);
	[tilespmem:s23+$0xFFFFFFB0] =	vst v6;
	v12 =	vld [tilespmem:s22+$0x610]  }
0x158: {  	v14 =	vld [tilespmem:s29+$0xB00]  }
0x159: {  	(v2sf) =	vpush v4, $0x2;
	s30 =	spop (v2sf);
	v6 =	vshll.u32 v13, $0x9;
	[tilespmem:s20+$0xFFFFFE50] =	vst v8  }
0x15a: {  	v6 =	vshra.s32 v6, $0x2;
	[tilespmem:s25+$0x120] =	vst v7;
	v7 =	vld [tilespmem:s30+$0x600]  }
0x15b: {  	(v2sf) =	vpush v6, $0x0;
	v8 =	vld [tilespmem:s26+$0x710]  }
0x15c: {  	s31 =	spop (v2sf);
	[tilespmem:s21+$0xFFFFFD10] =	vst v12  }
0x15d: {  	(v2sf) =	vpush v17, $0xB;
	[tilespmem:s23+$0xFFFFFFC0] =	vst v14;
	v12 =	vld [tilespmem:s31+$0x700]  }
0x15e: {  	v13 =	vld [tilespmem:s29+$0xB10]  }
0x15f: {  	v14 =	vld [tilespmem:s24+$0x200];
	[tilespmem:s20+$0xFFFFFE80] =	vst v7  }
0x160: {  	s4 =	spop (v2sf);
	(v2sf) =	vpush v10, $0x8;
	v7 =	vld [tilespmem:s30+$0x610];
	[tilespmem:s25+$0x130] =	vst v8  }
0x161: {  	v8 =	vld [tilespmem:s4+$0xB00]  }
0x162: {  	v18 =	vld [tilespmem:s24+$0x400];
	(v2sf) =	vpush v0, $0x5;
	[tilespmem:s21+$0xFFFFFD20] =	vst v12  }
0x163: {  	s5 =	spop (v2sf);
	[tilespmem:s23+$0xFFFFFFD0] =	vst v13;
	v12 =	vld [tilespmem:s31+$0x710]  }
0x164: {  	v13 =	vld [tilespmem:s5+$0x600]  }
0x165: {  	v14 =	vshll.u32 v14, $0x9;
	(v2sf) =	vpush v1, $0x3;
	s6 =	spop (v2sf);
	[tilespmem:s20+$0xFFFFFE90] =	vst v7  }
0x166: {  	v7 =	vshra.s32 v14, $0x2;
	v14 =	vld [tilespmem:s6+$0x700];
	[tilespmem:s25+$0x140] =	vst v8  }
0x167: {  	(v2sf) =	vpush v7, $0x0;
	v8 =	vld [tilespmem:s4+$0xB10]  }
0x168: {  	s7 =	spop (v2sf);
	[tilespmem:s21+$0xFFFFFD30] =	vst v12  }
0x169: {  	[tilespmem:s23+$0x0] =	vst v13;
	(v2sf) =	vpush v16, $0xB;
	v12 =	vld [tilespmem:s7+$0xB00]  }
0x16a: {  	s8 =	spop (v2sf);
	v13 =	vld [tilespmem:s5+$0x610]  }
0x16b: {  	v19 =	vld [tilespmem:s8+$0x600];
	[tilespmem:s20+$0xFFFFFEA0] =	vst v14  }
0x16c: {  	s9 =	spop (v2sf);
	(v2sf) =	vpush v9, $0x8;
	v14 =	vld [tilespmem:s6+$0x710];
	[tilespmem:s25+$0x150] =	vst v8  }
0x16d: {  	v20 =	vld [tilespmem:s9+$0x600]  }
0x16e: {  	(v2sf) =	vpush v5, $0x6;
	[tilespmem:s21+$0xFFFFFD40] =	vst v12  }
0x16f: {  	s22 =	simm.s32 $0x3B00;
	s10 =	spop (v2sf);
	[tilespmem:s23+$0x10] =	vst v13;
	v12 =	vld [tilespmem:s7+$0xB10]  }
0x170: {  	[tilespmem:s22+$0xFFFFFC00] =	vst v19;
	v13 =	vld [tilespmem:s10+$0x700]  }
0x171: {  	s11 =	spop (v2sf);
	(v2sf) =	vpush v3, $0x3;
	v19 =	vld [tilespmem:s8+$0x610];
	v8 =	vshll.u32 v18, $0x9;
	[tilespmem:s20+$0xFFFFFEB0] =	vst v14  }
0x172: {  	v8 =	vshra.s32 v8, $0x2;
	v14 =	vld [tilespmem:s11+$0xB00];
	[tilespmem:s25+$0x180] =	vst v20  }
0x173: {  	(v2sf) =	vpush v8, $0x0;
	v18 =	vld [tilespmem:s9+$0x610]  }
0x174: {  	s12 =	spop (v2sf);
	[tilespmem:s21+$0xFFFFFD50] =	vst v12  }
0x175: {  	(v2sf) =	vpush v15, $0xB;
	[tilespmem:s23+$0x20] =	vst v13;
	v12 =	vld [tilespmem:s12+$0x600]  }
0x176: {  	[tilespmem:s22+$0xFFFFFC10] =	vst v19;
	v13 =	vld [tilespmem:s10+$0x710];
	s13 =	spop (v2sf)  }
0x177: {  	v19 =	vld [tilespmem:s13+$0x700];
	[tilespmem:s20+$0xFFFFFEC0] =	vst v14  }
0x178: {  	(v2sf) =	vpush v11, $0x9;
	s14 =	spop (v2sf);
	v14 =	vld [tilespmem:s11+$0xB10];
	[tilespmem:s25+$0x190] =	vst v18  }
0x179: {  	v18 =	vld [tilespmem:s14+$0x700]  }
0x17a: {  	(v2sf) =	vpush v2, $0x6;
	[tilespmem:s21+$0xFFFFFD80] =	vst v12  }
0x17b: {  	s15 =	spop (v2sf);
	[tilespmem:s23+$0x30] =	vst v13;
	v12 =	vld [tilespmem:s12+$0x610]  }
0x17c: {  	v13 =	vld [tilespmem:s15+$0xB00];
	[tilespmem:s22+$0xFFFFFC20] =	vst v19  }
0x17d: {  	(v2sf) =	vpush v4, $0x3;
	s16 =	spop (v2sf);
	v19 =	vld [tilespmem:s13+$0x710];
	[tilespmem:s20+$0xFFFFFED0] =	vst v14  }
0x17e: {  	v14 =	vld [tilespmem:s16+$0x600];
	[tilespmem:s25+$0x1A0] =	vst v18  }
0x17f: {  	(v2sf) =	vpush v6, $0x1;
	v18 =	vld [tilespmem:s14+$0x710]  }
0x180: {  	s17 =	spop (v2sf);
	[tilespmem:s21+$0xFFFFFD90] =	vst v12  }
0x181: {  	(v2sf) =	vpush v17, $0xC;
	[tilespmem:s23+$0x40] =	vst v13;
	v12 =	vld [tilespmem:s17+$0x700]  }
0x182: {  	s18 =	spop (v2sf);
	v13 =	vld [tilespmem:s15+$0xB10];
	[tilespmem:s22+$0xFFFFFC30] =	vst v19  }
0x183: {  	v19 =	vld [tilespmem:s18+$0xB00];
	[tilespmem:s20+$0xFFFFFF00] =	vst v14  }
0x184: {  	(v2sf) =	vpush v10, $0x9;
	s19 =	spop (v2sf);
	v14 =	vld [tilespmem:s16+$0x610];
	[tilespmem:s25+$0x1B0] =	vst v18  }
0x185: {  	v18 =	vld [tilespmem:s19+$0xB00]  }
0x186: {  	(v2sf) =	vpush v0, $0x6;
	[tilespmem:s21+$0xFFFFFDA0] =	vst v12  }
0x187: {  	s24 =	spop (v2sf);
	[tilespmem:s23+$0x50] =	vst v13;
	v12 =	vld [tilespmem:s17+$0x710]  }
0x188: {  	v13 =	vld [tilespmem:s24+$0x600];
	[tilespmem:s22+$0xFFFFFC40] =	vst v19  }
0x189: {  	(v2sf) =	vpush v1, $0x4;
	s26 =	spop (v2sf);
	v19 =	vld [tilespmem:s18+$0xB10];
	[tilespmem:s20+$0xFFFFFF10] =	vst v14  }
0x18a: {  	v14 =	vld [tilespmem:s26+$0x700];
	[tilespmem:s25+$0x1C0] =	vst v18  }
0x18b: {  	(v2sf) =	vpush v7, $0x1;
	v18 =	vld [tilespmem:s19+$0xB10]  }
0x18c: {  	s29 =	spop (v2sf);
	[tilespmem:s21+$0xFFFFFDB0] =	vst v12  }
0x18d: {  	(v2sf) =	vpush v16, $0xC;
	[tilespmem:s23+$0x80] =	vst v13;
	v12 =	vld [tilespmem:s29+$0xB00]  }
0x18e: {  	s30 =	spop (v2sf);
	v13 =	vld [tilespmem:s24+$0x610];
	[tilespmem:s22+$0xFFFFFC50] =	vst v19  }
0x18f: {  	v19 =	vld [tilespmem:s30+$0x600];
	[tilespmem:s20+$0xFFFFFF20] =	vst v14  }
0x190: {  	(v2sf) =	vpush v9, $0x9;
	s31 =	spop (v2sf);
	v14 =	vld [tilespmem:s26+$0x710];
	[tilespmem:s25+$0x1D0] =	vst v18  }
0x191: {  	v18 =	vld [tilespmem:s31+$0x600]  }
0x192: {  	(v2sf) =	vpush v5, $0x7;
	[tilespmem:s21+$0xFFFFFDC0] =	vst v12  }
0x193: {  	s3 =	spop (v2sf);
	[tilespmem:s23+$0x90] =	vst v13;
	v12 =	vld [tilespmem:s29+$0xB10]  }
0x194: {  	v13 =	vld [tilespmem:s3+$0x700];
	[tilespmem:s22+$0xFFFFFC80] =	vst v19  }
0x195: {  	(v2sf) =	vpush v3, $0x4;
	s4 =	spop (v2sf);
	v19 =	vld [tilespmem:s30+$0x610];
	[tilespmem:s20+$0xFFFFFF30] =	vst v14  }
0x196: {  	v14 =	vld [tilespmem:s4+$0xB00];
	[tilespmem:s25+$0x200] =	vst v18  }
0x197: {  	(v2sf) =	vpush v8, $0x1;
	v18 =	vld [tilespmem:s31+$0x610]  }
0x198: {  	s5 =	spop (v2sf);
	[tilespmem:s21+$0xFFFFFDD0] =	vst v12  }
0x199: {  	(v2sf) =	vpush v15, $0xC;
	[tilespmem:s23+$0xA0] =	vst v13;
	v12 =	vld [tilespmem:s5+$0x600]  }
0x19a: {  	s6 =	spop (v2sf);
	v13 =	vld [tilespmem:s3+$0x710];
	[tilespmem:s22+$0xFFFFFC90] =	vst v19  }
0x19b: {  	v19 =	vld [tilespmem:s6+$0x700];
	[tilespmem:s20+$0xFFFFFF40] =	vst v14  }
0x19c: {  	(v2sf) =	vpush v11, $0xA;
	s7 =	spop (v2sf);
	v14 =	vld [tilespmem:s4+$0xB10];
	[tilespmem:s25+$0x210] =	vst v18  }
0x19d: {  	v18 =	vld [tilespmem:s7+$0x700]  }
0x19e: {  	(v2sf) =	vpush v2, $0x7;
	[tilespmem:s21+$0xFFFFFE00] =	vst v12  }
0x19f: {  	s8 =	spop (v2sf);
	[tilespmem:s23+$0xB0] =	vst v13;
	v12 =	vld [tilespmem:s5+$0x610]  }
0x1a0: {  	v13 =	vld [tilespmem:s8+$0xB00];
	[tilespmem:s22+$0xFFFFFCA0] =	vst v19  }
0x1a1: {  	(v2sf) =	vpush v4, $0x4;
	s9 =	spop (v2sf);
	v19 =	vld [tilespmem:s6+$0x710];
	[tilespmem:s20+$0xFFFFFF50] =	vst v14  }
0x1a2: {  	v14 =	vld [tilespmem:s9+$0x600];
	[tilespmem:s25+$0x220] =	vst v18  }
0x1a3: {  	(v2sf) =	vpush v6, $0x2;
	v18 =	vld [tilespmem:s7+$0x710]  }
0x1a4: {  	s10 =	spop (v2sf);
	[tilespmem:s21+$0xFFFFFE10] =	vst v12  }
0x1a5: {  	(v2sf) =	vpush v17, $0xD;
	[tilespmem:s23+$0xC0] =	vst v13;
	v12 =	vld [tilespmem:s10+$0x700]  }
0x1a6: {  	s11 =	spop (v2sf);
	v13 =	vld [tilespmem:s8+$0xB10];
	[tilespmem:s22+$0xFFFFFCB0] =	vst v19  }
0x1a7: {  	v19 =	vld [tilespmem:s11+$0xB00];
	[tilespmem:s20+$0xFFFFFF80] =	vst v14  }
0x1a8: {  	(v2sf) =	vpush v10, $0xA;
	s12 =	spop (v2sf);
	v14 =	vld [tilespmem:s9+$0x610];
	[tilespmem:s25+$0x230] =	vst v18  }
0x1a9: {  	v18 =	vld [tilespmem:s12+$0xB00]  }
0x1aa: {  	(v2sf) =	vpush v0, $0x7;
	[tilespmem:s21+$0xFFFFFE20] =	vst v12  }
0x1ab: {  	s13 =	spop (v2sf);
	[tilespmem:s23+$0xD0] =	vst v13;
	v12 =	vld [tilespmem:s10+$0x710]  }
0x1ac: {  	v13 =	vld [tilespmem:s13+$0x600];
	[tilespmem:s22+$0xFFFFFCC0] =	vst v19  }
0x1ad: {  	(v2sf) =	vpush v1, $0x5;
	s14 =	spop (v2sf);
	v19 =	vld [tilespmem:s11+$0xB10];
	[tilespmem:s20+$0xFFFFFF90] =	vst v14  }
0x1ae: {  	v14 =	vld [tilespmem:s14+$0x700];
	[tilespmem:s25+$0x240] =	vst v18  }
0x1af: {  	(v2sf) =	vpush v7, $0x2;
	v18 =	vld [tilespmem:s12+$0xB10]  }
0x1b0: {  	s15 =	spop (v2sf);
	[tilespmem:s21+$0xFFFFFE30] =	vst v12  }
0x1b1: {  	(v2sf) =	vpush v16, $0xD;
	[tilespmem:s23+$0x100] =	vst v13;
	v12 =	vld [tilespmem:s15+$0xB00]  }
0x1b2: {  	s16 =	spop (v2sf);
	v13 =	vld [tilespmem:s13+$0x610];
	[tilespmem:s22+$0xFFFFFCD0] =	vst v19  }
0x1b3: {  	v19 =	vld [tilespmem:s16+$0x600];
	[tilespmem:s20+$0xFFFFFFA0] =	vst v14  }
0x1b4: {  	(v2sf) =	vpush v9, $0xA;
	s17 =	spop (v2sf);
	v14 =	vld [tilespmem:s14+$0x710];
	[tilespmem:s25+$0x250] =	vst v18  }
0x1b5: {  	s18 =	simm.s32 $0x50;
	v18 =	vld [tilespmem:s17+$0x600]  }
0x1b6: {  	v20 =	vld [tilespmem:s18+$0x0];
	(v2sf) =	vpush v5, $0x8;
	[tilespmem:s21+$0xFFFFFE40] =	vst v12  }
0x1b7: {  	s19 =	spop (v2sf);
	[tilespmem:s23+$0x110] =	vst v13;
	v12 =	vld [tilespmem:s15+$0xB10]  }
0x1b8: {  	v13 =	vld [tilespmem:s19+$0x700];
	[tilespmem:s22+$0xFFFFFD00] =	vst v19  }
0x1b9: {  	(v2sf) =	vpush v3, $0x5;
	s24 =	spop (v2sf);
	v19 =	vld [tilespmem:s16+$0x610];
	[tilespmem:s20+$0xFFFFFFB0] =	vst v14  }
0x1ba: {  	v14 =	vld [tilespmem:s24+$0xB00];
	[tilespmem:s25+$0x280] =	vst v18  }
0x1bb: {  	(v2sf) =	vpush v8, $0x2;
	v18 =	vld [tilespmem:s17+$0x610]  }
0x1bc: {  	v21 =	vld [tilespmem:s18+$0x400];
	s26 =	spop (v2sf);
	[tilespmem:s21+$0xFFFFFE50] =	vst v12;
	v12 =	vshll.u32 v20, $0x9  }
0x1bd: {  	(v2sf) =	vpush v15, $0xD;
	[tilespmem:s23+$0x120] =	vst v13;
	v12 =	vshra.s32 v12, $0x2;
	v13 =	vld [tilespmem:s26+$0x600]  }
0x1be: {  	s4 =	spop (v2sf);
	(v2sf) =	vpush v12, $0x0;
	[tilespmem:s22+$0xFFFFFD10] =	vst v19;
	v19 =	vld [tilespmem:s19+$0x710]  }
0x1bf: {  	v20 =	vld [tilespmem:s4+$0x700];
	[tilespmem:s20+$0xFFFFFFC0] =	vst v14  }
0x1c0: {  	s29 =	spop (v2sf);
	(v2sf) =	vpush v11, $0xB;
	v14 =	vld [tilespmem:s24+$0xB10];
	[tilespmem:s25+$0x290] =	vst v18  }
0x1c1: {  	v18 =	vld [tilespmem:s29+$0x700]  }
0x1c2: {  	v22 =	vld [tilespmem:s18+$0x200];
	(v2sf) =	vpush v2, $0x8;
	[tilespmem:s21+$0xFFFFFE80] =	vst v13  }
0x1c3: {  	s30 =	spop (v2sf);
	v13 =	vld [tilespmem:s26+$0x610];
	[tilespmem:s23+$0x130] =	vst v19  }
0x1c4: {  	[tilespmem:s22+$0xFFFFFD20] =	vst v20;
	v19 =	vld [tilespmem:s30+$0xB00]  }
0x1c5: {  	s31 =	spop (v2sf);
	(v2sf) =	vpush v4, $0x5;
	v20 =	vld [tilespmem:s4+$0x710];
	[tilespmem:s20+$0xFFFFFFD0] =	vst v14  }
0x1c6: {  	v14 =	vld [tilespmem:s31+$0x600];
	[tilespmem:s25+$0x2A0] =	vst v18  }
0x1c7: {  	(v2sf) =	vpush v6, $0x3;
	s26 =	simm.s32 $0x60;
	v23 =	vld [tilespmem:s29+$0x710]  }
0x1c8: {  	v22 =	vshll.u32 v22, $0x9;
	s3 =	spop (v2sf);
	v18 =	vld [tilespmem:s26+$0x0];
	[tilespmem:s21+$0xFFFFFE90] =	vst v13  }
0x1c9: {  	(v2sf) =	vpush v17, $0xE;
	v13 =	vshra.s32 v22, $0x2;
	v22 =	vld [tilespmem:s3+$0x700];
	[tilespmem:s23+$0x140] =	vst v19  }
0x1ca: {  	s4 =	spop (v2sf);
	(v2sf) =	vpush v13, $0x0;
	[tilespmem:s22+$0xFFFFFD30] =	vst v20;
	v19 =	vld [tilespmem:s30+$0xB10]  }
0x1cb: {  	v20 =	vld [tilespmem:s4+$0xB00];
	[tilespmem:s20+$0x0] =	vst v14  }
0x1cc: {  	s5 =	spop (v2sf);
	(v2sf) =	vpush v10, $0xB;
	v14 =	vld [tilespmem:s31+$0x610];
	[tilespmem:s25+$0x2B0] =	vst v23  }
0x1cd: {  	s6 =	spop (v2sf);
	v23 =	vld [tilespmem:s5+$0xB00]  }
0x1ce: {  	(v2sf) =	vpush v0, $0x8;
	v24 =	vld [tilespmem:s6+$0x600];
	[tilespmem:s21+$0xFFFFFEA0] =	vst v22  }
0x1cf: {  	s7 =	spop (v2sf);
	v22 =	vld [tilespmem:s3+$0x710];
	[tilespmem:s23+$0x150] =	vst v19  }
0x1d0: {  	[tilespmem:s22+$0xFFFFFD40] =	vst v20;
	v19 =	vld [tilespmem:s7+$0x600]  }
0x1d1: {  	(v2sf) =	vpush v1, $0x6;
	s8 =	spop (v2sf);
	v20 =	vld [tilespmem:s4+$0xB10];
	[tilespmem:s20+$0x10] =	vst v14  }
0x1d2: {  	s24 =	simm.s32 $0x4300;
	v25 =	vld [tilespmem:s8+$0x700];
	[tilespmem:s25+$0x2C0] =	vst v23  }
0x1d3: {  	(v2sf) =	vpush v7, $0x3;
	[tilespmem:s24+$0xFFFFFC00] =	vst v24;
	v23 =	vld [tilespmem:s5+$0xB10]  }
0x1d4: {  	s9 =	spop (v2sf);
	v14 =	vshll.u32 v21, $0x9;
	v24 =	vld [tilespmem:s6+$0x610];
	[tilespmem:s21+$0xFFFFFEB0] =	vst v22  }
0x1d5: {  	(v2sf) =	vpush v16, $0xE;
	v14 =	vshra.s32 v14, $0x2;
	v21 =	vld [tilespmem:s9+$0xB00];
	[tilespmem:s23+$0x180] =	vst v19  }
0x1d6: {  	s10 =	spop (v2sf);
	(v2sf) =	vpush v14, $0x0;
	[tilespmem:s22+$0xFFFFFD50] =	vst v20;
	v19 =	vld [tilespmem:s7+$0x610]  }
0x1d7: {  	v20 =	vld [tilespmem:s10+$0x600];
	[tilespmem:s20+$0x20] =	vst v25  }
0x1d8: {  	s11 =	spop (v2sf);
	(v2sf) =	vpush v9, $0xB;
	v22 =	vld [tilespmem:s8+$0x710];
	[tilespmem:s25+$0x2D0] =	vst v23  }
0x1d9: {  	s12 =	spop (v2sf);
	[tilespmem:s24+$0xFFFFFC10] =	vst v24;
	v23 =	vld [tilespmem:s11+$0x600]  }
0x1da: {  	(v2sf) =	vpush v5, $0x9;
	v24 =	vld [tilespmem:s12+$0x700];
	[tilespmem:s21+$0xFFFFFEC0] =	vst v21  }
0x1db: {  	s13 =	spop (v2sf);
	v21 =	vld [tilespmem:s9+$0xB10];
	[tilespmem:s23+$0x190] =	vst v19  }
0x1dc: {  	[tilespmem:s22+$0xFFFFFD80] =	vst v20;
	v19 =	vld [tilespmem:s13+$0x700]  }
0x1dd: {  	(v2sf) =	vpush v3, $0x6;
	s14 =	spop (v2sf);
	v20 =	vld [tilespmem:s10+$0x610];
	[tilespmem:s20+$0x30] =	vst v22  }
0x1de: {  	v22 =	vld [tilespmem:s14+$0xB00];
	[tilespmem:s25+$0x300] =	vst v23  }
0x1df: {  	(v2sf) =	vpush v8, $0x3;
	[tilespmem:s24+$0xFFFFFC20] =	vst v24;
	v23 =	vld [tilespmem:s11+$0x610]  }
0x1e0: {  	s15 =	spop (v2sf);
	v24 =	vld [tilespmem:s12+$0x710];
	[tilespmem:s21+$0xFFFFFED0] =	vst v21  }
0x1e1: {  	(v2sf) =	vpush v15, $0xE;
	v21 =	vld [tilespmem:s15+$0x600];
	[tilespmem:s23+$0x1A0] =	vst v19  }
0x1e2: {  	(v2sf) =	vpush v12, $0x1;
	s16 =	spop (v2sf);
	[tilespmem:s22+$0xFFFFFD90] =	vst v20;
	v19 =	vld [tilespmem:s13+$0x710]  }
0x1e3: {  	v20 =	vld [tilespmem:s16+$0x700];
	[tilespmem:s20+$0x40] =	vst v22  }
0x1e4: {  	(v2sf) =	vpush v11, $0xC;
	s17 =	spop (v2sf);
	v22 =	vld [tilespmem:s14+$0xB10];
	[tilespmem:s25+$0x310] =	vst v23  }
0x1e5: {  	s18 =	spop (v2sf);
	[tilespmem:s24+$0xFFFFFC30] =	vst v24;
	v23 =	vld [tilespmem:s17+$0x700]  }
0x1e6: {  	(v2sf) =	vpush v2, $0x9;
	v24 =	vld [tilespmem:s18+$0xB00];
	[tilespmem:s21+$0xFFFFFF00] =	vst v21  }
0x1e7: {  	s19 =	spop (v2sf);
	v21 =	vld [tilespmem:s15+$0x610];
	[tilespmem:s23+$0x1B0] =	vst v19  }
0x1e8: {  	[tilespmem:s22+$0xFFFFFDA0] =	vst v20;
	v19 =	vld [tilespmem:s19+$0xB00]  }
0x1e9: {  	(v2sf) =	vpush v4, $0x6;
	s29 =	spop (v2sf);
	v20 =	vld [tilespmem:s16+$0x710];
	[tilespmem:s20+$0x50] =	vst v22  }
0x1ea: {  	v22 =	vld [tilespmem:s29+$0x600];
	[tilespmem:s25+$0x320] =	vst v23  }
0x1eb: {  	(v2sf) =	vpush v6, $0x4;
	[tilespmem:s24+$0xFFFFFC40] =	vst v24;
	v23 =	vld [tilespmem:s17+$0x710]  }
0x1ec: {  	s30 =	spop (v2sf);
	v24 =	vld [tilespmem:s18+$0xB10];
	[tilespmem:s21+$0xFFFFFF10] =	vst v21  }
0x1ed: {  	(v2sf) =	vpush v17, $0xF;
	v21 =	vld [tilespmem:s30+$0x700];
	[tilespmem:s23+$0x1C0] =	vst v19  }
0x1ee: {  	(v2sf) =	vpush v13, $0x1;
	s31 =	spop (v2sf);
	[tilespmem:s22+$0xFFFFFDB0] =	vst v20;
	v17 =	vld [tilespmem:s19+$0xB10]  }
0x1ef: {  	(v2sf) =	vpush v10, $0xC;
	v19 =	vld [tilespmem:s31+$0xB00];
	[tilespmem:s20+$0x80] =	vst v22  }
0x1f0: {  	s4 =	spop (v2sf);
	v20 =	vld [tilespmem:s29+$0x610];
	[tilespmem:s25+$0x330] =	vst v23  }
0x1f1: {  	s5 =	spop (v2sf);
	[tilespmem:s24+$0xFFFFFC50] =	vst v24;
	v22 =	vld [tilespmem:s4+$0xB00]  }
0x1f2: {  	(v2sf) =	vpush v0, $0x9;
	v23 =	vld [tilespmem:s5+$0x600];
	[tilespmem:s21+$0xFFFFFF20] =	vst v21  }
0x1f3: {  	s6 =	spop (v2sf);
	v21 =	vld [tilespmem:s30+$0x710];
	[tilespmem:s23+$0x1D0] =	vst v17  }
0x1f4: {  	(v2sf) =	vpush v1, $0x7;
	[tilespmem:s22+$0xFFFFFDC0] =	vst v19;
	v17 =	vld [tilespmem:s6+$0x600]  }
0x1f5: {  	s7 =	spop (v2sf);
	v19 =	vld [tilespmem:s31+$0xB10];
	[tilespmem:s20+$0x90] =	vst v20  }
0x1f6: {  	v20 =	vld [tilespmem:s7+$0x700];
	[tilespmem:s25+$0x340] =	vst v22  }
0x1f7: {  	(v2sf) =	vpush v7, $0x4;
	[tilespmem:s24+$0xFFFFFC80] =	vst v23;
	v22 =	vld [tilespmem:s4+$0xB10]  }
0x1f8: {  	s8 =	spop (v2sf);
	v23 =	vld [tilespmem:s5+$0x610];
	[tilespmem:s21+$0xFFFFFF30] =	vst v21  }
0x1f9: {  	(v2sf) =	vpush v16, $0xF;
	v21 =	vld [tilespmem:s8+$0xB00];
	[tilespmem:s23+$0x200] =	vst v17  }
0x1fa: {  	(v2sf) =	vpush v14, $0x1;
	s9 =	spop (v2sf);
	[tilespmem:s22+$0xFFFFFDD0] =	vst v19;
	v16 =	vld [tilespmem:s6+$0x610]  }
0x1fb: {  	v17 =	vld [tilespmem:s9+$0x600];
	[tilespmem:s20+$0xA0] =	vst v20  }
0x1fc: {  	(v2sf) =	vpush v9, $0xC;
	s10 =	spop (v2sf);
	v19 =	vld [tilespmem:s7+$0x710];
	[tilespmem:s25+$0x350] =	vst v22  }
0x1fd: {  	(v2sf) =	vpush v5, $0xA;
	s11 =	spop (v2sf);
	[tilespmem:s24+$0xFFFFFC90] =	vst v23;
	v20 =	vld [tilespmem:s10+$0x600]  }
0x1fe: {  	s12 =	spop (v2sf);
	(v2sf) =	vpush v3, $0x7;
	v22 =	vld [tilespmem:s11+$0x700];
	[tilespmem:s21+$0xFFFFFF40] =	vst v21  }
0x1ff: {  	v21 =	vld [tilespmem:s8+$0xB10];
	[tilespmem:s23+$0x210] =	vst v16  }
0x200: {  	[tilespmem:s22+$0xFFFFFE00] =	vst v17;
	v16 =	vld [tilespmem:s12+$0x700]  }
0x201: {  	s13 =	spop (v2sf);
	v17 =	vld [tilespmem:s9+$0x610];
	[tilespmem:s20+$0xB0] =	vst v19  }
0x202: {  	(v2sf) =	vpush v8, $0x4;
	v19 =	vld [tilespmem:s13+$0xB00];
	[tilespmem:s25+$0x380] =	vst v20  }
0x203: {  	s14 =	spop (v2sf);
	(v2sf) =	vpush v15, $0xF;
	[tilespmem:s24+$0xFFFFFCA0] =	vst v22;
	v20 =	vld [tilespmem:s10+$0x610]  }
0x204: {  	v22 =	vld [tilespmem:s11+$0x710];
	[tilespmem:s21+$0xFFFFFF50] =	vst v21  }
0x205: {  	v21 =	vld [tilespmem:s14+$0x600];
	[tilespmem:s23+$0x220] =	vst v16  }
0x206: {  	(v2sf) =	vpush v12, $0x2;
	s15 =	spop (v2sf);
	[tilespmem:s22+$0xFFFFFE10] =	vst v17;
	v15 =	vld [tilespmem:s12+$0x710]  }
0x207: {  	v16 =	vld [tilespmem:s15+$0x700];
	[tilespmem:s20+$0xC0] =	vst v19  }
0x208: {  	(v2sf) =	vpush v11, $0xD;
	s16 =	spop (v2sf);
	v17 =	vld [tilespmem:s13+$0xB10];
	[tilespmem:s25+$0x390] =	vst v20  }
0x209: {  	s17 =	spop (v2sf);
	[tilespmem:s24+$0xFFFFFCB0] =	vst v22;
	v19 =	vld [tilespmem:s16+$0x700]  }
0x20a: {  	(v2sf) =	vpush v2, $0xA;
	v20 =	vld [tilespmem:s17+$0xB00];
	[tilespmem:s21+$0xFFFFFF80] =	vst v21  }
0x20b: {  	s18 =	spop (v2sf);
	v21 =	vld [tilespmem:s14+$0x610];
	[tilespmem:s23+$0x230] =	vst v15  }
0x20c: {  	s19 =	spop (v2sf);
	[tilespmem:s22+$0xFFFFFE20] =	vst v16;
	v15 =	vld [tilespmem:s18+$0xB00]  }
0x20d: {  	s29 =	spop (v2sf);
	(v2sf) =	vpush v4, $0x7;
	v16 =	vld [tilespmem:s15+$0x710];
	[tilespmem:s20+$0xD0] =	vst v17  }
0x20e: {  	v17 =	vld [tilespmem:s19+$0x600];
	[tilespmem:s25+$0x3A0] =	vst v19  }
0x20f: {  	[tilespmem:s24+$0xFFFFFCC0] =	vst v20;
	v19 =	vld [tilespmem:s16+$0x710]  }
0x210: {  	(v2sf) =	vpush v6, $0x5;
	v20 =	vld [tilespmem:s17+$0xB10];
	[tilespmem:s21+$0xFFFFFF90] =	vst v21  }
0x211: {  	s30 =	spop (v2sf);
	v21 =	vld [tilespmem:s29+$0x700];
	[tilespmem:s23+$0x240] =	vst v15  }
0x212: {  	s31 =	spop (v2sf);
	(v2sf) =	vpush v13, $0x2;
	[tilespmem:s22+$0xFFFFFE30] =	vst v16;
	v16 =	vld [tilespmem:s18+$0xB10]  }
0x213: {  	v22 =	vld [tilespmem:s30+$0xB00];
	[tilespmem:s20+$0x100] =	vst v17  }
0x214: {  	(v2sf) =	vpush v10, $0xD;
	v17 =	vld [tilespmem:s19+$0x610];
	[tilespmem:s25+$0x3B0] =	vst v19  }
0x215: {  	s1 =	spop (v2sf);
	[tilespmem:s24+$0xFFFFFCD0] =	vst v20;
	v23 =	vld [tilespmem:s31+$0xB00]  }
0x216: {  	v24 =	vld [tilespmem:s1+$0x600];
	[tilespmem:s21+$0xFFFFFFA0] =	vst v21  }
0x217: {  	s2 =	spop (v2sf);
	(v2sf) =	vpush v0, $0xA;
	v15 =	vld [tilespmem:s29+$0x710];
	[tilespmem:s23+$0x250] =	vst v16  }
0x218: {  	[tilespmem:s22+$0xFFFFFE40] =	vst v22;
	v20 =	vld [tilespmem:s2+$0x600]  }
0x219: {  	(v2sf) =	vpush v1, $0x8;
	s0 =	spop (v2sf);
	v19 =	vld [tilespmem:s30+$0xB10];
	[tilespmem:s20+$0x110] =	vst v17  }
0x21a: {  	v16 =	vld [tilespmem:s0+$0x700];
	[tilespmem:s25+$0x3C0] =	vst v23  }
0x21b: {  	s28 =	simm.s32 $0x1C0;
	[tilespmem:s24+$0xFFFFFD00] =	vst v24;
	v17 =	vld [tilespmem:s31+$0xB10]  }
.LBB2_2:
0x21c: {  	p0 =	sne.s32 s28, $0x7C0;
	v21 =	vld [tilespmem:s1+$0x610];
	(v2sf) =	vpush v7, $0x5;
	[tilespmem:s21+$0xFFFFFFB0] =	vst v15;
	s1 =	spop (v2sf)  }
0x21d: {  	v15 =	vld [tilespmem:s1+$0xB00];
	[tilespmem:s23+$0x280] =	vst v20  }
0x21e: {  	(v2sf) =	vpush v14, $0x2;
	[tilespmem:s22+$0xFFFFFE50] =	vst v19;
	v19 =	vld [tilespmem:s2+$0x610]  }
0x21f: {  	v18 =	vshll.u32 v18, $0x9;
	v20 =	vld [tilespmem:s26+$0x400];
	s2 =	spop (v2sf);
	[tilespmem:s20+$0x120] =	vst v16  }
0x220: {  	v16 =	vshra.s32 v18, $0x2;
	v18 =	vld [tilespmem:s2+$0x600];
	(v2sf) =	vpush v9, $0xD;
	[tilespmem:s25+$0x3D0] =	vst v17;
	s25 =	smov.u32 s23;
	s23 =	smov.u32 s20;
	s20 =	smov.u32 s21  }
0x221: {  	s21 =	smov.u32 s22;
	s22 =	smov.u32 s24;
	(v2sf) =	vpush v16, $0x0;
	[tilespmem:s24+$0xFFFFFD10] =	vst v21;
	s3 =	spop (v2sf);
	v17 =	vld [tilespmem:s0+$0x710]  }
0x222: {  	v21 =	vld [tilespmem:s3+$0x700];
	[tilespmem:s20+$0xFFFFFFC0] =	vst v15  }
0x223: {  	v15 =	vld [tilespmem:s1+$0xB10];
	(v2sf) =	vpush v5, $0xB;
	[tilespmem:s25+$0x290] =	vst v19;
	s0 =	spop (v2sf)  }
0x224: {  	v19 =	vld [tilespmem:s0+$0x700]  }
0x225: {  	v22 =	vld [tilespmem:s26+$0x200];
	[tilespmem:s21+$0xFFFFFE80] =	vst v18;
	(v2sf) =	vpush v3, $0x8  }
0x226: {  	v23 =	vld [tilespmem:s2+$0x610];
	[tilespmem:s23+$0x130] =	vst v17;
	s1 =	spop (v2sf)  }
0x227: {  	[tilespmem:s24+$0xFFFFFD20] =	vst v21;
	v21 =	vld [tilespmem:s1+$0xB00]  }
0x228: {  	v24 =	vld [tilespmem:s3+$0x710];
	(v2sf) =	vpush v8, $0x5;
	[tilespmem:s20+$0xFFFFFFD0] =	vst v15;
	s2 =	spop (v2sf)  }
0x229: {  	v15 =	vld [tilespmem:s2+$0x600];
	[tilespmem:s25+$0x2A0] =	vst v19  }
0x22a: {  	s26 =	sshra.s32 s28, $0x2;
	(v2sf) =	vpush v12, $0x3;
	v19 =	vld [tilespmem:s0+$0x710]  }
0x22b: {  	v17 =	vshll.u32 v22, $0x9;
	v18 =	vld [tilespmem:s26+$0x0];
	[tilespmem:s21+$0xFFFFFE90] =	vst v23;
	s0 =	spop (v2sf)  }
0x22c: {  	v17 =	vshra.s32 v17, $0x2;
	v22 =	vld [tilespmem:s0+$0x700];
	[tilespmem:s23+$0x140] =	vst v21;
	(v2sf) =	vpush v11, $0xE  }
0x22d: {  	(v2sf) =	vpush v17, $0x0;
	[tilespmem:s24+$0xFFFFFD30] =	vst v24;
	s3 =	spop (v2sf);
	v21 =	vld [tilespmem:s1+$0xB10]  }
0x22e: {  	v23 =	vld [tilespmem:s3+$0xB00];
	[tilespmem:s20+$0x0] =	vst v15  }
0x22f: {  	v15 =	vld [tilespmem:s2+$0x610];
	(v2sf) =	vpush v2, $0xB;
	[tilespmem:s25+$0x2B0] =	vst v19;
	s1 =	spop (v2sf)  }
0x230: {  	s2 =	spop (v2sf);
	v19 =	vld [tilespmem:s1+$0xB00]  }
0x231: {  	v24 =	vld [tilespmem:s2+$0x600];
	[tilespmem:s21+$0xFFFFFEA0] =	vst v22;
	(v2sf) =	vpush v4, $0x8  }
0x232: {  	v22 =	vld [tilespmem:s0+$0x710];
	[tilespmem:s23+$0x150] =	vst v21;
	s0 =	spop (v2sf)  }
0x233: {  	[tilespmem:s24+$0xFFFFFD40] =	vst v23;
	v21 =	vld [tilespmem:s0+$0x600]  }
0x234: {  	v23 =	vld [tilespmem:s3+$0xB10];
	(v2sf) =	vpush v6, $0x6;
	[tilespmem:s20+$0x10] =	vst v15;
	s3 =	spop (v2sf)  }
0x235: {  	s24 =	sadd.s32 $0x800, s24;
	v25 =	vld [tilespmem:s3+$0x700];
	[tilespmem:s25+$0x2C0] =	vst v19  }
0x236: {  	[tilespmem:s24+$0xFFFFFC00] =	vst v24;
	(v2sf) =	vpush v13, $0x3;
	v19 =	vld [tilespmem:s1+$0xB10]  }
0x237: {  	v15 =	vshll.u32 v20, $0x9;
	v24 =	vld [tilespmem:s2+$0x610];
	[tilespmem:s21+$0xFFFFFEB0] =	vst v22;
	s1 =	spop (v2sf)  }
0x238: {  	v15 =	vshra.s32 v15, $0x2;
	v20 =	vld [tilespmem:s1+$0xB00];
	[tilespmem:s23+$0x180] =	vst v21;
	(v2sf) =	vpush v10, $0xE  }
0x239: {  	(v2sf) =	vpush v15, $0x0;
	[tilespmem:s22+$0xFFFFFD50] =	vst v23;
	s2 =	spop (v2sf);
	v21 =	vld [tilespmem:s0+$0x610]  }
0x23a: {  	v22 =	vld [tilespmem:s2+$0x600];
	[tilespmem:s20+$0x20] =	vst v25  }
0x23b: {  	v23 =	vld [tilespmem:s3+$0x710];
	(v2sf) =	vpush v0, $0xB;
	[tilespmem:s25+$0x2D0] =	vst v19;
	s0 =	spop (v2sf)  }
0x23c: {  	[tilespmem:s24+$0xFFFFFC10] =	vst v24;
	s3 =	spop (v2sf);
	v19 =	vld [tilespmem:s0+$0x600]  }
0x23d: {  	v24 =	vld [tilespmem:s3+$0x700];
	[tilespmem:s21+$0xFFFFFEC0] =	vst v20;
	(v2sf) =	vpush v1, $0x9  }
0x23e: {  	v20 =	vld [tilespmem:s1+$0xB10];
	[tilespmem:s23+$0x190] =	vst v21;
	s1 =	spop (v2sf)  }
0x23f: {  	[tilespmem:s22+$0xFFFFFD80] =	vst v22;
	v21 =	vld [tilespmem:s1+$0x700]  }
0x240: {  	v22 =	vld [tilespmem:s2+$0x610];
	(v2sf) =	vpush v7, $0x6;
	[tilespmem:s20+$0x30] =	vst v23;
	s2 =	spop (v2sf)  }
0x241: {  	v23 =	vld [tilespmem:s2+$0xB00];
	[tilespmem:s25+$0x300] =	vst v19  }
0x242: {  	[tilespmem:s24+$0xFFFFFC20] =	vst v24;
	(v2sf) =	vpush v14, $0x3;
	v19 =	vld [tilespmem:s0+$0x610]  }
0x243: {  	v24 =	vld [tilespmem:s3+$0x710];
	[tilespmem:s21+$0xFFFFFED0] =	vst v20;
	s0 =	spop (v2sf)  }
0x244: {  	v20 =	vld [tilespmem:s0+$0x600];
	[tilespmem:s23+$0x1A0] =	vst v21;
	(v2sf) =	vpush v9, $0xE  }
0x245: {  	(v2sf) =	vpush v16, $0x1;
	[tilespmem:s22+$0xFFFFFD90] =	vst v22;
	s3 =	spop (v2sf);
	v21 =	vld [tilespmem:s1+$0x710]  }
0x246: {  	v22 =	vld [tilespmem:s3+$0x700];
	[tilespmem:s20+$0x40] =	vst v23  }
0x247: {  	v23 =	vld [tilespmem:s2+$0xB10];
	(v2sf) =	vpush v5, $0xC;
	[tilespmem:s25+$0x310] =	vst v19;
	s1 =	spop (v2sf)  }
0x248: {  	[tilespmem:s24+$0xFFFFFC30] =	vst v24;
	s2 =	spop (v2sf);
	v19 =	vld [tilespmem:s1+$0x700]  }
0x249: {  	v24 =	vld [tilespmem:s2+$0xB00];
	[tilespmem:s21+$0xFFFFFF00] =	vst v20;
	(v2sf) =	vpush v3, $0x9  }
0x24a: {  	v20 =	vld [tilespmem:s0+$0x610];
	[tilespmem:s23+$0x1B0] =	vst v21;
	s0 =	spop (v2sf)  }
0x24b: {  	[tilespmem:s22+$0xFFFFFDA0] =	vst v22;
	v21 =	vld [tilespmem:s0+$0xB00]  }
0x24c: {  	v22 =	vld [tilespmem:s3+$0x710];
	(v2sf) =	vpush v8, $0x6;
	[tilespmem:s20+$0x50] =	vst v23;
	s3 =	spop (v2sf)  }
0x24d: {  	v23 =	vld [tilespmem:s3+$0x600];
	[tilespmem:s25+$0x320] =	vst v19  }
0x24e: {  	[tilespmem:s24+$0xFFFFFC40] =	vst v24;
	(v2sf) =	vpush v12, $0x4;
	v19 =	vld [tilespmem:s1+$0x710]  }
0x24f: {  	v24 =	vld [tilespmem:s2+$0xB10];
	[tilespmem:s21+$0xFFFFFF10] =	vst v20;
	s1 =	spop (v2sf)  }
0x250: {  	v20 =	vld [tilespmem:s1+$0x700];
	[tilespmem:s23+$0x1C0] =	vst v21;
	(v2sf) =	vpush v11, $0xF;
	v11 =	vmovc v5;
	v5 =	vmovc v1;
	v1 =	vmov v6;
	v6 =	vmov v12  }
0x251: {  	v12 =	vmov v16;
	(v2sf) =	vpush v17, $0x1;
	[tilespmem:s22+$0xFFFFFDB0] =	vst v22;
	s2 =	spop (v2sf);
	v21 =	vld [tilespmem:s0+$0xB10]  }
0x252: {  	v16 =	vld [tilespmem:s2+$0xB00];
	[tilespmem:s20+$0x80] =	vst v23  }
0x253: {  	v22 =	vld [tilespmem:s3+$0x610];
	(v2sf) =	vpush v2, $0xC;
	[tilespmem:s25+$0x330] =	vst v19;
	s0 =	spop (v2sf)  }
0x254: {  	[tilespmem:s24+$0xFFFFFC50] =	vst v24;
	s3 =	spop (v2sf);
	v19 =	vld [tilespmem:s0+$0xB00]  }
0x255: {  	v23 =	vld [tilespmem:s3+$0x600];
	[tilespmem:s21+$0xFFFFFF20] =	vst v20;
	(v2sf) =	vpush v4, $0x9  }
0x256: {  	v20 =	vld [tilespmem:s1+$0x710];
	[tilespmem:s23+$0x1D0] =	vst v21;
	s1 =	spop (v2sf)  }
0x257: {  	[tilespmem:s22+$0xFFFFFDC0] =	vst v16;
	v16 =	vld [tilespmem:s1+$0x600]  }
0x258: {  	v21 =	vld [tilespmem:s2+$0xB10];
	(v2sf) =	vpush v1, $0x7;
	[tilespmem:s20+$0x90] =	vst v22;
	s2 =	spop (v2sf)  }
0x259: {  	v22 =	vld [tilespmem:s2+$0x700];
	[tilespmem:s25+$0x340] =	vst v19  }
0x25a: {  	[tilespmem:s24+$0xFFFFFC80] =	vst v23;
	(v2sf) =	vpush v13, $0x4;
	v19 =	vld [tilespmem:s0+$0xB10]  }
0x25b: {  	v23 =	vld [tilespmem:s3+$0x610];
	[tilespmem:s21+$0xFFFFFF30] =	vst v20;
	s0 =	spop (v2sf)  }
0x25c: {  	v20 =	vld [tilespmem:s0+$0xB00];
	[tilespmem:s23+$0x200] =	vst v16;
	(v2sf) =	vpush v10, $0xF;
	v10 =	vmovc v2;
	v2 =	vmovc v3;
	v3 =	vmov v7;
	v7 =	vmov v13  }
0x25d: {  	v13 =	vmov v17;
	(v2sf) =	vpush v15, $0x1;
	[tilespmem:s22+$0xFFFFFDD0] =	vst v21;
	s3 =	spop (v2sf);
	v16 =	vld [tilespmem:s1+$0x610]  }
0x25e: {  	v17 =	vld [tilespmem:s3+$0x600];
	[tilespmem:s20+$0xA0] =	vst v22  }
0x25f: {  	v21 =	vld [tilespmem:s2+$0x710];
	(v2sf) =	vpush v0, $0xC;
	[tilespmem:s25+$0x350] =	vst v19;
	s1 =	spop (v2sf)  }
0x260: {  	[tilespmem:s24+$0xFFFFFC90] =	vst v23;
	s2 =	spop (v2sf);
	v19 =	vld [tilespmem:s1+$0x600]  }
0x261: {  	v22 =	vld [tilespmem:s2+$0x700];
	[tilespmem:s21+$0xFFFFFF40] =	vst v20;
	(v2sf) =	vpush v5, $0xA  }
0x262: {  	v20 =	vld [tilespmem:s0+$0xB10];
	[tilespmem:s23+$0x210] =	vst v16;
	s0 =	spop (v2sf)  }
0x263: {  	[tilespmem:s22+$0xFFFFFE00] =	vst v17;
	v16 =	vld [tilespmem:s0+$0x700]  }
0x264: {  	v17 =	vld [tilespmem:s3+$0x610];
	(v2sf) =	vpush v3, $0x7;
	[tilespmem:s20+$0xB0] =	vst v21;
	s3 =	spop (v2sf)  }
0x265: {  	v21 =	vld [tilespmem:s3+$0xB00];
	[tilespmem:s25+$0x380] =	vst v19  }
0x266: {  	[tilespmem:s24+$0xFFFFFCA0] =	vst v22;
	(v2sf) =	vpush v14, $0x4;
	v19 =	vld [tilespmem:s1+$0x610]  }
0x267: {  	v22 =	vld [tilespmem:s2+$0x710];
	[tilespmem:s21+$0xFFFFFF50] =	vst v20;
	s1 =	spop (v2sf)  }
0x268: {  	v20 =	vld [tilespmem:s1+$0x600];
	[tilespmem:s23+$0x220] =	vst v16;
	(v2sf) =	vpush v9, $0xF;
	v9 =	vmovc v0;
	v0 =	vmovc v4;
	v4 =	vmov v8;
	v8 =	vmov v14  }
0x269: {  	v14 =	vmov v15;
	(v2sf) =	vpush v12, $0x2;
	[tilespmem:s22+$0xFFFFFE10] =	vst v17;
	s2 =	spop (v2sf);
	v16 =	vld [tilespmem:s0+$0x710]  }
0x26a: {  	v15 =	vld [tilespmem:s2+$0x700];
	[tilespmem:s20+$0xC0] =	vst v21  }
0x26b: {  	v17 =	vld [tilespmem:s3+$0xB10];
	(v2sf) =	vpush v11, $0xD;
	[tilespmem:s25+$0x390] =	vst v19;
	s0 =	spop (v2sf)  }
0x26c: {  	[tilespmem:s24+$0xFFFFFCB0] =	vst v22;
	s3 =	spop (v2sf);
	v19 =	vld [tilespmem:s0+$0x700]  }
0x26d: {  	v21 =	vld [tilespmem:s3+$0xB00];
	[tilespmem:s21+$0xFFFFFF80] =	vst v20;
	(v2sf) =	vpush v2, $0xA  }
0x26e: {  	v20 =	vld [tilespmem:s1+$0x610];
	[tilespmem:s23+$0x230] =	vst v16;
	s1 =	spop (v2sf)  }
0x26f: {  	[tilespmem:s22+$0xFFFFFE20] =	vst v15;
	v15 =	vld [tilespmem:s1+$0xB00]  }
0x270: {  	v16 =	vld [tilespmem:s2+$0x710];
	(v2sf) =	vpush v4, $0x7;
	[tilespmem:s20+$0xD0] =	vst v17;
	s2 =	spop (v2sf)  }
0x271: {  	v17 =	vld [tilespmem:s2+$0x600];
	[tilespmem:s25+$0x3A0] =	vst v19  }
0x272: {  	[tilespmem:s24+$0xFFFFFCC0] =	vst v21;
	v19 =	vld [tilespmem:s0+$0x710]  }
0x273: {  	v21 =	vld [tilespmem:s3+$0xB10];
	(v2sf) =	vpush v6, $0x5;
	[tilespmem:s21+$0xFFFFFF90] =	vst v20;
	s0 =	spop (v2sf)  }
0x274: {  	v20 =	vld [tilespmem:s0+$0x700];
	[tilespmem:s23+$0x240] =	vst v15  }
0x275: {  	(v2sf) =	vpush v13, $0x2;
	[tilespmem:s22+$0xFFFFFE30] =	vst v16;
	s3 =	spop (v2sf);
	v16 =	vld [tilespmem:s1+$0xB10]  }
0x276: {  	v22 =	vld [tilespmem:s3+$0xB00];
	[tilespmem:s20+$0x100] =	vst v17  }
0x277: {  	v17 =	vld [tilespmem:s2+$0x610];
	(v2sf) =	vpush v10, $0xD;
	[tilespmem:s25+$0x3B0] =	vst v19;
	s4 =	spop (v2sf)  }
0x278: {  	[tilespmem:s24+$0xFFFFFCD0] =	vst v21;
	s1 =	spop (v2sf);
	v21 =	vld [tilespmem:s4+$0xB00]  }
0x279: {  	v23 =	vld [tilespmem:s1+$0x600];
	[tilespmem:s21+$0xFFFFFFA0] =	vst v20  }
.Ltmp0:
0x27a: {  	v15 =	vld [tilespmem:s0+$0x710];
	(v2sf) =	vpush v0, $0xA;
	[tilespmem:s23+$0x250] =	vst v16;
	s2 =	spop (v2sf);
	(pc) =	sbr.rel @p0 .LBB2_2-.Ltmp0, $4  }
0x27b: {  	[tilespmem:s22+$0xFFFFFE40] =	vst v22;
	v20 =	vld [tilespmem:s2+$0x600]  }
0x27c: {  	v19 =	vld [tilespmem:s3+$0xB10];
	(v2sf) =	vpush v1, $0x8;
	[tilespmem:s20+$0x110] =	vst v17;
	s0 =	spop (v2sf)  }
0x27d: {  	v16 =	vld [tilespmem:s0+$0x700];
	[tilespmem:s25+$0x3C0] =	vst v21  }
0x27e: {  	s28 =	sadd.s32 $0x40, s28;
	[tilespmem:s24+$0xFFFFFD00] =	vst v23;
	v17 =	vld [tilespmem:s4+$0xB10]  }
0x27f: {  	(v2sf) =	vpush v7, $0x5  }
0x280: {  	v21 =	vld [tilespmem:s1+$0x610];
	[tilespmem:s21+$0xFFFFFFB0] =	vst v15;
	s30 =	spop (v2sf)  }
0x281: {  	v22 =	vld [tilespmem:s30+$0xB00]  }
0x282: {  	v60 =	vshll.u32 v18, $0x9;
	[tilespmem:s22+$0xFFFFFE50] =	vst v19;
	s31 =	spop (v2sf);
	(v2sf) =	vpush v14, $0x2  }
0x283: {  	v15 =	vshra.s32 v60, $0x2;
	[tilespmem:s20+$0x120] =	vst v16;
	v61 =	vld [tilespmem:s31+$0x600];
	(v2sf) =	vpush v9, $0xD  }
0x284: {  	v62 =	vld [tilespmem:s0+$0x710];
	s3 =	spop (v2sf);
	(v2sf) =	vpush v15, $0x0  }
0x285: {  	v27 =	vld [tilespmem:s26+$0x200];
	[tilespmem:s24+$0xFFFFFD10] =	vst v21  }
0x286: {  	v23 =	vld [tilespmem:s3+$0x700];
	[tilespmem:s21+$0xFFFFFFC0] =	vst v22  }
0x287: {  	[tilespmem:s23+$0x280] =	vst v20;
	v22 =	vld [tilespmem:s30+$0xB10];
	s13 =	spop (v2sf);
	(v2sf) =	vpush v5, $0xB  }
0x288: {  	v20 =	vld [tilespmem:s2+$0x610];
	[tilespmem:s22+$0xFFFFFE80] =	vst v61  }
0x289: {  	[tilespmem:s20+$0x130] =	vst v62;
	v16 =	vld [tilespmem:s31+$0x610];
	s2 =	spop (v2sf);
	(v2sf) =	vpush v3, $0x8  }
0x28a: {  	v21 =	vld [tilespmem:s2+$0xB00]  }
0x28b: {  	[tilespmem:s24+$0xFFFFFD20] =	vst v23  }
0x28c: {  	(v2sf) =	vpush v8, $0x5;
	v28 =	vld [tilespmem:s3+$0x710];
	[tilespmem:s21+$0xFFFFFFD0] =	vst v22;
	s3 =	spop (v2sf)  }
0x28d: {  	[tilespmem:s23+$0x290] =	vst v20;
	v22 =	vld [tilespmem:s3+$0x600]  }
0x28e: {  	v59 =	vld [tilespmem:s26+$0x400];
	(v2sf) =	vpush v12, $0x3;
	[tilespmem:s22+$0xFFFFFE90] =	vst v16;
	s4 =	spop (v2sf)  }
0x28f: {  	v20 =	vshll.u32 v27, $0x9;
	v30 =	vld [tilespmem:s4+$0x700];
	[tilespmem:s20+$0x140] =	vst v21  }
0x290: {  	[tilespmem:s25+$0x3D0] =	vst v17;
	v29 =	vshra.s32 v20, $0x2;
	(v2sf) =	vpush v11, $0xE;
	v21 =	vld [tilespmem:s2+$0xB10]  }
0x291: {  	v63 =	vld [tilespmem:s13+$0x700];
	(v2sf) =	vpush v29, $0x0;
	[tilespmem:s24+$0xFFFFFD30] =	vst v28;
	s5 =	spop (v2sf)  }
0x292: {  	[tilespmem:s21+$0x0] =	vst v22;
	v17 =	vld [tilespmem:s5+$0xB00];
	s11 =	spop (v2sf)  }
0x293: {  	(v2sf) =	vpush v2, $0xB;
	v22 =	vld [tilespmem:s3+$0x610];
	s6 =	spop (v2sf)  }
0x294: {  	v31 =	vld [tilespmem:s6+$0x600];
	[tilespmem:s22+$0xFFFFFEA0] =	vst v30  }
0x295: {  	(v2sf) =	vpush v4, $0x8;
	v20 =	vld [tilespmem:s4+$0x710];
	[tilespmem:s20+$0x150] =	vst v21  }
0x296: {  	s7 =	spop (v2sf)  }
0x297: {  	v21 =	vld [tilespmem:s7+$0x600];
	[tilespmem:s24+$0xFFFFFD40] =	vst v17  }
0x298: {  	(v2sf) =	vpush v6, $0x6;
	[tilespmem:s21+$0x10] =	vst v22;
	v24 =	vld [tilespmem:s5+$0xB10];
	s8 =	spop (v2sf)  }
0x299: {  	s25 =	sadd.s32 $0x800, s24;
	v22 =	vld [tilespmem:s8+$0x700]  }
0x29a: {  	(v2sf) =	vpush v13, $0x3;
	[tilespmem:s25+$0xFFFFFC00] =	vst v31  }
0x29b: {  	v32 =	vshll.u32 v59, $0x9;
	s9 =	spop (v2sf);
	v23 =	vld [tilespmem:s6+$0x610];
	[tilespmem:s22+$0xFFFFFEB0] =	vst v20  }
0x29c: {  	v17 =	vshra.s32 v32, $0x2;
	(v2sf) =	vpush v10, $0xE;
	v33 =	vld [tilespmem:s9+$0xB00];
	[tilespmem:s20+$0x180] =	vst v21  }
0x29d: {  	(v2sf) =	vpush v17, $0x0;
	s10 =	spop (v2sf);
	v34 =	vld [tilespmem:s7+$0x610];
	[tilespmem:s24+$0xFFFFFD50] =	vst v24  }
0x29e: {  	v35 =	vld [tilespmem:s10+$0x600];
	[tilespmem:s21+$0x20] =	vst v22  }
0x29f: {  	(v2sf) =	vpush v0, $0xB;
	s12 =	spop (v2sf);
	v22 =	vld [tilespmem:s8+$0x710]  }
0x2a0: {  	s14 =	spop (v2sf);
	[tilespmem:s25+$0xFFFFFC10] =	vst v23  }
0x2a1: {  	(v2sf) =	vpush v1, $0x9;
	v23 =	vld [tilespmem:s14+$0x700];
	[tilespmem:s22+$0xFFFFFEC0] =	vst v33  }
0x2a2: {  	s15 =	spop (v2sf);
	v19 =	vld [tilespmem:s9+$0xB10];
	[tilespmem:s20+$0x190] =	vst v34  }
0x2a3: {  	v20 =	vld [tilespmem:s15+$0x700];
	[tilespmem:s24+$0xFFFFFD80] =	vst v35  }
0x2a4: {  	(v2sf) =	vpush v7, $0x6;
	s16 =	spop (v2sf);
	v21 =	vld [tilespmem:s10+$0x610];
	[tilespmem:s21+$0x30] =	vst v22  }
0x2a5: {  	v22 =	vld [tilespmem:s16+$0xB00]  }
0x2a6: {  	(v2sf) =	vpush v14, $0x3;
	[tilespmem:s25+$0xFFFFFC20] =	vst v23  }
0x2a7: {  	s17 =	spop (v2sf);
	v23 =	vld [tilespmem:s14+$0x710];
	[tilespmem:s22+$0xFFFFFED0] =	vst v19  }
0x2a8: {  	(v2sf) =	vpush v9, $0xE;
	v19 =	vld [tilespmem:s17+$0x600];
	[tilespmem:s20+$0x1A0] =	vst v20  }
0x2a9: {  	(v2sf) =	vpush v15, $0x1;
	s18 =	spop (v2sf);
	v20 =	vld [tilespmem:s15+$0x710];
	[tilespmem:s24+$0xFFFFFD90] =	vst v21  }
0x2aa: {  	v21 =	vld [tilespmem:s18+$0x700];
	[tilespmem:s21+$0x40] =	vst v22  }
0x2ab: {  	(v2sf) =	vpush v5, $0xC;
	s4 =	spop (v2sf);
	v22 =	vld [tilespmem:s16+$0xB10]  }
0x2ac: {  	s19 =	spop (v2sf);
	[tilespmem:s25+$0xFFFFFC30] =	vst v23  }
0x2ad: {  	(v2sf) =	vpush v3, $0x9;
	v23 =	vld [tilespmem:s19+$0xB00];
	[tilespmem:s22+$0xFFFFFF00] =	vst v19  }
0x2ae: {  	s26 =	spop (v2sf);
	v19 =	vld [tilespmem:s17+$0x610];
	[tilespmem:s20+$0x1B0] =	vst v20  }
0x2af: {  	v20 =	vld [tilespmem:s26+$0xB00];
	[tilespmem:s24+$0xFFFFFDA0] =	vst v21  }
0x2b0: {  	(v2sf) =	vpush v8, $0x6;
	s28 =	spop (v2sf);
	v21 =	vld [tilespmem:s18+$0x710];
	[tilespmem:s21+$0x50] =	vst v22  }
0x2b1: {  	v22 =	vld [tilespmem:s28+$0x600]  }
0x2b2: {  	(v2sf) =	vpush v12, $0x4;
	[tilespmem:s25+$0xFFFFFC40] =	vst v23  }
0x2b3: {  	s29 =	spop (v2sf);
	v23 =	vld [tilespmem:s19+$0xB10];
	[tilespmem:s22+$0xFFFFFF10] =	vst v19  }
0x2b4: {  	(v2sf) =	vpush v11, $0xF;
	v19 =	vld [tilespmem:s29+$0x700];
	[tilespmem:s20+$0x1C0] =	vst v20  }
0x2b5: {  	(v2sf) =	vpush v29, $0x1;
	s30 =	spop (v2sf);
	v36 =	vld [tilespmem:s26+$0xB10];
	[tilespmem:s24+$0xFFFFFDB0] =	vst v21  }
0x2b6: {  	v37 =	vld [tilespmem:s30+$0xB00];
	[tilespmem:s21+$0x80] =	vst v22  }
0x2b7: {  	(v2sf) =	vpush v2, $0xC;
	s3 =	spop (v2sf);
	v38 =	vld [tilespmem:s28+$0x610]  }
0x2b8: {  	s31 =	spop (v2sf);
	[tilespmem:s25+$0xFFFFFC50] =	vst v23  }
0x2b9: {  	(v2sf) =	vpush v4, $0x9;
	v39 =	vld [tilespmem:s31+$0x600];
	[tilespmem:s22+$0xFFFFFF20] =	vst v19  }
0x2ba: {  	s5 =	spop (v2sf);
	v19 =	vld [tilespmem:s29+$0x710];
	[tilespmem:s20+$0x1D0] =	vst v36  }
0x2bb: {  	v11 =	vld [tilespmem:s5+$0x600];
	[tilespmem:s24+$0xFFFFFDC0] =	vst v37  }
0x2bc: {  	(v2sf) =	vpush v6, $0x7;
	s6 =	spop (v2sf);
	v20 =	vld [tilespmem:s30+$0xB10];
	[tilespmem:s21+$0x90] =	vst v38  }
0x2bd: {  	v21 =	vld [tilespmem:s6+$0x700]  }
0x2be: {  	(v2sf) =	vpush v13, $0x4;
	[tilespmem:s25+$0xFFFFFC80] =	vst v39  }
0x2bf: {  	s7 =	spop (v2sf);
	v22 =	vld [tilespmem:s31+$0x610];
	[tilespmem:s22+$0xFFFFFF30] =	vst v19  }
0x2c0: {  	(v2sf) =	vpush v10, $0xF;
	v19 =	vld [tilespmem:s7+$0xB00];
	[tilespmem:s20+$0x200] =	vst v11  }
0x2c1: {  	(v2sf) =	vpush v17, $0x1;
	v40 =	vld [tilespmem:s5+$0x610];
	[tilespmem:s24+$0xFFFFFDD0] =	vst v20;
	s5 =	spop (v2sf)  }
0x2c2: {  	v41 =	vld [tilespmem:s5+$0x600];
	[tilespmem:s21+$0xA0] =	vst v21  }
0x2c3: {  	(v2sf) =	vpush v0, $0xC;
	s2 =	spop (v2sf);
	v42 =	vld [tilespmem:s6+$0x710]  }
0x2c4: {  	[tilespmem:s25+$0xFFFFFC90] =	vst v22;
	s8 =	spop (v2sf)  }
0x2c5: {  	(v2sf) =	vpush v1, $0xA;
	v43 =	vld [tilespmem:s8+$0x700];
	[tilespmem:s22+$0xFFFFFF40] =	vst v19  }
0x2c6: {  	s9 =	spop (v2sf);
	v19 =	vld [tilespmem:s7+$0xB10];
	[tilespmem:s20+$0x210] =	vst v40  }
0x2c7: {  	v10 =	vld [tilespmem:s9+$0x700];
	[tilespmem:s24+$0xFFFFFE00] =	vst v41  }
0x2c8: {  	(v2sf) =	vpush v7, $0x7;
	s10 =	spop (v2sf);
	v11 =	vld [tilespmem:s5+$0x610];
	[tilespmem:s21+$0xB0] =	vst v42  }
0x2c9: {  	v20 =	vld [tilespmem:s10+$0xB00]  }
0x2ca: {  	(v2sf) =	vpush v14, $0x4;
	[tilespmem:s25+$0xFFFFFCA0] =	vst v43  }
0x2cb: {  	s14 =	spop (v2sf);
	v21 =	vld [tilespmem:s8+$0x710];
	[tilespmem:s22+$0xFFFFFF50] =	vst v19  }
0x2cc: {  	(v2sf) =	vpush v9, $0xF;
	v19 =	vld [tilespmem:s14+$0x600];
	[tilespmem:s20+$0x220] =	vst v10  }
0x2cd: {  	(v2sf) =	vpush v15, $0x2;
	s6 =	spop (v2sf);
	v44 =	vld [tilespmem:s9+$0x710];
	[tilespmem:s24+$0xFFFFFE10] =	vst v11  }
0x2ce: {  	v45 =	vld [tilespmem:s6+$0x700];
	[tilespmem:s21+$0xC0] =	vst v20  }
0x2cf: {  	(v2sf) =	vpush v5, $0xD;
	s1 =	spop (v2sf);
	v46 =	vld [tilespmem:s10+$0xB10]  }
0x2d0: {  	s15 =	spop (v2sf);
	[tilespmem:s25+$0xFFFFFCB0] =	vst v21  }
0x2d1: {  	(v2sf) =	vpush v3, $0xA;
	v47 =	vld [tilespmem:s15+$0xB00];
	[tilespmem:s22+$0xFFFFFF80] =	vst v19  }
0x2d2: {  	s16 =	spop (v2sf);
	v19 =	vld [tilespmem:s14+$0x610];
	[tilespmem:s20+$0x230] =	vst v44  }
0x2d3: {  	v9 =	vld [tilespmem:s16+$0xB00];
	[tilespmem:s24+$0xFFFFFE20] =	vst v45  }
0x2d4: {  	(v2sf) =	vpush v8, $0x7;
	s17 =	spop (v2sf);
	v10 =	vld [tilespmem:s6+$0x710];
	[tilespmem:s21+$0xD0] =	vst v46  }
0x2d5: {  	v11 =	vld [tilespmem:s17+$0x600]  }
0x2d6: {  	(v2sf) =	vpush v12, $0x5;
	[tilespmem:s25+$0xFFFFFCC0] =	vst v47  }
0x2d7: {  	s18 =	spop (v2sf);
	v20 =	vld [tilespmem:s15+$0xB10];
	[tilespmem:s22+$0xFFFFFF90] =	vst v19  }
0x2d8: {  	v19 =	vld [tilespmem:s18+$0x700];
	[tilespmem:s20+$0x240] =	vst v9  }
0x2d9: {  	(v2sf) =	vpush v29, $0x2;
	s7 =	spop (v2sf);
	v9 =	vld [tilespmem:s16+$0xB10];
	[tilespmem:s24+$0xFFFFFE30] =	vst v10  }
0x2da: {  	v10 =	vld [tilespmem:s7+$0xB00];
	[tilespmem:s21+$0x100] =	vst v11  }
0x2db: {  	(v2sf) =	vpush v2, $0xD;
	s0 =	spop (v2sf);
	v11 =	vld [tilespmem:s17+$0x610]  }
0x2dc: {  	s19 =	spop (v2sf);
	[tilespmem:s25+$0xFFFFFCD0] =	vst v20  }
0x2dd: {  	(v2sf) =	vpush v4, $0xA;
	v20 =	vld [tilespmem:s19+$0x600];
	[tilespmem:s22+$0xFFFFFFA0] =	vst v19  }
0x2de: {  	s26 =	spop (v2sf);
	v19 =	vld [tilespmem:s18+$0x710];
	[tilespmem:s20+$0x250] =	vst v9  }
0x2df: {  	v9 =	vld [tilespmem:s26+$0x600];
	[tilespmem:s24+$0xFFFFFE40] =	vst v10  }
0x2e0: {  	(v2sf) =	vpush v6, $0x8;
	s28 =	spop (v2sf);
	v10 =	vld [tilespmem:s7+$0xB10];
	[tilespmem:s21+$0x110] =	vst v11  }
0x2e1: {  	[tilespmem:s23+$0x2A0] =	vst v63;
	v11 =	vld [tilespmem:s28+$0x700]  }
0x2e2: {  	v18 =	vld [tilespmem:s13+$0x710];
	(v2sf) =	vpush v13, $0x5;
	[tilespmem:s25+$0xFFFFFD00] =	vst v20  }
0x2e3: {  	s29 =	spop (v2sf);
	v20 =	vld [tilespmem:s19+$0x610];
	[tilespmem:s22+$0xFFFFFFB0] =	vst v19  }
0x2e4: {  	v19 =	vld [tilespmem:s29+$0xB00];
	[tilespmem:s20+$0x280] =	vst v9  }
0x2e5: {  	(v2sf) =	vpush v17, $0x2;
	s30 =	spop (v2sf);
	v9 =	vld [tilespmem:s26+$0x610];
	[tilespmem:s24+$0xFFFFFE50] =	vst v10  }
0x2e6: {  	[tilespmem:s21+$0x120] =	vst v11;
	v10 =	vld [tilespmem:s30+$0x600]  }
0x2e7: {  	[tilespmem:s23+$0x2B0] =	vst v18;
	(v2sf) =	vpush v0, $0xD;
	v11 =	vld [tilespmem:s28+$0x710]  }
0x2e8: {  	v18 =	vld [tilespmem:s11+$0xB00];
	s8 =	spop (v2sf);
	[tilespmem:s25+$0xFFFFFD10] =	vst v20  }
0x2e9: {  	(v2sf) =	vpush v1, $0xB;
	v20 =	vld [tilespmem:s8+$0x700];
	[tilespmem:s22+$0xFFFFFFC0] =	vst v19  }
0x2ea: {  	s31 =	spop (v2sf);
	v19 =	vld [tilespmem:s29+$0xB10];
	[tilespmem:s20+$0x290] =	vst v9  }
0x2eb: {  	v9 =	vld [tilespmem:s31+$0x700];
	[tilespmem:s24+$0xFFFFFE80] =	vst v10  }
0x2ec: {  	(v2sf) =	vpush v7, $0x8;
	s7 =	spop (v2sf);
	v10 =	vld [tilespmem:s30+$0x610];
	[tilespmem:s21+$0x130] =	vst v11  }
0x2ed: {  	[tilespmem:s23+$0x2C0] =	vst v18;
	v11 =	vld [tilespmem:s7+$0xB00]  }
0x2ee: {  	v18 =	vld [tilespmem:s11+$0xB10];
	(v2sf) =	vpush v14, $0x5;
	[tilespmem:s25+$0xFFFFFD20] =	vst v20  }
0x2ef: {  	v20 =	vld [tilespmem:s8+$0x710];
	[tilespmem:s22+$0xFFFFFFD0] =	vst v19;
	s8 =	spop (v2sf)  }
0x2f0: {  	v19 =	vld [tilespmem:s8+$0x600];
	[tilespmem:s20+$0x2A0] =	vst v9  }
0x2f1: {  	(v2sf) =	vpush v15, $0x3;
	s9 =	spop (v2sf);
	v9 =	vld [tilespmem:s31+$0x710];
	[tilespmem:s24+$0xFFFFFE90] =	vst v10  }
0x2f2: {  	v10 =	vld [tilespmem:s9+$0x700];
	[tilespmem:s21+$0x140] =	vst v11  }
0x2f3: {  	[tilespmem:s23+$0x2D0] =	vst v18;
	(v2sf) =	vpush v5, $0xE;
	v11 =	vld [tilespmem:s7+$0xB10]  }
0x2f4: {  	v18 =	vld [tilespmem:s12+$0x600];
	s10 =	spop (v2sf);
	[tilespmem:s25+$0xFFFFFD30] =	vst v20  }
0x2f5: {  	(v2sf) =	vpush v3, $0xB;
	v20 =	vld [tilespmem:s10+$0xB00];
	[tilespmem:s22+$0x0] =	vst v19  }
0x2f6: {  	s11 =	spop (v2sf);
	v19 =	vld [tilespmem:s8+$0x610];
	[tilespmem:s20+$0x2B0] =	vst v9  }
0x2f7: {  	v9 =	vld [tilespmem:s11+$0xB00];
	[tilespmem:s24+$0xFFFFFEA0] =	vst v10  }
0x2f8: {  	(v2sf) =	vpush v8, $0x8;
	s13 =	spop (v2sf);
	v10 =	vld [tilespmem:s9+$0x710];
	[tilespmem:s21+$0x150] =	vst v11  }
0x2f9: {  	[tilespmem:s23+$0x300] =	vst v18;
	v11 =	vld [tilespmem:s13+$0x600]  }
0x2fa: {  	v18 =	vld [tilespmem:s12+$0x610];
	(v2sf) =	vpush v12, $0x6;
	[tilespmem:s25+$0xFFFFFD40] =	vst v20  }
0x2fb: {  	s14 =	spop (v2sf);
	v20 =	vld [tilespmem:s10+$0xB10];
	[tilespmem:s22+$0x10] =	vst v19  }
0x2fc: {  	v19 =	vld [tilespmem:s14+$0x700];
	[tilespmem:s20+$0x2C0] =	vst v9  }
0x2fd: {  	(v2sf) =	vpush v29, $0x3;
	s15 =	spop (v2sf);
	v9 =	vld [tilespmem:s11+$0xB10];
	[tilespmem:s24+$0xFFFFFEB0] =	vst v10  }
0x2fe: {  	v10 =	vld [tilespmem:s15+$0xB00];
	[tilespmem:s21+$0x180] =	vst v11  }
0x2ff: {  	[tilespmem:s23+$0x310] =	vst v18;
	(v2sf) =	vpush v2, $0xE;
	v11 =	vld [tilespmem:s13+$0x610]  }
0x300: {  	v18 =	vld [tilespmem:s4+$0x700];
	s16 =	spop (v2sf);
	[tilespmem:s25+$0xFFFFFD50] =	vst v20  }
0x301: {  	(v2sf) =	vpush v4, $0xB;
	v20 =	vld [tilespmem:s16+$0x600];
	[tilespmem:s22+$0x20] =	vst v19  }
0x302: {  	s17 =	spop (v2sf);
	v19 =	vld [tilespmem:s14+$0x710];
	[tilespmem:s20+$0x2D0] =	vst v9  }
0x303: {  	v9 =	vld [tilespmem:s17+$0x600];
	[tilespmem:s24+$0xFFFFFEC0] =	vst v10  }
0x304: {  	(v2sf) =	vpush v6, $0x9;
	s18 =	spop (v2sf);
	v10 =	vld [tilespmem:s15+$0xB10];
	[tilespmem:s21+$0x190] =	vst v11  }
0x305: {  	[tilespmem:s23+$0x320] =	vst v18;
	v11 =	vld [tilespmem:s18+$0x700]  }
0x306: {  	v18 =	vld [tilespmem:s4+$0x710];
	(v2sf) =	vpush v13, $0x6;
	[tilespmem:s25+$0xFFFFFD80] =	vst v20  }
0x307: {  	s19 =	spop (v2sf);
	v20 =	vld [tilespmem:s16+$0x610];
	[tilespmem:s22+$0x30] =	vst v19  }
0x308: {  	v19 =	vld [tilespmem:s19+$0xB00];
	[tilespmem:s20+$0x300] =	vst v9  }
0x309: {  	(v2sf) =	vpush v17, $0x3;
	s26 =	spop (v2sf);
	v9 =	vld [tilespmem:s17+$0x610];
	[tilespmem:s24+$0xFFFFFED0] =	vst v10  }
0x30a: {  	v10 =	vld [tilespmem:s26+$0x600];
	[tilespmem:s21+$0x1A0] =	vst v11  }
0x30b: {  	[tilespmem:s23+$0x330] =	vst v18;
	(v2sf) =	vpush v0, $0xE;
	v11 =	vld [tilespmem:s18+$0x710]  }
0x30c: {  	v18 =	vld [tilespmem:s3+$0xB00];
	s28 =	spop (v2sf);
	[tilespmem:s25+$0xFFFFFD90] =	vst v20  }
0x30d: {  	(v2sf) =	vpush v1, $0xC;
	v20 =	vld [tilespmem:s28+$0x700];
	[tilespmem:s22+$0x40] =	vst v19  }
0x30e: {  	s29 =	spop (v2sf);
	v19 =	vld [tilespmem:s19+$0xB10];
	[tilespmem:s20+$0x310] =	vst v9  }
0x30f: {  	v9 =	vld [tilespmem:s29+$0x700];
	[tilespmem:s24+$0xFFFFFF00] =	vst v10  }
0x310: {  	(v2sf) =	vpush v7, $0x9;
	s30 =	spop (v2sf);
	v10 =	vld [tilespmem:s26+$0x610];
	[tilespmem:s21+$0x1B0] =	vst v11  }
0x311: {  	[tilespmem:s23+$0x340] =	vst v18;
	v11 =	vld [tilespmem:s30+$0xB00]  }
0x312: {  	v18 =	vld [tilespmem:s3+$0xB10];
	(v2sf) =	vpush v14, $0x6;
	[tilespmem:s25+$0xFFFFFDA0] =	vst v20  }
0x313: {  	s31 =	spop (v2sf);
	v20 =	vld [tilespmem:s28+$0x710];
	[tilespmem:s22+$0x50] =	vst v19  }
0x314: {  	v19 =	vld [tilespmem:s31+$0x600];
	[tilespmem:s20+$0x320] =	vst v9  }
0x315: {  	(v2sf) =	vpush v15, $0x4;
	s5 =	spop (v2sf);
	v9 =	vld [tilespmem:s29+$0x710];
	[tilespmem:s24+$0xFFFFFF10] =	vst v10  }
0x316: {  	v10 =	vld [tilespmem:s5+$0x700];
	[tilespmem:s21+$0x1C0] =	vst v11  }
0x317: {  	[tilespmem:s23+$0x350] =	vst v18;
	(v2sf) =	vpush v5, $0xF;
	v48 =	vld [tilespmem:s30+$0xB10]  }
0x318: {  	v18 =	vld [tilespmem:s2+$0x600];
	s7 =	spop (v2sf);
	[tilespmem:s25+$0xFFFFFDB0] =	vst v20  }
0x319: {  	(v2sf) =	vpush v3, $0xC;
	v49 =	vld [tilespmem:s7+$0xB00];
	[tilespmem:s22+$0x80] =	vst v19  }
0x31a: {  	s8 =	spop (v2sf);
	v19 =	vld [tilespmem:s31+$0x610];
	[tilespmem:s20+$0x330] =	vst v9  }
0x31b: {  	v9 =	vld [tilespmem:s8+$0xB00];
	[tilespmem:s24+$0xFFFFFF20] =	vst v10  }
0x31c: {  	(v2sf) =	vpush v8, $0x9;
	s9 =	spop (v2sf);
	v10 =	vld [tilespmem:s5+$0x710];
	[tilespmem:s21+$0x1D0] =	vst v48  }
0x31d: {  	[tilespmem:s23+$0x380] =	vst v18;
	v5 =	vld [tilespmem:s9+$0x600]  }
0x31e: {  	v18 =	vld [tilespmem:s2+$0x610];
	(v2sf) =	vpush v12, $0x7;
	[tilespmem:s25+$0xFFFFFDC0] =	vst v49  }
0x31f: {  	s10 =	spop (v2sf);
	v11 =	vld [tilespmem:s7+$0xB10];
	[tilespmem:s22+$0x90] =	vst v19  }
0x320: {  	v19 =	vld [tilespmem:s10+$0x700];
	[tilespmem:s20+$0x340] =	vst v9  }
0x321: {  	(v2sf) =	vpush v29, $0x4;
	s11 =	spop (v2sf);
	v9 =	vld [tilespmem:s8+$0xB10];
	[tilespmem:s24+$0xFFFFFF30] =	vst v10  }
0x322: {  	v10 =	vld [tilespmem:s11+$0xB00];
	[tilespmem:s21+$0x200] =	vst v5  }
0x323: {  	[tilespmem:s23+$0x390] =	vst v18;
	(v2sf) =	vpush v2, $0xF;
	v50 =	vld [tilespmem:s9+$0x610]  }
0x324: {  	v18 =	vld [tilespmem:s1+$0x700];
	s12 =	spop (v2sf);
	[tilespmem:s25+$0xFFFFFDD0] =	vst v11  }
0x325: {  	(v2sf) =	vpush v4, $0xC;
	v51 =	vld [tilespmem:s12+$0x600];
	[tilespmem:s22+$0xA0] =	vst v19  }
0x326: {  	s13 =	spop (v2sf);
	v52 =	vld [tilespmem:s10+$0x710];
	[tilespmem:s20+$0x350] =	vst v9  }
0x327: {  	v9 =	vld [tilespmem:s13+$0x600];
	[tilespmem:s24+$0xFFFFFF40] =	vst v10  }
0x328: {  	(v2sf) =	vpush v6, $0xA;
	s14 =	spop (v2sf);
	v10 =	vld [tilespmem:s11+$0xB10];
	[tilespmem:s21+$0x210] =	vst v50  }
0x329: {  	[tilespmem:s23+$0x3A0] =	vst v18;
	v2 =	vld [tilespmem:s14+$0x700]  }
0x32a: {  	v18 =	vld [tilespmem:s1+$0x710];
	(v2sf) =	vpush v13, $0x7;
	[tilespmem:s25+$0xFFFFFE00] =	vst v51  }
0x32b: {  	s15 =	spop (v2sf);
	v5 =	vld [tilespmem:s12+$0x610];
	[tilespmem:s22+$0xB0] =	vst v52  }
0x32c: {  	v11 =	vld [tilespmem:s15+$0xB00];
	[tilespmem:s20+$0x380] =	vst v9  }
0x32d: {  	(v2sf) =	vpush v17, $0x4;
	s16 =	spop (v2sf);
	v9 =	vld [tilespmem:s13+$0x610];
	[tilespmem:s24+$0xFFFFFF50] =	vst v10  }
0x32e: {  	v10 =	vld [tilespmem:s16+$0x600];
	[tilespmem:s21+$0x220] =	vst v2  }
0x32f: {  	[tilespmem:s23+$0x3B0] =	vst v18;
	v53 =	vld [tilespmem:s14+$0x710]  }
0x330: {  	v56 =	vld [tilespmem:s0+$0xB00];
	(v2sf) =	vpush v0, $0xF;
	s17 =	spop (v2sf);
	[tilespmem:s25+$0xFFFFFE10] =	vst v5  }
0x331: {  	(v2sf) =	vpush v1, $0xD;
	v54 =	vld [tilespmem:s17+$0x700];
	[tilespmem:s22+$0xC0] =	vst v11  }
0x332: {  	s18 =	spop (v2sf);
	v55 =	vld [tilespmem:s15+$0xB10];
	[tilespmem:s20+$0x390] =	vst v9  }
0x333: {  	v9 =	vld [tilespmem:s18+$0x700];
	[tilespmem:s24+$0xFFFFFF80] =	vst v10  }
0x334: {  	s19 =	spop (v2sf);
	v10 =	vld [tilespmem:s16+$0x610];
	[tilespmem:s21+$0x230] =	vst v53  }
0x335: {  	[tilespmem:s23+$0x3C0] =	vst v56;
	v0 =	vld [tilespmem:s19+$0xB00]  }
0x336: {  	v11 =	vld [tilespmem:s0+$0xB10];
	[tilespmem:s25+$0xFFFFFE20] =	vst v54  }
0x337: {  	(v2sf) =	vpush v7, $0xA;
	s26 =	spop (v2sf);
	v2 =	vld [tilespmem:s17+$0x710];
	[tilespmem:s22+$0xD0] =	vst v55  }
0x338: {  	(v2sf) =	vpush v14, $0x7;
	v5 =	vld [tilespmem:s26+$0x600];
	[tilespmem:s20+$0x3A0] =	vst v9  }
0x339: {  	(v2sf) =	vpush v15, $0x5;
	s28 =	spop (v2sf);
	v9 =	vld [tilespmem:s18+$0x710];
	[tilespmem:s24+$0xFFFFFF90] =	vst v10  }
0x33a: {  	v10 =	vld [tilespmem:s28+$0x700];
	[tilespmem:s21+$0x240] =	vst v0  }
0x33b: {  	[tilespmem:s23+$0x3D0] =	vst v11;
	v0 =	vld [tilespmem:s19+$0xB10]  }
0x33c: {  	s29 =	spop (v2sf);
	[tilespmem:s25+$0xFFFFFE30] =	vst v2  }
0x33d: {  	v2 =	vld [tilespmem:s29+$0xB00];
	[tilespmem:s22+$0x100] =	vst v5  }
0x33e: {  	[tilespmem:s20+$0x3B0] =	vst v9  }
0x33f: {  	s30 =	spop (v2sf);
	v5 =	vld [tilespmem:s26+$0x610];
	[tilespmem:s24+$0xFFFFFFA0] =	vst v10  }
0x340: {  	s31 =	spop (v2sf);
	v9 =	vld [tilespmem:s30+$0xB00];
	[tilespmem:s21+$0x250] =	vst v0  }
0x341: {  	v10 =	vld [tilespmem:s28+$0x710];
	[dreg:$0x14] =	wrdreg s31  }
0x342: {  	(v2sf) =	vpush v3, $0xD;
	[tilespmem:s25+$0xFFFFFE40] =	vst v2  }
0x343: {  	(v2sf) =	vpush v8, $0xA;
	v58 =	vld [tilespmem:s29+$0xB10]  }
0x344: {  	(v2sf) =	vpush v12, $0x8  }
0x345: {  	(v2sf) =	vpush v29, $0x5  }
0x346: {  	s16 =	spop (v2sf)  }
0x347: {  	s2 =	spop (v2sf)  }
0x348: {  	s29 =	spop (v2sf);
	[tilespmem:s25+$0xFFFFFE50] =	vst v58  }
0x349: {  	v60 =	vld [tilespmem:s29+$0x600];
	_ =	sdelay $0x4  }
0x34a: {  	(v2sf) =	vpush v4, $0xD;
	[tilespmem:s25+$0xFFFFFE80] =	vst v60  }
0x34b: {  	[tilespmem:s20+$0x3C0] =	vst v9;
	(v2sf) =	vpush v6, $0xB;
	v9 =	vld [tilespmem:s29+$0x610]  }
0x34c: {  	(v2sf) =	vpush v13, $0x8  }
0x34d: {  	v59 =	vld [tilespmem:s30+$0xB10];
	s30 =	spop (v2sf);
	(v2sf) =	vpush v17, $0x5  }
0x34e: {  	v57 =	vld [tilespmem:s31+$0x600];
	[tilespmem:s22+$0x110] =	vst v5;
	s9 =	spop (v2sf)  }
0x34f: {  	v5 =	vld [tilespmem:s16+$0x700];
	s31 =	spop (v2sf);
	[dreg:$0x16] =	wrdreg s30  }
0x350: {  	s5 =	spop (v2sf);
	[tilespmem:s25+$0xFFFFFE90] =	vst v9  }
0x351: {  	v9 =	vld [tilespmem:s5+$0x700];
	_ =	sdelay $0x3  }
0x352: {  	(v2sf) =	vpush v1, $0xE  }
0x353: {  	(v2sf) =	vpush v7, $0xB;
	[tilespmem:s25+$0xFFFFFEA0] =	vst v9  }
0x354: {  	v9 =	vld [tilespmem:s5+$0x710]  }
0x355: {  	(v2sf) =	vpush v14, $0x8  }
0x356: {  	s0 =	spop (v2sf);
	(v2sf) =	vpush v15, $0x6  }
0x357: {  	s10 =	spop (v2sf)  }
0x358: {  	[dreg:$0x15] =	wrdreg s0;
	s19 =	spop (v2sf)  }
0x359: {  	s6 =	spop (v2sf);
	[tilespmem:s25+$0xFFFFFEB0] =	vst v9  }
0x35a: {  	v9 =	vld [tilespmem:s6+$0xB00];
	_ =	sdelay $0x4  }
0x35b: {  	(v2sf) =	vpush v3, $0xE;
	[tilespmem:s25+$0xFFFFFEC0] =	vst v9  }
0x35c: {  	(v2sf) =	vpush v8, $0xB;
	v9 =	vld [tilespmem:s6+$0xB10]  }
0x35d: {  	(v2sf) =	vpush v12, $0x9  }
0x35e: {  	s7 =	spop (v2sf);
	(v2sf) =	vpush v29, $0x6  }
0x35f: {  	s18 =	spop (v2sf)  }
0x360: {  	[dreg:$0x13] =	wrdreg s7;
	s3 =	spop (v2sf)  }
0x361: {  	s8 =	spop (v2sf);
	[tilespmem:s25+$0xFFFFFED0] =	vst v9  }
0x362: {  	v9 =	vld [tilespmem:s8+$0x600];
	_ =	sdelay $0x4  }
0x363: {  	(v2sf) =	vpush v4, $0xE;
	[tilespmem:s25+$0xFFFFFF00] =	vst v9  }
0x364: {  	(v2sf) =	vpush v6, $0xC;
	v9 =	vld [tilespmem:s8+$0x610]  }
0x365: {  	(v2sf) =	vpush v13, $0x9  }
0x366: {  	s11 =	spop (v2sf);
	(v2sf) =	vpush v17, $0x6  }
0x367: {  	[dreg:$0x12] =	wrdreg s11;
	s11 =	spop (v2sf)  }
0x368: {  	s4 =	spop (v2sf)  }
0x369: {  	s12 =	spop (v2sf);
	[tilespmem:s25+$0xFFFFFF10] =	vst v9  }
0x36a: {  	v9 =	vld [tilespmem:s12+$0x700];
	_ =	sdelay $0x4  }
0x36b: {  	(v2sf) =	vpush v1, $0xF;
	[tilespmem:s25+$0xFFFFFF20] =	vst v9  }
0x36c: {  	(v2sf) =	vpush v7, $0xC;
	v61 =	vld [tilespmem:s12+$0x710]  }
0x36d: {  	(v2sf) =	vpush v14, $0x9  }
0x36e: {  	s13 =	spop (v2sf);
	(v2sf) =	vpush v15, $0x7  }
0x36f: {  	s12 =	spop (v2sf)  }
0x370: {  	[dreg:$0x11] =	wrdreg s13;
	s5 =	spop (v2sf)  }
0x371: {  	s14 =	spop (v2sf);
	[tilespmem:s25+$0xFFFFFF30] =	vst v61  }
0x372: {  	v1 =	vld [tilespmem:s14+$0xB00];
	_ =	sdelay $0x4  }
0x373: {  	(v2sf) =	vpush v3, $0xF;
	[tilespmem:s25+$0xFFFFFF40] =	vst v1  }
0x374: {  	(v2sf) =	vpush v8, $0xC;
	v1 =	vld [tilespmem:s14+$0xB10]  }
0x375: {  	(v2sf) =	vpush v12, $0xA  }
0x376: {  	s15 =	spop (v2sf);
	(v2sf) =	vpush v29, $0x7  }
0x377: {  	s13 =	spop (v2sf)  }
0x378: {  	s6 =	spop (v2sf);
	[dreg:$0x10] =	wrdreg s15  }
0x379: {  	s17 =	spop (v2sf);
	[tilespmem:s25+$0xFFFFFF50] =	vst v1  }
0x37a: {  	v1 =	vld [tilespmem:s17+$0x600];
	_ =	sdelay $0x4  }
0x37b: {  	(v2sf) =	vpush v4, $0xF;
	[tilespmem:s25+$0xFFFFFF80] =	vst v1  }
0x37c: {  	(v2sf) =	vpush v6, $0xD;
	v1 =	vld [tilespmem:s17+$0x610]  }
0x37d: {  	(v2sf) =	vpush v13, $0xA  }
0x37e: {  	(v2sf) =	vpush v17, $0x7;
	s23 =	spop (v2sf)  }
0x37f: {  	s14 =	spop (v2sf)  }
0x380: {  	s7 =	spop (v2sf);
	[dreg:$0xf] =	wrdreg s23  }
0x381: {  	s26 =	spop (v2sf);
	[tilespmem:s25+$0xFFFFFF90] =	vst v1  }
0x382: {  	v1 =	vld [tilespmem:s26+$0x700];
	_ =	sdelay $0x4  }
0x383: {  	(v2sf) =	vpush v7, $0xD;
	[tilespmem:s25+$0xFFFFFFA0] =	vst v1  }
0x384: {  	v1 =	vld [tilespmem:s26+$0x710]  }
0x385: {  	(v2sf) =	vpush v14, $0xA  }
0x386: {  	(v2sf) =	vpush v15, $0x8;
	s28 =	spop (v2sf)  }
0x387: {  	s17 =	spop (v2sf);
	[dreg:$0xe] =	wrdreg s28  }
0x388: {  	s8 =	spop (v2sf);
	[tilespmem:s24+$0xFFFFFFB0] =	vst v10  }
0x389: {  	s15 =	spop (v2sf);
	v62 =	vld [tilespmem:s2+$0xB00];
	[tilespmem:s25+$0xFFFFFFB0] =	vst v1  }
0x38a: {  	v1 =	vld [tilespmem:s15+$0xB00];
	_ =	sdelay $0x3  }
0x38b: {  	[tilespmem:s24+$0xFFFFFFC0] =	vst v62  }
0x38c: {  	v3 =	vld [tilespmem:s2+$0xB10];
	[tilespmem:s25+$0xFFFFFFC0] =	vst v1  }
0x38d: {  	(v2sf) =	vpush v8, $0xD;
	v1 =	vld [tilespmem:s15+$0xB10]  }
0x38e: {  	(v2sf) =	vpush v12, $0xB  }
0x38f: {  	(v2sf) =	vpush v29, $0x8;
	s29 =	spop (v2sf)  }
0x390: {  	[dreg:$0x17] =	wrdreg s29  }
0x391: {  	s1 =	spop (v2sf);
	[tilespmem:s24+$0xFFFFFFD0] =	vst v3  }
0x392: {  	s30 =	spop (v2sf);
	v3 =	vld [tilespmem:s31+$0x600];
	[tilespmem:s25+$0xFFFFFFD0] =	vst v1  }
0x393: {  	v1 =	vld [tilespmem:s30+$0x600];
	_ =	sdelay $0x3  }
0x394: {  	[tilespmem:s24+$0x0] =	vst v3  }
0x395: {  	v3 =	vld [tilespmem:s31+$0x610];
	[tilespmem:s25+$0x0] =	vst v1  }
0x396: {  	(v2sf) =	vpush v6, $0xE;
	v1 =	vld [tilespmem:s30+$0x610]  }
0x397: {  	(v2sf) =	vpush v13, $0xB  }
0x398: {  	(v2sf) =	vpush v17, $0x8  }
0x399: {  	s15 =	spop (v2sf)  }
0x39a: {  	s2 =	spop (v2sf);
	[tilespmem:s24+$0x10] =	vst v3  }
0x39b: {  	s31 =	spop (v2sf);
	v3 =	vld [tilespmem:s19+$0x700];
	[tilespmem:s25+$0x10] =	vst v1  }
0x39c: {  	v1 =	vld [tilespmem:s31+$0x700];
	_ =	sdelay $0x3  }
0x39d: {  	[tilespmem:s24+$0x20] =	vst v3  }
0x39e: {  	v3 =	vld [tilespmem:s19+$0x710];
	[tilespmem:s25+$0x20] =	vst v1  }
0x39f: {  	(v2sf) =	vpush v7, $0xE;
	v1 =	vld [tilespmem:s31+$0x710]  }
0x3a0: {  	(v2sf) =	vpush v14, $0xB  }
0x3a1: {  	(v2sf) =	vpush v15, $0x9  }
0x3a2: {  	s23 =	spop (v2sf)  }
0x3a3: {  	s19 =	spop (v2sf);
	[tilespmem:s24+$0x30] =	vst v3  }
0x3a4: {  	s0 =	spop (v2sf);
	v3 =	vld [tilespmem:s3+$0xB00];
	[tilespmem:s25+$0x30] =	vst v1  }
0x3a5: {  	v1 =	vld [tilespmem:s0+$0xB00];
	_ =	sdelay $0x3  }
0x3a6: {  	[tilespmem:s24+$0x40] =	vst v3  }
0x3a7: {  	v3 =	vld [tilespmem:s3+$0xB10];
	[tilespmem:s25+$0x40] =	vst v1  }
0x3a8: {  	(v2sf) =	vpush v8, $0xE;
	v1 =	vld [tilespmem:s0+$0xB10]  }
0x3a9: {  	(v2sf) =	vpush v12, $0xC  }
0x3aa: {  	(v2sf) =	vpush v29, $0x9  }
0x3ab: {  	s26 =	spop (v2sf)  }
0x3ac: {  	s3 =	spop (v2sf);
	[tilespmem:s24+$0x50] =	vst v3  }
0x3ad: {  	s28 =	spop (v2sf);
	v3 =	vld [tilespmem:s4+$0x600];
	[tilespmem:s25+$0x50] =	vst v1  }
0x3ae: {  	v1 =	vld [tilespmem:s28+$0x600];
	_ =	sdelay $0x3  }
0x3af: {  	[tilespmem:s24+$0x80] =	vst v3  }
0x3b0: {  	v3 =	vld [tilespmem:s4+$0x610];
	[tilespmem:s25+$0x80] =	vst v1  }
0x3b1: {  	(v2sf) =	vpush v6, $0xF;
	v1 =	vld [tilespmem:s28+$0x610]  }
0x3b2: {  	(v2sf) =	vpush v13, $0xC  }
0x3b3: {  	(v2sf) =	vpush v17, $0x9  }
0x3b4: {  	s28 =	spop (v2sf)  }
0x3b5: {  	[tilespmem:s24+$0x90] =	vst v3;
	s4 =	spop (v2sf)  }
0x3b6: {  	v3 =	vld [tilespmem:s5+$0x700];
	s29 =	spop (v2sf);
	[tilespmem:s25+$0x90] =	vst v1  }
0x3b7: {  	v1 =	vld [tilespmem:s29+$0x700];
	_ =	sdelay $0x3  }
0x3b8: {  	[tilespmem:s24+$0xA0] =	vst v3  }
0x3b9: {  	v3 =	vld [tilespmem:s5+$0x710];
	[tilespmem:s25+$0xA0] =	vst v1  }
0x3ba: {  	(v2sf) =	vpush v7, $0xF;
	v1 =	vld [tilespmem:s29+$0x710]  }
0x3bb: {  	(v2sf) =	vpush v14, $0xC  }
0x3bc: {  	(v2sf) =	vpush v15, $0xA  }
0x3bd: {  	s29 =	spop (v2sf)  }
0x3be: {  	[tilespmem:s24+$0xB0] =	vst v3;
	s5 =	spop (v2sf)  }
0x3bf: {  	v3 =	vld [tilespmem:s6+$0xB00];
	s30 =	spop (v2sf);
	[tilespmem:s25+$0xB0] =	vst v1  }
0x3c0: {  	v1 =	vld [tilespmem:s30+$0xB00];
	_ =	sdelay $0x3  }
0x3c1: {  	[tilespmem:s24+$0xC0] =	vst v3  }
0x3c2: {  	v3 =	vld [tilespmem:s6+$0xB10];
	[tilespmem:s25+$0xC0] =	vst v1  }
0x3c3: {  	(v2sf) =	vpush v8, $0xF;
	v1 =	vld [tilespmem:s30+$0xB10]  }
0x3c4: {  	(v2sf) =	vpush v12, $0xD  }
0x3c5: {  	(v2sf) =	vpush v29, $0xA  }
0x3c6: {  	s30 =	spop (v2sf)  }
0x3c7: {  	[tilespmem:s24+$0xD0] =	vst v3;
	s6 =	spop (v2sf)  }
0x3c8: {  	v3 =	vld [tilespmem:s7+$0x600];
	s31 =	spop (v2sf);
	[tilespmem:s25+$0xD0] =	vst v1  }
0x3c9: {  	v1 =	vld [tilespmem:s31+$0x600];
	_ =	sdelay $0x3  }
0x3ca: {  	[tilespmem:s24+$0x100] =	vst v3  }
0x3cb: {  	v3 =	vld [tilespmem:s7+$0x610];
	[tilespmem:s25+$0x100] =	vst v1  }
0x3cc: {  	v1 =	vld [tilespmem:s31+$0x610]  }
0x3cd: {  	(v2sf) =	vpush v13, $0xD  }
0x3ce: {  	(v2sf) =	vpush v17, $0xA  }
0x3cf: {  	s31 =	spop (v2sf)  }
0x3d0: {  	[tilespmem:s24+$0x110] =	vst v3;
	s7 =	spop (v2sf)  }
0x3d1: {  	v3 =	vld [tilespmem:s8+$0x700];
	s0 =	spop (v2sf);
	[tilespmem:s25+$0x110] =	vst v1  }
0x3d2: {  	v1 =	vld [tilespmem:s0+$0x700];
	_ =	sdelay $0x2  }
0x3d3: {  	[tilespmem:s22+$0x120] =	vst v5  }
0x3d4: {  	v63 =	vld [tilespmem:s16+$0x710];
	[tilespmem:s24+$0x120] =	vst v3  }
0x3d5: {  	v3 =	vld [tilespmem:s8+$0x710];
	[tilespmem:s25+$0x120] =	vst v1  }
0x3d6: {  	v1 =	vld [tilespmem:s0+$0x710]  }
0x3d7: {  	(v2sf) =	vpush v14, $0xD  }
0x3d8: {  	(v2sf) =	vpush v15, $0xB  }
0x3d9: {  	[tilespmem:s22+$0x130] =	vst v63  }
0x3da: {  	v4 =	vld [tilespmem:s9+$0xB00];
	s16 =	spop (v2sf);
	[tilespmem:s24+$0x130] =	vst v3  }
0x3db: {  	s8 =	spop (v2sf);
	v3 =	vld [tilespmem:s1+$0xB00];
	[tilespmem:s25+$0x130] =	vst v1  }
0x3dc: {  	v1 =	vld [tilespmem:s8+$0xB00];
	_ =	sdelay $0x2  }
0x3dd: {  	[tilespmem:s22+$0x140] =	vst v4  }
0x3de: {  	v4 =	vld [tilespmem:s9+$0xB10];
	[tilespmem:s24+$0x140] =	vst v3  }
0x3df: {  	v3 =	vld [tilespmem:s1+$0xB10];
	[tilespmem:s25+$0x140] =	vst v1  }
0x3e0: {  	v1 =	vld [tilespmem:s8+$0xB10]  }
0x3e1: {  	(v2sf) =	vpush v12, $0xE  }
0x3e2: {  	(v2sf) =	vpush v29, $0xB  }
0x3e3: {  	[tilespmem:s22+$0x150] =	vst v4  }
0x3e4: {  	v4 =	vld [tilespmem:s10+$0x600];
	s0 =	spop (v2sf);
	[tilespmem:s24+$0x150] =	vst v3  }
0x3e5: {  	s9 =	spop (v2sf);
	v3 =	vld [tilespmem:s2+$0x600];
	[tilespmem:s25+$0x150] =	vst v1  }
0x3e6: {  	v1 =	vld [tilespmem:s9+$0x600];
	_ =	sdelay $0x2  }
0x3e7: {  	[tilespmem:s22+$0x180] =	vst v4  }
0x3e8: {  	v4 =	vld [tilespmem:s10+$0x610];
	[tilespmem:s24+$0x180] =	vst v3  }
0x3e9: {  	v3 =	vld [tilespmem:s2+$0x610];
	[tilespmem:s25+$0x180] =	vst v1  }
0x3ea: {  	v1 =	vld [tilespmem:s9+$0x610]  }
0x3eb: {  	(v2sf) =	vpush v13, $0xE  }
0x3ec: {  	(v2sf) =	vpush v17, $0xB  }
0x3ed: {  	[tilespmem:s22+$0x190] =	vst v4  }
0x3ee: {  	v4 =	vld [tilespmem:s18+$0x700];
	s2 =	spop (v2sf);
	[tilespmem:s24+$0x190] =	vst v3  }
0x3ef: {  	s10 =	spop (v2sf);
	v3 =	vld [tilespmem:s19+$0x700];
	[tilespmem:s25+$0x190] =	vst v1  }
0x3f0: {  	v1 =	vld [tilespmem:s10+$0x700];
	_ =	sdelay $0x2  }
0x3f1: {  	[tilespmem:s22+$0x1A0] =	vst v4  }
0x3f2: {  	v4 =	vld [tilespmem:s18+$0x710];
	[tilespmem:s24+$0x1A0] =	vst v3  }
0x3f3: {  	v3 =	vld [tilespmem:s19+$0x710];
	[tilespmem:s25+$0x1A0] =	vst v1  }
0x3f4: {  	v1 =	vld [tilespmem:s10+$0x710]  }
0x3f5: {  	(v2sf) =	vpush v14, $0xE  }
0x3f6: {  	(v2sf) =	vpush v15, $0xC  }
0x3f7: {  	[tilespmem:s22+$0x1B0] =	vst v4  }
0x3f8: {  	v4 =	vld [tilespmem:s11+$0xB00];
	s18 =	spop (v2sf);
	[tilespmem:s24+$0x1B0] =	vst v3  }
0x3f9: {  	s19 =	spop (v2sf);
	v3 =	vld [tilespmem:s3+$0xB00];
	[tilespmem:s25+$0x1B0] =	vst v1  }
0x3fa: {  	v1 =	vld [tilespmem:s19+$0xB00];
	_ =	sdelay $0x2  }
0x3fb: {  	[tilespmem:s22+$0x1C0] =	vst v4  }
0x3fc: {  	v4 =	vld [tilespmem:s11+$0xB10];
	[tilespmem:s24+$0x1C0] =	vst v3  }
0x3fd: {  	v3 =	vld [tilespmem:s3+$0xB10];
	[tilespmem:s25+$0x1C0] =	vst v1  }
0x3fe: {  	v1 =	vld [tilespmem:s19+$0xB10]  }
0x3ff: {  	(v2sf) =	vpush v12, $0xF  }
0x400: {  	(v2sf) =	vpush v29, $0xC  }
0x401: {  	[tilespmem:s22+$0x1D0] =	vst v4  }
0x402: {  	v4 =	vld [tilespmem:s12+$0x600];
	s10 =	spop (v2sf);
	[tilespmem:s24+$0x1D0] =	vst v3  }
0x403: {  	s3 =	spop (v2sf);
	v3 =	vld [tilespmem:s4+$0x600];
	[tilespmem:s25+$0x1D0] =	vst v1  }
0x404: {  	v1 =	vld [tilespmem:s3+$0x600];
	_ =	sdelay $0x2  }
0x405: {  	[tilespmem:s22+$0x200] =	vst v4  }
0x406: {  	v4 =	vld [tilespmem:s12+$0x610];
	[tilespmem:s24+$0x200] =	vst v3  }
0x407: {  	v3 =	vld [tilespmem:s4+$0x610];
	[tilespmem:s25+$0x200] =	vst v1  }
0x408: {  	v1 =	vld [tilespmem:s3+$0x610]  }
0x409: {  	(v2sf) =	vpush v13, $0xF  }
0x40a: {  	(v2sf) =	vpush v17, $0xC  }
0x40b: {  	[tilespmem:s22+$0x210] =	vst v4  }
0x40c: {  	v4 =	vld [tilespmem:s13+$0x700];
	s9 =	spop (v2sf);
	[tilespmem:s24+$0x210] =	vst v3  }
0x40d: {  	s8 =	spop (v2sf);
	v3 =	vld [tilespmem:s5+$0x700];
	[tilespmem:s25+$0x210] =	vst v1  }
0x40e: {  	v1 =	vld [tilespmem:s8+$0x700];
	_ =	sdelay $0x2  }
0x40f: {  	[tilespmem:s22+$0x220] =	vst v4  }
0x410: {  	v4 =	vld [tilespmem:s13+$0x710];
	[tilespmem:s24+$0x220] =	vst v3  }
0x411: {  	v3 =	vld [tilespmem:s5+$0x710];
	[tilespmem:s25+$0x220] =	vst v1  }
0x412: {  	v1 =	vld [tilespmem:s8+$0x710]  }
0x413: {  	(v2sf) =	vpush v14, $0xF  }
0x414: {  	(v2sf) =	vpush v15, $0xD  }
0x415: {  	[tilespmem:s22+$0x230] =	vst v4  }
0x416: {  	v4 =	vld [tilespmem:s14+$0xB00];
	s8 =	spop (v2sf);
	[tilespmem:s24+$0x230] =	vst v3  }
0x417: {  	s11 =	spop (v2sf);
	v3 =	vld [tilespmem:s6+$0xB00];
	[tilespmem:s25+$0x230] =	vst v1  }
0x418: {  	v1 =	vld [tilespmem:s11+$0xB00];
	_ =	sdelay $0x2  }
0x419: {  	[tilespmem:s22+$0x240] =	vst v4  }
0x41a: {  	v4 =	vld [tilespmem:s14+$0xB10];
	[tilespmem:s24+$0x240] =	vst v3  }
0x41b: {  	v3 =	vld [tilespmem:s6+$0xB10];
	[tilespmem:s25+$0x240] =	vst v1  }
0x41c: {  	v1 =	vld [tilespmem:s11+$0xB10];
	_ =	sdelay $0x1  }
0x41d: {  	[tilespmem:s21+$0x280] =	vst v57  }
0x41e: {  	[tilespmem:s22+$0x250] =	vst v4;
	(v2sf) =	vpush v29, $0xD  }
0x41f: {  	v4 =	vld [tilespmem:s17+$0x600];
	s1 =	spop (v2sf);
	[tilespmem:s24+$0x250] =	vst v3  }
0x420: {  	s12 =	spop (v2sf);
	v3 =	vld [tilespmem:s7+$0x600];
	[tilespmem:s25+$0x250] =	vst v1  }
0x421: {  	v1 =	vld [tilespmem:s12+$0x600];
	s13 =	rddreg [dreg:$0x14]  }
0x422: {  	v2 =	vld [tilespmem:s13+$0x610];
	_ =	sdelay $0x1  }
0x423: {  	[tilespmem:s22+$0x280] =	vst v4  }
0x424: {  	v4 =	vld [tilespmem:s17+$0x610];
	[tilespmem:s24+$0x280] =	vst v3  }
0x425: {  	[tilespmem:s25+$0x280] =	vst v1  }
0x426: {  	v3 =	vld [tilespmem:s7+$0x610];
	[tilespmem:s21+$0x290] =	vst v2  }
0x427: {  	v1 =	vld [tilespmem:s12+$0x610];
	s14 =	rddreg [dreg:$0x16]  }
0x428: {  	v2 =	vld [tilespmem:s14+$0x700]  }
0x429: {  	[tilespmem:s22+$0x290] =	vst v4  }
0x42a: {  	(v2sf) =	vpush v17, $0xD;
	s17 =	rddreg [dreg:$0x17]  }
0x42b: {  	[tilespmem:s24+$0x290] =	vst v3;
	v4 =	vld [tilespmem:s17+$0x700]  }
0x42c: {  	s19 =	spop (v2sf);
	v3 =	vld [tilespmem:s16+$0x700];
	[tilespmem:s25+$0x290] =	vst v1  }
0x42d: {  	v1 =	vld [tilespmem:s19+$0x700];
	[tilespmem:s21+$0x2A0] =	vst v2  }
0x42e: {  	v2 =	vld [tilespmem:s14+$0x710];
	_ =	sdelay $0x1  }
0x42f: {  	[tilespmem:s22+$0x2A0] =	vst v4  }
0x430: {  	[tilespmem:s24+$0x2A0] =	vst v3  }
0x431: {  	v4 =	vld [tilespmem:s17+$0x710];
	[tilespmem:s25+$0x2A0] =	vst v1  }
0x432: {  	v3 =	vld [tilespmem:s16+$0x710];
	[tilespmem:s21+$0x2B0] =	vst v2  }
0x433: {  	v1 =	vld [tilespmem:s19+$0x710];
	s3 =	rddreg [dreg:$0x15]  }
0x434: {  	v2 =	vld [tilespmem:s3+$0xB00];
	_ =	sdelay $0x1  }
0x435: {  	(v2sf) =	vpush v15, $0xE;
	[tilespmem:s22+$0x2B0] =	vst v4  }
0x436: {  	[tilespmem:s24+$0x2B0] =	vst v3;
	v4 =	vld [tilespmem:s15+$0xB00]  }
0x437: {  	s5 =	spop (v2sf);
	v3 =	vld [tilespmem:s0+$0xB00];
	[tilespmem:s25+$0x2B0] =	vst v1  }
0x438: {  	v1 =	vld [tilespmem:s5+$0xB00];
	[tilespmem:s21+$0x2C0] =	vst v2  }
0x439: {  	v2 =	vld [tilespmem:s3+$0xB10];
	_ =	sdelay $0x1  }
0x43a: {  	[tilespmem:s22+$0x2C0] =	vst v4  }
0x43b: {  	[tilespmem:s24+$0x2C0] =	vst v3  }
0x43c: {  	v4 =	vld [tilespmem:s15+$0xB10];
	[tilespmem:s25+$0x2C0] =	vst v1  }
0x43d: {  	v3 =	vld [tilespmem:s0+$0xB10];
	[tilespmem:s21+$0x2D0] =	vst v2  }
0x43e: {  	v1 =	vld [tilespmem:s5+$0xB10];
	s6 =	rddreg [dreg:$0x13]  }
0x43f: {  	v2 =	vld [tilespmem:s6+$0x600];
	_ =	sdelay $0x1  }
0x440: {  	(v2sf) =	vpush v29, $0xE;
	[tilespmem:s22+$0x2D0] =	vst v4  }
0x441: {  	[tilespmem:s24+$0x2D0] =	vst v3;
	v4 =	vld [tilespmem:s23+$0x600]  }
0x442: {  	s7 =	spop (v2sf);
	v3 =	vld [tilespmem:s2+$0x600];
	[tilespmem:s25+$0x2D0] =	vst v1  }
0x443: {  	v1 =	vld [tilespmem:s7+$0x600];
	[tilespmem:s21+$0x300] =	vst v2  }
0x444: {  	v2 =	vld [tilespmem:s6+$0x610];
	_ =	sdelay $0x1  }
0x445: {  	[tilespmem:s22+$0x300] =	vst v4  }
0x446: {  	[tilespmem:s24+$0x300] =	vst v3  }
0x447: {  	v4 =	vld [tilespmem:s23+$0x610];
	[tilespmem:s25+$0x300] =	vst v1  }
0x448: {  	v3 =	vld [tilespmem:s2+$0x610];
	[tilespmem:s21+$0x310] =	vst v2  }
0x449: {  	v1 =	vld [tilespmem:s7+$0x610];
	s11 =	rddreg [dreg:$0x12]  }
0x44a: {  	v2 =	vld [tilespmem:s11+$0x700];
	_ =	sdelay $0x1  }
0x44b: {  	(v2sf) =	vpush v17, $0xE;
	[tilespmem:s22+$0x310] =	vst v4  }
0x44c: {  	[tilespmem:s24+$0x310] =	vst v3;
	v4 =	vld [tilespmem:s26+$0x700]  }
0x44d: {  	s12 =	spop (v2sf);
	v3 =	vld [tilespmem:s18+$0x700];
	[tilespmem:s25+$0x310] =	vst v1  }
0x44e: {  	v1 =	vld [tilespmem:s12+$0x700];
	[tilespmem:s21+$0x320] =	vst v2  }
0x44f: {  	v2 =	vld [tilespmem:s11+$0x710];
	_ =	sdelay $0x1  }
0x450: {  	[tilespmem:s22+$0x320] =	vst v4  }
0x451: {  	[tilespmem:s24+$0x320] =	vst v3  }
0x452: {  	v4 =	vld [tilespmem:s26+$0x710];
	[tilespmem:s25+$0x320] =	vst v1  }
0x453: {  	v3 =	vld [tilespmem:s18+$0x710];
	[tilespmem:s21+$0x330] =	vst v2  }
0x454: {  	v1 =	vld [tilespmem:s12+$0x710];
	s13 =	rddreg [dreg:$0x11]  }
0x455: {  	v2 =	vld [tilespmem:s13+$0xB00];
	_ =	sdelay $0x1  }
0x456: {  	(v2sf) =	vpush v15, $0xF;
	[tilespmem:s22+$0x330] =	vst v4  }
0x457: {  	[tilespmem:s24+$0x330] =	vst v3;
	v4 =	vld [tilespmem:s28+$0xB00]  }
0x458: {  	s14 =	spop (v2sf);
	[tilespmem:s25+$0x330] =	vst v1;
	v3 =	vld [tilespmem:s10+$0xB00]  }
0x459: {  	v1 =	vld [tilespmem:s14+$0xB00];
	[tilespmem:s21+$0x340] =	vst v2  }
0x45a: {  	v2 =	vld [tilespmem:s13+$0xB10];
	_ =	sdelay $0x1  }
0x45b: {  	[tilespmem:s22+$0x340] =	vst v4  }
0x45c: {  	[tilespmem:s24+$0x340] =	vst v3  }
0x45d: {  	[tilespmem:s25+$0x340] =	vst v1;
	v4 =	vld [tilespmem:s28+$0xB10]  }
0x45e: {  	v3 =	vld [tilespmem:s10+$0xB10];
	[tilespmem:s21+$0x350] =	vst v2  }
0x45f: {  	v1 =	vld [tilespmem:s14+$0xB10];
	s15 =	rddreg [dreg:$0x10]  }
0x460: {  	v2 =	vld [tilespmem:s15+$0x600]  }
0x461: {  	(v2sf) =	vpush v29, $0xF  }
0x462: {  	[tilespmem:s22+$0x350] =	vst v4  }
0x463: {  	[tilespmem:s24+$0x350] =	vst v3;
	v4 =	vld [tilespmem:s29+$0x600]  }
0x464: {  	s16 =	spop (v2sf);
	[tilespmem:s25+$0x350] =	vst v1;
	v3 =	vld [tilespmem:s9+$0x600]  }
0x465: {  	v1 =	vld [tilespmem:s16+$0x600];
	[tilespmem:s21+$0x380] =	vst v2  }
0x466: {  	v2 =	vld [tilespmem:s15+$0x610];
	_ =	sdelay $0x1  }
0x467: {  	[tilespmem:s22+$0x380] =	vst v4  }
0x468: {  	[tilespmem:s24+$0x380] =	vst v3;
	v4 =	vld [tilespmem:s29+$0x610]  }
0x469: {  	[tilespmem:s25+$0x380] =	vst v1;
	v3 =	vld [tilespmem:s9+$0x610]  }
0x46a: {  	v1 =	vld [tilespmem:s16+$0x610];
	[tilespmem:s21+$0x390] =	vst v2  }
0x46b: {  	s17 =	rddreg [dreg:$0xf]  }
0x46c: {  	(v2sf) =	vpush v17, $0xF;
	v2 =	vld [tilespmem:s17+$0x700]  }
0x46d: {  	[tilespmem:s22+$0x390] =	vst v4  }
0x46e: {  	[tilespmem:s24+$0x390] =	vst v3;
	v4 =	vld [tilespmem:s30+$0x700]  }
0x46f: {  	s18 =	spop (v2sf);
	[tilespmem:s25+$0x390] =	vst v1;
	v3 =	vld [tilespmem:s8+$0x700]  }
0x470: {  	v1 =	vld [tilespmem:s18+$0x700]  }
0x471: {  	[tilespmem:s21+$0x3A0] =	vst v2  }
0x472: {  	v2 =	vld [tilespmem:s17+$0x710]  }
0x473: {  	[tilespmem:s22+$0x3A0] =	vst v4  }
0x474: {  	[tilespmem:s24+$0x3A0] =	vst v3;
	v4 =	vld [tilespmem:s30+$0x710]  }
0x475: {  	[tilespmem:s25+$0x3A0] =	vst v1;
	v3 =	vld [tilespmem:s8+$0x710]  }
0x476: {  	v1 =	vld [tilespmem:s18+$0x710]  }
0x477: {  	[tilespmem:s21+$0x3B0] =	vst v2  }
0x478: {  	s19 =	rddreg [dreg:$0xe]  }
0x479: {  	[tilespmem:s22+$0x3B0] =	vst v4;
	v2 =	vld [tilespmem:s19+$0xB00]  }
0x47a: {  	[tilespmem:s24+$0x3B0] =	vst v3;
	v4 =	vld [tilespmem:s31+$0xB00]  }
0x47b: {  	s23 =	spop (v2sf);
	[tilespmem:s25+$0x3B0] =	vst v1;
	v3 =	vld [tilespmem:s1+$0xB00]  }
0x47c: {  	v1 =	vld [tilespmem:s23+$0xB00];
	_ =	sdelay $0x1  }
0x47d: {  	[tilespmem:s21+$0x3C0] =	vst v2  }
0x47e: {  	[tilespmem:s22+$0x3C0] =	vst v4;
	v2 =	vld [tilespmem:s19+$0xB10]  }
0x47f: {  	[tilespmem:s24+$0x3C0] =	vst v3;
	v4 =	vld [tilespmem:s31+$0xB10]  }
0x480: {  	[tilespmem:s25+$0x3C0] =	vst v1;
	v3 =	vld [tilespmem:s1+$0xB10]  }
0x481: {  	v1 =	vld [tilespmem:s23+$0xB10]  }
0x482: {  	[tilespmem:s20+$0x3D0] =	vst v59  }
0x483: {  	[tilespmem:s21+$0x3D0] =	vst v2  }
0x484: {  	[tilespmem:s22+$0x3D0] =	vst v4  }
0x485: {  	[tilespmem:s24+$0x3D0] =	vst v3  }
0x486: {  	s7 =	simm.s32 $0x0;
	[tilespmem:s25+$0x3D0] =	vst v1  }
0x487: {  	s28 =	simm.s32 $0x1700;
	s29 =	simm.s32 $0x2;
	s26 =	rddreg [dreg:$0xb]  }
0x488: {  	[hbm4b:s26+s7] =	stream.linear.scatter [tilespmem:s28], [sflag:$0x2], $0x10000, $0x38;
	[tilespmem:$0x11700] =	vst v63  }
0x489: {  	_ =	swait.ge [sflag:s29], $0x10000  }
0x48a: {  	s30 =	rddreg [dreg:$0xd]  }
0x48b: {  	s31 =	rddreg [dreg:$0xc];
	s2 =	sadd.s32 $0x1, s30  }
0x48c: {  	p0 =	sne.s32 s2, s31  }
.Ltmp1:
0x48d: {  	_ = 	snop;
	(pc) =	sbr.rel @p0 .LBB2_1-.Ltmp1, $3  }
0x48e: {  	_ =	sdelay $0x1  }
0x48f: {  	[sflag:s29] =	ssyncset.done $0x0  }
0x490: {  	[sflag:s29] =	ssyncadd.s32 $0xFFFF0000  }
0x491: {  	_ =	sfence.sel $0x180000  }
0x492: {  	[bflag:$0x0] =	sbarrier.arrive $0xFFFF  }
0x493: {  	_ =	strace $0x90000047  }
0x494: {  	s0 =	stileid.u32;
	[bflag:$0x2] =	sbarrier.arrive $0xFFFF  }
0x495: {  	p0 =	sne.s32 s0, $0x0;
	s0 =	rddreg [dreg:$0x7]  }
0x496: {  	s0 =	sadd.s32 @!p0 $0x100000, s0  }
0x497: {  	[sflag:s0] =	ssyncadd.tile.s32 @!p0 $0x1;
	_ =	shalt  }
.Lfunc_end2:
_tile_overlayer_lowered:
.L_overlay_start_2:
0x498: {  	(tag) =	ssettag $0x2  }
0x499: {  	s0 =	rddreg [dreg:$0x0];
	s2 =	stileid.u32  }
0x49a: {  	s1 =	rddreg [dreg:$0x1];
	p0 =	sne.s32 s2, $0x0  }
0x49b: {  	s3 =	rddreg [dreg:$0x2];
	[bflag:$0x3] =	sbarrier.arrive $0xFFFF;
	s2 =	simm.s32 @!p0 $0x1C03  }
0x49c: {  	[timem:s3], [sflag:s2] =	dma.local @!p0 [hbm:s0], s1  }
0x49d: {  	s0 =	simm.s32 @!p0 $0x3  }
0x49e: {  	_ =	swait.ge @!p0 [sflag:s0], s1  }
0x49f: {  	s1 =	ssub.s32 @!p0 $0x0, s1;
	[sflag:s0] =	ssyncset.done @!p0 $0x0  }
0x4a0: {  	[sflag:s0] =	ssyncadd.s32 @!p0 s1  }
0x4a1: {  	[bflag:$0x3] =	sbarrier.arrive $0xFFFF  }
0x4a2: {  	_ =	shalt  }

</sc_bundles>
